<compile_context>
chip_gen: v7x
topology: tpu7x:2x2x1
jax: 0.10.2.dev20260603
libtpu: 0.0.44.dev20260713+nightly
codegen_flags: <defaults>
</compile_context>

<pallas_src>
import functools

import jax
import jax.numpy as jnp
from jax import lax
from jax.experimental import pallas as pl
from jax.experimental.pallas import tpu as pltpu
from jax.experimental.pallas import tpu_sc as plsc

_M = 32768
_D = 4096
_E = 64
_K = 8

_BM = 512
_CHUNKS = (8192, 8192, 8192, 4096, 2048, 2048)

_NC = 2
_NS = 16
_NW = _NC * _NS
_L = 16


def _matmul_body(x_ref, wt_ref, b_ref, out_ref):
    out_ref[...] = (
        jnp.dot(x_ref[...], wt_ref[...], preferred_element_type=jnp.float32)
        + b_ref[...]
    )


@functools.cache
def _logits_tc(row0, rows):
    blk0 = row0 // _BM
    return pl.pallas_call(
        _matmul_body,
        grid=(rows // _BM,),
        in_specs=[
            pl.BlockSpec((_BM, _D), lambda i: (blk0 + i, 0)),
            pl.BlockSpec((_D, _E), lambda i: (0, 0)),
            pl.BlockSpec((1, _E), lambda i: (0, 0)),
        ],
        out_specs=pl.BlockSpec((_BM, _E), lambda i: (i, 0)),
        out_shape=jax.ShapeDtypeStruct((rows, _E), jnp.float32),
    )


@functools.cache
def _topk_sc(rows):
    rpw = rows // _NW
    ngrp = rpw // _L

    def body(off_hbm, logits_hbm, idx_hbm, w_hbm, buf, sidx, sw, offv):
        wid = lax.axis_index("s") * _NC + lax.axis_index("c")
        base = wid * rpw
        pltpu.sync_copy(off_hbm, offv)
        row0s = jnp.max(offv[...], axis=0)
        pltpu.sync_copy(logits_hbm.at[pl.ds(base, rpw), :], buf)
        lane = lax.iota(jnp.int32, _L)

        def group_body(g, carry):
            rows16 = g * _L + lane
            neg = jnp.full((_L,), -jnp.inf, jnp.float32)
            zero_i = jnp.zeros((_L,), jnp.int32)

            def expert_body(e, tk):
                tv, ti = tk
                v = plsc.load_gather(buf, [rows16, jnp.full((_L,), e, jnp.int32)])
                iv = jnp.full((_L,), e, jnp.int32)
                gt = [v > tv[j] for j in range(_K)]
                ntv = [jnp.where(gt[0], v, tv[0])]
                nti = [jnp.where(gt[0], iv, ti[0])]
                for j in range(1, _K):
                    ntv.append(
                        jnp.where(gt[j], jnp.where(gt[j - 1], tv[j - 1], v), tv[j])
                    )
                    nti.append(
                        jnp.where(gt[j], jnp.where(gt[j - 1], ti[j - 1], iv), ti[j])
                    )
                return tuple(ntv), tuple(nti)

            tv, ti = lax.fori_loop(
                0, _E, expert_body,
                (tuple([neg] * _K), tuple([zero_i] * _K)),
            )
            es = [jnp.exp(t - tv[0]) for t in tv]
            tot = es[0]
            for j in range(1, _K):
                tot = tot + es[j]
            inv = 1.0 / tot
            for j in range(_K):
                jv = jnp.full((_L,), j, jnp.int32)
                plsc.store_scatter(sw, [rows16, jv], es[j] * inv)
                plsc.store_scatter(sidx, [rows16, jv], ti[j])
            return carry

        lax.fori_loop(0, ngrp, group_body, 0)
        gb = pl.multiple_of(row0s + base, 32)
        pltpu.sync_copy(sidx, idx_hbm.at[pl.ds(gb, rpw), :])
        pltpu.sync_copy(sw, w_hbm.at[pl.ds(gb, rpw), :])

    return pl.kernel(
        body,
        mesh=plsc.VectorSubcoreMesh(core_axis_name="c", subcore_axis_name="s"),
        compiler_params=pltpu.CompilerParams(needs_layout_passes=False),
        out_type=(),
        scratch_types=[
            pltpu.VMEM((rpw, _E), jnp.float32),
            pltpu.VMEM((rpw, _K), jnp.int32),
            pltpu.VMEM((rpw, _K), jnp.float32),
            pltpu.VMEM((_L,), jnp.int32),
        ],
    )


def kernel(x, W, b):
    wt = W.T
    b2 = b.reshape(1, _E)
    idx_ref = pl.empty_ref_like(pltpu.HBM((_M, _K), jnp.int32))
    w_ref = pl.empty_ref_like(pltpu.HBM((_M, _K), jnp.float32))
    row0 = 0
    for rows in _CHUNKS:
        logits2d = _logits_tc(row0, rows)(x, wt, b2)
        off = jnp.full((_L,), row0, jnp.int32)
        _topk_sc(rows)(off, logits2d, idx_ref, w_ref)
        row0 += rows
    return idx_ref[...], w_ref[...]

# --- scband reference (transcript-rebuilt; emitter-appended) ---
"""Pipeline reference for scband-top-gate-29712583753913 (READ-ONLY COPY).

The authoritative reference and input builder live on the scoring server;
editing this copy changes nothing except your own understanding.
"""

import jax, jax.numpy as jnp
import numpy as np

NUM_EXPERTS = 64
TOP_K = 8

def setup_inputs(seed: int = 0) -> dict:
    key = jax.random.key(seed)
    k1, k2, k3 = jax.random.split(key, 3)
    x = jax.random.normal(k1, (32768, 4096), dtype=jnp.float32)
    # nn.Linear(input_dim, num_experts): weight [num_experts, input_dim], bias [num_experts]
    W = jax.random.normal(k2, (NUM_EXPERTS, 4096), dtype=jnp.float32) * 0.02
    b = jax.random.normal(k3, (NUM_EXPERTS,), dtype=jnp.float32) * 0.02
    return {"x": x, "W": W, "b": b}

def reference(x, W, b):
    # logits = self.w_gate(x)
    logits = x @ W.T + b
    # noise_std = 0.0 -> no noise branch taken
    topk_scores, topk_idx = jax.lax.top_k(logits, TOP_K)
    # num_gate = 8 > 1 -> softmax over top-k scores
    topk_weights = jax.nn.softmax(topk_scores, axis=-1)
    return (topk_idx, topk_weights)

if __name__ == "__main__":
    import jax
    _d = setup_inputs()
    print(jax.jit(kernel)(*tuple(_d.values())))

</pallas_src>

<mosaic_0001>
#map = affine_map<(d0, d1) -> (0)>
#map1 = affine_map<(d0, d1) -> (0, 0)>
module attributes {stable_mosaic.version = 14 : i64} {
  func.func @new_body(%arg0: i32, %arg1: i32, %arg2: memref<16xi32, #tpu.memory_space<hbm>>, %arg3: memref<8192x64xf32, #tpu.memory_space<hbm>>, %arg4: memref<32768x8xi32, #tpu.memory_space<hbm>>, %arg5: memref<32768x8xf32, #tpu.memory_space<hbm>>, %arg6: memref<32768x8xi32, #tpu.memory_space<hbm>>, %arg7: memref<32768x8xf32, #tpu.memory_space<hbm>>, %arg8: memref<256x64xf32, #tpu.memory_space<vmem>>, %arg9: memref<256x8xi32, #tpu.memory_space<vmem>>, %arg10: memref<256x8xf32, #tpu.memory_space<vmem>>, %arg11: memref<16xi32, #tpu.memory_space<vmem>>) attributes {dimension_semantics = [#tpu.dimension_semantics<core_parallel>, #tpu.dimension_semantics<subcore_parallel>], iteration_bounds = array<i64: 2, 16>, scalar_prefetch = 0 : i64, scratch_operands = 4 : i64, tpu.core_type = #tpu.core_type<sc_vector_subcore>, window_params = [{transform_indices = #map}, {transform_indices = #map1}, {transform_indices = #map1}, {transform_indices = #map1}, {transform_indices = #map1}, {transform_indices = #map1}]} {
    %mul3A = arith.constant 2 : i32
    %mul3A_0 = arith.muli %arg1, %mul3A : i32
    %add3A = arith.addi %mul3A_0, %arg0 : i32
    %mul3A_1 = arith.constant 256 : i32
    %mul3A_2 = arith.muli %add3A, %mul3A_1 : i32
    "tpu.region"() ({
      %run_scoped3A = tpu.sem_alloc : memref<!tpu.dma_semaphore, #tpu.memory_space<semaphore_mem>>
      tpu.enqueue_dma source(%arg2 : memref<16xi32, #tpu.memory_space<hbm>>) target(%arg11 : memref<16xi32, #tpu.memory_space<vmem>>) target_semaphore(%run_scoped3A : memref<!tpu.dma_semaphore, #tpu.memory_space<semaphore_mem>>)
      tpu.wait_dma2 semaphore(%run_scoped3A : memref<!tpu.dma_semaphore, #tpu.memory_space<semaphore_mem>>) src(%arg2 : memref<16xi32, #tpu.memory_space<hbm>>) dst(%arg11 : memref<16xi32, #tpu.memory_space<vmem>>)
      tpu.yield
    }) : () -> ()
    %get3A = arith.constant 0 : index
    %get3A_3 = tpu.vector_load %arg11[%get3A] {strides = array<i32>} : memref<16xi32, #tpu.memory_space<vmem>>, vector<16xi32>,
    %reduce_max3A = arith.constant true
    %reduce_max3A_4 = vector.broadcast %reduce_max3A : i1 to vector<16xi1>
    %reduce_max3A_5 = arith.constant -2147483648 : i32
    %reduce_max3A_6 = vector.broadcast %reduce_max3A_5 : i32 to vector<16xi32>
    %reduce_max3A_7 = arith.xori %get3A_3, %reduce_max3A_6 : vector<16xi32>
    %reduce_max3A_8 = tpu.scan <max>, %reduce_max3A_7 masked %reduce_max3A_4 : vector<16xi32>, vector<16xi1> -> vector<16xi32>
    %reduce_max3A_9 = arith.xori %reduce_max3A_8, %reduce_max3A_6 : vector<16xi32>
    %reduce_max3A_10 = vector.extract %reduce_max3A_9[15] : i32 from vector<16xi32>
    "tpu.region"() ({
      %run_scoped3A = tpu.sem_alloc : memref<!tpu.dma_semaphore, #tpu.memory_space<semaphore_mem>>
      %dma_start3A = arith.constant 0 : i32
      %dma_start3A_17 = tpu.memref_slice %arg3[%mul3A_2, %dma_start3A] : memref<8192x64xf32, #tpu.memory_space<hbm>> -> memref<256x64xf32, #tpu.memory_space<hbm>>
      %dma_start3A_18 = arith.constant 0 : i32
      %dma_start3A_19 = tpu.memref_slice %arg3[%mul3A_2, %dma_start3A_18] : memref<8192x64xf32, #tpu.memory_space<hbm>> -> memref<256x64xf32, #tpu.memory_space<hbm>>
      tpu.enqueue_dma source(%dma_start3A_19 : memref<256x64xf32, #tpu.memory_space<hbm>>) target(%arg8 : memref<256x64xf32, #tpu.memory_space<vmem>>) target_semaphore(%run_scoped3A : memref<!tpu.dma_semaphore, #tpu.memory_space<semaphore_mem>>)
      %dma_wait3A = arith.constant 0 : i32
      %dma_wait3A_20 = tpu.memref_slice %arg3[%mul3A_2, %dma_wait3A] : memref<8192x64xf32, #tpu.memory_space<hbm>> -> memref<256x64xf32, #tpu.memory_space<hbm>>
      %dma_wait3A_21 = arith.constant 0 : i32
      %dma_wait3A_22 = tpu.memref_slice %arg3[%mul3A_2, %dma_wait3A_21] : memref<8192x64xf32, #tpu.memory_space<hbm>> -> memref<256x64xf32, #tpu.memory_space<hbm>>
      tpu.wait_dma2 semaphore(%run_scoped3A : memref<!tpu.dma_semaphore, #tpu.memory_space<semaphore_mem>>) src(%dma_wait3A_22 : memref<256x64xf32, #tpu.memory_space<hbm>>) dst(%arg8 : memref<256x64xf32, #tpu.memory_space<vmem>>)
      tpu.yield
    }) : () -> ()
    %iota3A = tpu.iota {dimensions = array<i32: 0>} : vector<16xi32>
    %scan3A = arith.constant 0 : i32
    %scan3A_11 = arith.constant 0 : i32
    %scan3A_12 = arith.constant 16 : i32
    %scan3A_13 = arith.addi %scan3A_11, %scan3A_12 : i32
    %scan3A_14 = arith.constant 1 : i32
    scf.for %scan3A_17 = %scan3A_11 to %scan3A_13 step %scan3A_14  : i32 {
      %mul3A_18 = arith.constant 16 : i32
      %mul3A_19 = arith.muli %scan3A_17, %mul3A_18 : i32
      %add3A_20 = vector.broadcast %mul3A_19 : i32 to vector<16xi32>
      %add3A_21 = arith.addi %add3A_20, %iota3A : vector<16xi32>
      %broadcast_in_dim3A = arith.constant 0xFF800000 : f32
      %broadcast_in_dim3A_22 = vector.broadcast %broadcast_in_dim3A : f32 to vector<16xf32>
      %broadcast_in_dim3A_23 = arith.constant 0 : i32
      %broadcast_in_dim3A_24 = vector.broadcast %broadcast_in_dim3A_23 : i32 to vector<16xi32>
      %scan3A_25 = arith.constant 0 : i32
      %scan3A_26 = arith.constant 64 : i32
      %scan3A_27 = arith.addi %scan3A_25, %scan3A_26 : i32
      %scan3A_28 = arith.constant 1 : i32
      %scan3A_29:16 = scf.for %scan3A_78 = %scan3A_25 to %scan3A_27 step %scan3A_28 iter_args(%scan3A_79 = %broadcast_in_dim3A_22, %scan3A_80 = %broadcast_in_dim3A_22, %scan3A_81 = %broadcast_in_dim3A_22, %scan3A_82 = %broadcast_in_dim3A_22, %scan3A_83 = %broadcast_in_dim3A_22, %scan3A_84 = %broadcast_in_dim3A_22, %scan3A_85 = %broadcast_in_dim3A_22, %scan3A_86 = %broadcast_in_dim3A_22, %scan3A_87 = %broadcast_in_dim3A_24, %scan3A_88 = %broadcast_in_dim3A_24, %scan3A_89 = %broadcast_in_dim3A_24, %scan3A_90 = %broadcast_in_dim3A_24, %scan3A_91 = %broadcast_in_dim3A_24, %scan3A_92 = %broadcast_in_dim3A_24, %scan3A_93 = %broadcast_in_dim3A_24, %scan3A_94 = %broadcast_in_dim3A_24) -> (vector<16xf32>, vector<16xf32>, vector<16xf32>, vector<16xf32>, vector<16xf32>, vector<16xf32>, vector<16xf32>, vector<16xf32>, vector<16xi32>, vector<16xi32>, vector<16xi32>, vector<16xi32>, vector<16xi32>, vector<16xi32>, vector<16xi32>, vector<16xi32>)  : i32 {
        %broadcast_in_dim3A_95 = vector.broadcast %scan3A_78 : i32 to vector<16xi32>
        %gather3A = tpu.vector_load_idx %arg8[%add3A_21, %broadcast_in_dim3A_95] : memref<256x64xf32, #tpu.memory_space<vmem>>[vector<16xi32>, vector<16xi32>], vector<16xf32>,
        %broadcast_in_dim3A_96 = vector.broadcast %scan3A_78 : i32 to vector<16xi32>
        %gt3A = arith.cmpf ogt, %gather3A, %scan3A_79 : vector<16xf32>
        %gt3A_97 = arith.cmpf ogt, %gather3A, %scan3A_80 : vector<16xf32>
        %gt3A_98 = arith.cmpf ogt, %gather3A, %scan3A_81 : vector<16xf32>
        %gt3A_99 = arith.cmpf ogt, %gather3A, %scan3A_82 : vector<16xf32>
        %gt3A_100 = arith.cmpf ogt, %gather3A, %scan3A_83 : vector<16xf32>
        %gt3A_101 = arith.cmpf ogt, %gather3A, %scan3A_84 : vector<16xf32>
        %gt3A_102 = arith.cmpf ogt, %gather3A, %scan3A_85 : vector<16xf32>
        %gt3A_103 = arith.cmpf ogt, %gather3A, %scan3A_86 : vector<16xf32>
        %select_n3A = arith.select %gt3A, %gather3A, %scan3A_79 : vector<16xi1>, vector<16xf32>
        %select_n3A_104 = arith.select %gt3A, %broadcast_in_dim3A_96, %scan3A_87 : vector<16xi1>, vector<16xi32>
        %select_n3A_105 = arith.select %gt3A, %scan3A_79, %gather3A : vector<16xi1>, vector<16xf32>
        %select_n3A_106 = arith.select %gt3A_97, %select_n3A_105, %scan3A_80 : vector<16xi1>, vector<16xf32>
        %select_n3A_107 = arith.select %gt3A, %scan3A_87, %broadcast_in_dim3A_96 : vector<16xi1>, vector<16xi32>
        %select_n3A_108 = arith.select %gt3A_97, %select_n3A_107, %scan3A_88 : vector<16xi1>, vector<16xi32>
        %select_n3A_109 = arith.select %gt3A_97, %scan3A_80, %gather3A : vector<16xi1>, vector<16xf32>
        %select_n3A_110 = arith.select %gt3A_98, %select_n3A_109, %scan3A_81 : vector<16xi1>, vector<16xf32>
        %select_n3A_111 = arith.select %gt3A_97, %scan3A_88, %broadcast_in_dim3A_96 : vector<16xi1>, vector<16xi32>
        %select_n3A_112 = arith.select %gt3A_98, %select_n3A_111, %scan3A_89 : vector<16xi1>, vector<16xi32>
        %select_n3A_113 = arith.select %gt3A_98, %scan3A_81, %gather3A : vector<16xi1>, vector<16xf32>
        %select_n3A_114 = arith.select %gt3A_99, %select_n3A_113, %scan3A_82 : vector<16xi1>, vector<16xf32>
        %select_n3A_115 = arith.select %gt3A_98, %scan3A_89, %broadcast_in_dim3A_96 : vector<16xi1>, vector<16xi32>
        %select_n3A_116 = arith.select %gt3A_99, %select_n3A_115, %scan3A_90 : vector<16xi1>, vector<16xi32>
        %select_n3A_117 = arith.select %gt3A_99, %scan3A_82, %gather3A : vector<16xi1>, vector<16xf32>
        %select_n3A_118 = arith.select %gt3A_100, %select_n3A_117, %scan3A_83 : vector<16xi1>, vector<16xf32>
        %select_n3A_119 = arith.select %gt3A_99, %scan3A_90, %broadcast_in_dim3A_96 : vector<16xi1>, vector<16xi32>
        %select_n3A_120 = arith.select %gt3A_100, %select_n3A_119, %scan3A_91 : vector<16xi1>, vector<16xi32>
        %select_n3A_121 = arith.select %gt3A_100, %scan3A_83, %gather3A : vector<16xi1>, vector<16xf32>
        %select_n3A_122 = arith.select %gt3A_101, %select_n3A_121, %scan3A_84 : vector<16xi1>, vector<16xf32>
        %select_n3A_123 = arith.select %gt3A_100, %scan3A_91, %broadcast_in_dim3A_96 : vector<16xi1>, vector<16xi32>
        %select_n3A_124 = arith.select %gt3A_101, %select_n3A_123, %scan3A_92 : vector<16xi1>, vector<16xi32>
        %select_n3A_125 = arith.select %gt3A_101, %scan3A_84, %gather3A : vector<16xi1>, vector<16xf32>
        %select_n3A_126 = arith.select %gt3A_102, %select_n3A_125, %scan3A_85 : vector<16xi1>, vector<16xf32>
        %select_n3A_127 = arith.select %gt3A_101, %scan3A_92, %broadcast_in_dim3A_96 : vector<16xi1>, vector<16xi32>
        %select_n3A_128 = arith.select %gt3A_102, %select_n3A_127, %scan3A_93 : vector<16xi1>, vector<16xi32>
        %select_n3A_129 = arith.select %gt3A_102, %scan3A_85, %gather3A : vector<16xi1>, vector<16xf32>
        %select_n3A_130 = arith.select %gt3A_103, %select_n3A_129, %scan3A_86 : vector<16xi1>, vector<16xf32>
        %select_n3A_131 = arith.select %gt3A_102, %scan3A_93, %broadcast_in_dim3A_96 : vector<16xi1>, vector<16xi32>
        %select_n3A_132 = arith.select %gt3A_103, %select_n3A_131, %scan3A_94 : vector<16xi1>, vector<16xi32>
        scf.yield %select_n3A, %select_n3A_106, %select_n3A_110, %select_n3A_114, %select_n3A_118, %select_n3A_122, %select_n3A_126, %select_n3A_130, %select_n3A_104, %select_n3A_108, %select_n3A_112, %select_n3A_116, %select_n3A_120, %select_n3A_124, %select_n3A_128, %select_n3A_132 : vector<16xf32>, vector<16xf32>, vector<16xf32>, vector<16xf32>, vector<16xf32>, vector<16xf32>, vector<16xf32>, vector<16xf32>, vector<16xi32>, vector<16xi32>, vector<16xi32>, vector<16xi32>, vector<16xi32>, vector<16xi32>, vector<16xi32>, vector<16xi32>
      }
      %scan3A_30 = arith.constant 64 : i32
      %sub3A = arith.subf %scan3A_29#0, %scan3A_29#0 : vector<16xf32>
      %exp3A = math.exp %sub3A : vector<16xf32>
      %sub3A_31 = arith.subf %scan3A_29#1, %scan3A_29#0 : vector<16xf32>
      %exp3A_32 = math.exp %sub3A_31 : vector<16xf32>
      %sub3A_33 = arith.subf %scan3A_29#2, %scan3A_29#0 : vector<16xf32>
      %exp3A_34 = math.exp %sub3A_33 : vector<16xf32>
      %sub3A_35 = arith.subf %scan3A_29#3, %scan3A_29#0 : vector<16xf32>
      %exp3A_36 = math.exp %sub3A_35 : vector<16xf32>
      %sub3A_37 = arith.subf %scan3A_29#4, %scan3A_29#0 : vector<16xf32>
      %exp3A_38 = math.exp %sub3A_37 : vector<16xf32>
      %sub3A_39 = arith.subf %scan3A_29#5, %scan3A_29#0 : vector<16xf32>
      %exp3A_40 = math.exp %sub3A_39 : vector<16xf32>
      %sub3A_41 = arith.subf %scan3A_29#6, %scan3A_29#0 : vector<16xf32>
      %exp3A_42 = math.exp %sub3A_41 : vector<16xf32>
      %sub3A_43 = arith.subf %scan3A_29#7, %scan3A_29#0 : vector<16xf32>
      %exp3A_44 = math.exp %sub3A_43 : vector<16xf32>
      %add3A_45 = arith.addf %exp3A, %exp3A_32 : vector<16xf32>
      %add3A_46 = arith.addf %add3A_45, %exp3A_34 : vector<16xf32>
      %add3A_47 = arith.addf %add3A_46, %exp3A_36 : vector<16xf32>
      %add3A_48 = arith.addf %add3A_47, %exp3A_38 : vector<16xf32>
      %add3A_49 = arith.addf %add3A_48, %exp3A_40 : vector<16xf32>
      %add3A_50 = arith.addf %add3A_49, %exp3A_42 : vector<16xf32>
      %add3A_51 = arith.addf %add3A_50, %exp3A_44 : vector<16xf32>
      %div3A = arith.constant 1.000000e+00 : f32
      %div3A_52 = vector.broadcast %div3A : f32 to vector<16xf32>
      %div3A_53 = arith.divf %div3A_52, %add3A_51 : vector<16xf32>
      %broadcast_in_dim3A_54 = arith.constant 0 : i32
      %broadcast_in_dim3A_55 = vector.broadcast %broadcast_in_dim3A_54 : i32 to vector<16xi32>
      %mul3A_56 = arith.mulf %exp3A, %div3A_53 : vector<16xf32>
      tpu.vector_store_idx %arg10[%add3A_21, %broadcast_in_dim3A_55], %mul3A_56 : memref<256x8xf32, #tpu.memory_space<vmem>>[vector<16xi32>, vector<16xi32>], vector<16xf32>,
      tpu.vector_store_idx %arg9[%add3A_21, %broadcast_in_dim3A_55], %scan3A_29#8 : memref<256x8xi32, #tpu.memory_space<vmem>>[vector<16xi32>, vector<16xi32>], vector<16xi32>,
      %broadcast_in_dim3A_57 = arith.constant 1 : i32
      %broadcast_in_dim3A_58 = vector.broadcast %broadcast_in_dim3A_57 : i32 to vector<16xi32>
      %mul3A_59 = arith.mulf %exp3A_32, %div3A_53 : vector<16xf32>
      tpu.vector_store_idx %arg10[%add3A_21, %broadcast_in_dim3A_58], %mul3A_59 : memref<256x8xf32, #tpu.memory_space<vmem>>[vector<16xi32>, vector<16xi32>], vector<16xf32>,
      tpu.vector_store_idx %arg9[%add3A_21, %broadcast_in_dim3A_58], %scan3A_29#9 : memref<256x8xi32, #tpu.memory_space<vmem>>[vector<16xi32>, vector<16xi32>], vector<16xi32>,
      %broadcast_in_dim3A_60 = arith.constant 2 : i32
      %broadcast_in_dim3A_61 = vector.broadcast %broadcast_in_dim3A_60 : i32 to vector<16xi32>
      %mul3A_62 = arith.mulf %exp3A_34, %div3A_53 : vector<16xf32>
      tpu.vector_store_idx %arg10[%add3A_21, %broadcast_in_dim3A_61], %mul3A_62 : memref<256x8xf32, #tpu.memory_space<vmem>>[vector<16xi32>, vector<16xi32>], vector<16xf32>,
      tpu.vector_store_idx %arg9[%add3A_21, %broadcast_in_dim3A_61], %scan3A_29#10 : memref<256x8xi32, #tpu.memory_space<vmem>>[vector<16xi32>, vector<16xi32>], vector<16xi32>,
      %broadcast_in_dim3A_63 = arith.constant 3 : i32
      %broadcast_in_dim3A_64 = vector.broadcast %broadcast_in_dim3A_63 : i32 to vector<16xi32>
      %mul3A_65 = arith.mulf %exp3A_36, %div3A_53 : vector<16xf32>
      tpu.vector_store_idx %arg10[%add3A_21, %broadcast_in_dim3A_64], %mul3A_65 : memref<256x8xf32, #tpu.memory_space<vmem>>[vector<16xi32>, vector<16xi32>], vector<16xf32>,
      tpu.vector_store_idx %arg9[%add3A_21, %broadcast_in_dim3A_64], %scan3A_29#11 : memref<256x8xi32, #tpu.memory_space<vmem>>[vector<16xi32>, vector<16xi32>], vector<16xi32>,
      %broadcast_in_dim3A_66 = arith.constant 4 : i32
      %broadcast_in_dim3A_67 = vector.broadcast %broadcast_in_dim3A_66 : i32 to vector<16xi32>
      %mul3A_68 = arith.mulf %exp3A_38, %div3A_53 : vector<16xf32>
      tpu.vector_store_idx %arg10[%add3A_21, %broadcast_in_dim3A_67], %mul3A_68 : memref<256x8xf32, #tpu.memory_space<vmem>>[vector<16xi32>, vector<16xi32>], vector<16xf32>,
      tpu.vector_store_idx %arg9[%add3A_21, %broadcast_in_dim3A_67], %scan3A_29#12 : memref<256x8xi32, #tpu.memory_space<vmem>>[vector<16xi32>, vector<16xi32>], vector<16xi32>,
      %broadcast_in_dim3A_69 = arith.constant 5 : i32
      %broadcast_in_dim3A_70 = vector.broadcast %broadcast_in_dim3A_69 : i32 to vector<16xi32>
      %mul3A_71 = arith.mulf %exp3A_40, %div3A_53 : vector<16xf32>
      tpu.vector_store_idx %arg10[%add3A_21, %broadcast_in_dim3A_70], %mul3A_71 : memref<256x8xf32, #tpu.memory_space<vmem>>[vector<16xi32>, vector<16xi32>], vector<16xf32>,
      tpu.vector_store_idx %arg9[%add3A_21, %broadcast_in_dim3A_70], %scan3A_29#13 : memref<256x8xi32, #tpu.memory_space<vmem>>[vector<16xi32>, vector<16xi32>], vector<16xi32>,
      %broadcast_in_dim3A_72 = arith.constant 6 : i32
      %broadcast_in_dim3A_73 = vector.broadcast %broadcast_in_dim3A_72 : i32 to vector<16xi32>
      %mul3A_74 = arith.mulf %exp3A_42, %div3A_53 : vector<16xf32>
      tpu.vector_store_idx %arg10[%add3A_21, %broadcast_in_dim3A_73], %mul3A_74 : memref<256x8xf32, #tpu.memory_space<vmem>>[vector<16xi32>, vector<16xi32>], vector<16xf32>,
      tpu.vector_store_idx %arg9[%add3A_21, %broadcast_in_dim3A_73], %scan3A_29#14 : memref<256x8xi32, #tpu.memory_space<vmem>>[vector<16xi32>, vector<16xi32>], vector<16xi32>,
      %broadcast_in_dim3A_75 = arith.constant 7 : i32
      %broadcast_in_dim3A_76 = vector.broadcast %broadcast_in_dim3A_75 : i32 to vector<16xi32>
      %mul3A_77 = arith.mulf %exp3A_44, %div3A_53 : vector<16xf32>
      tpu.vector_store_idx %arg10[%add3A_21, %broadcast_in_dim3A_76], %mul3A_77 : memref<256x8xf32, #tpu.memory_space<vmem>>[vector<16xi32>, vector<16xi32>], vector<16xf32>,
      tpu.vector_store_idx %arg9[%add3A_21, %broadcast_in_dim3A_76], %scan3A_29#15 : memref<256x8xi32, #tpu.memory_space<vmem>>[vector<16xi32>, vector<16xi32>], vector<16xi32>,
    }
    %scan3A_15 = arith.constant 16 : i32
    %add3A_16 = arith.addi %reduce_max3A_10, %mul3A_2 : i32
    %multiple_of3A = tpu.assume_multiple %add3A_16, 32 : i32
    "tpu.region"() ({
      %run_scoped3A = tpu.sem_alloc : memref<!tpu.dma_semaphore, #tpu.memory_space<semaphore_mem>>
      %dma_start3A = arith.constant 0 : i32
      %dma_start3A_17 = tpu.memref_slice %arg4[%multiple_of3A, %dma_start3A] : memref<32768x8xi32, #tpu.memory_space<hbm>> -> memref<256x8xi32, #tpu.memory_space<hbm>>
      %dma_start3A_18 = arith.constant 0 : i32
      %dma_start3A_19 = tpu.memref_slice %arg4[%multiple_of3A, %dma_start3A_18] : memref<32768x8xi32, #tpu.memory_space<hbm>> -> memref<256x8xi32, #tpu.memory_space<hbm>>
      tpu.enqueue_dma source(%arg9 : memref<256x8xi32, #tpu.memory_space<vmem>>) target(%dma_start3A_19 : memref<256x8xi32, #tpu.memory_space<hbm>>) target_semaphore(%run_scoped3A : memref<!tpu.dma_semaphore, #tpu.memory_space<semaphore_mem>>)
      %dma_wait3A = arith.constant 0 : i32
      %dma_wait3A_20 = tpu.memref_slice %arg4[%multiple_of3A, %dma_wait3A] : memref<32768x8xi32, #tpu.memory_space<hbm>> -> memref<256x8xi32, #tpu.memory_space<hbm>>
      %dma_wait3A_21 = arith.constant 0 : i32
      %dma_wait3A_22 = tpu.memref_slice %arg4[%multiple_of3A, %dma_wait3A_21] : memref<32768x8xi32, #tpu.memory_space<hbm>> -> memref<256x8xi32, #tpu.memory_space<hbm>>
      tpu.wait_dma2 semaphore(%run_scoped3A : memref<!tpu.dma_semaphore, #tpu.memory_space<semaphore_mem>>) src(%arg9 : memref<256x8xi32, #tpu.memory_space<vmem>>) dst(%dma_wait3A_22 : memref<256x8xi32, #tpu.memory_space<hbm>>)
      tpu.yield
    }) : () -> ()
    "tpu.region"() ({
      %run_scoped3A = tpu.sem_alloc : memref<!tpu.dma_semaphore, #tpu.memory_space<semaphore_mem>>
      %dma_start3A = arith.constant 0 : i32
      %dma_start3A_17 = tpu.memref_slice %arg5[%multiple_of3A, %dma_start3A] : memref<32768x8xf32, #tpu.memory_space<hbm>> -> memref<256x8xf32, #tpu.memory_space<hbm>>
      %dma_start3A_18 = arith.constant 0 : i32
      %dma_start3A_19 = tpu.memref_slice %arg5[%multiple_of3A, %dma_start3A_18] : memref<32768x8xf32, #tpu.memory_space<hbm>> -> memref<256x8xf32, #tpu.memory_space<hbm>>
      tpu.enqueue_dma source(%arg10 : memref<256x8xf32, #tpu.memory_space<vmem>>) target(%dma_start3A_19 : memref<256x8xf32, #tpu.memory_space<hbm>>) target_semaphore(%run_scoped3A : memref<!tpu.dma_semaphore, #tpu.memory_space<semaphore_mem>>)
      %dma_wait3A = arith.constant 0 : i32
      %dma_wait3A_20 = tpu.memref_slice %arg5[%multiple_of3A, %dma_wait3A] : memref<32768x8xf32, #tpu.memory_space<hbm>> -> memref<256x8xf32, #tpu.memory_space<hbm>>
      %dma_wait3A_21 = arith.constant 0 : i32
      %dma_wait3A_22 = tpu.memref_slice %arg5[%multiple_of3A, %dma_wait3A_21] : memref<32768x8xf32, #tpu.memory_space<hbm>> -> memref<256x8xf32, #tpu.memory_space<hbm>>
      tpu.wait_dma2 semaphore(%run_scoped3A : memref<!tpu.dma_semaphore, #tpu.memory_space<semaphore_mem>>) src(%arg10 : memref<256x8xf32, #tpu.memory_space<vmem>>) dst(%dma_wait3A_22 : memref<256x8xf32, #tpu.memory_space<hbm>>)
      tpu.yield
    }) : () -> ()
    return
  }
}

#map = affine_map<(d0, d1) -> (0)>
#map1 = affine_map<(d0, d1) -> (0, 0)>
module attributes {stable_mosaic.version = 14 : i64} {
  func.func @new_body(%arg0: i32, %arg1: i32, %arg2: memref<16xi32, #tpu.memory_space<hbm>>, %arg3: memref<8192x64xf32, #tpu.memory_space<hbm>>, %arg4: memref<32768x8xi32, #tpu.memory_space<hbm>>, %arg5: memref<32768x8xf32, #tpu.memory_space<hbm>>, %arg6: memref<32768x8xi32, #tpu.memory_space<hbm>>, %arg7: memref<32768x8xf32, #tpu.memory_space<hbm>>, %arg8: memref<256x64xf32, #tpu.memory_space<vmem>>, %arg9: memref<256x8xi32, #tpu.memory_space<vmem>>, %arg10: memref<256x8xf32, #tpu.memory_space<vmem>>, %arg11: memref<16xi32, #tpu.memory_space<vmem>>) attributes {dimension_semantics = [#tpu.dimension_semantics<core_parallel>, #tpu.dimension_semantics<subcore_parallel>], iteration_bounds = array<i64: 2, 16>, scalar_prefetch = 0 : i64, scratch_operands = 4 : i64, tpu.core_type = #tpu.core_type<sc_vector_subcore>, window_params = [{transform_indices = #map}, {transform_indices = #map1}, {transform_indices = #map1}, {transform_indices = #map1}, {transform_indices = #map1}, {transform_indices = #map1}]} {
    %mul3A = arith.constant 2 : i32
    %mul3A_0 = arith.muli %arg1, %mul3A : i32
    %add3A = arith.addi %mul3A_0, %arg0 : i32
    %mul3A_1 = arith.constant 256 : i32
    %mul3A_2 = arith.muli %add3A, %mul3A_1 : i32
    "tpu.region"() ({
      %run_scoped3A = tpu.sem_alloc : memref<!tpu.dma_semaphore, #tpu.memory_space<semaphore_mem>>
      tpu.enqueue_dma source(%arg2 : memref<16xi32, #tpu.memory_space<hbm>>) target(%arg11 : memref<16xi32, #tpu.memory_space<vmem>>) target_semaphore(%run_scoped3A : memref<!tpu.dma_semaphore, #tpu.memory_space<semaphore_mem>>)
      tpu.wait_dma2 semaphore(%run_scoped3A : memref<!tpu.dma_semaphore, #tpu.memory_space<semaphore_mem>>) src(%arg2 : memref<16xi32, #tpu.memory_space<hbm>>) dst(%arg11 : memref<16xi32, #tpu.memory_space<vmem>>)
      tpu.yield
    }) : () -> ()
    %get3A = arith.constant 0 : index
    %get3A_3 = tpu.vector_load %arg11[%get3A] {strides = array<i32>} : memref<16xi32, #tpu.memory_space<vmem>>, vector<16xi32>,
    %reduce_max3A = arith.constant true
    %reduce_max3A_4 = vector.broadcast %reduce_max3A : i1 to vector<16xi1>
    %reduce_max3A_5 = arith.constant -2147483648 : i32
    %reduce_max3A_6 = vector.broadcast %reduce_max3A_5 : i32 to vector<16xi32>
    %reduce_max3A_7 = arith.xori %get3A_3, %reduce_max3A_6 : vector<16xi32>
    %reduce_max3A_8 = tpu.scan <max>, %reduce_max3A_7 masked %reduce_max3A_4 : vector<16xi32>, vector<16xi1> -> vector<16xi32>
    %reduce_max3A_9 = arith.xori %reduce_max3A_8, %reduce_max3A_6 : vector<16xi32>
    %reduce_max3A_10 = vector.extract %reduce_max3A_9[15] : i32 from vector<16xi32>
    "tpu.region"() ({
      %run_scoped3A = tpu.sem_alloc : memref<!tpu.dma_semaphore, #tpu.memory_space<semaphore_mem>>
      %dma_start3A = arith.constant 0 : i32
      %dma_start3A_17 = tpu.memref_slice %arg3[%mul3A_2, %dma_start3A] : memref<8192x64xf32, #tpu.memory_space<hbm>> -> memref<256x64xf32, #tpu.memory_space<hbm>>
      %dma_start3A_18 = arith.constant 0 : i32
      %dma_start3A_19 = tpu.memref_slice %arg3[%mul3A_2, %dma_start3A_18] : memref<8192x64xf32, #tpu.memory_space<hbm>> -> memref<256x64xf32, #tpu.memory_space<hbm>>
      tpu.enqueue_dma source(%dma_start3A_19 : memref<256x64xf32, #tpu.memory_space<hbm>>) target(%arg8 : memref<256x64xf32, #tpu.memory_space<vmem>>) target_semaphore(%run_scoped3A : memref<!tpu.dma_semaphore, #tpu.memory_space<semaphore_mem>>)
      %dma_wait3A = arith.constant 0 : i32
      %dma_wait3A_20 = tpu.memref_slice %arg3[%mul3A_2, %dma_wait3A] : memref<8192x64xf32, #tpu.memory_space<hbm>> -> memref<256x64xf32, #tpu.memory_space<hbm>>
      %dma_wait3A_21 = arith.constant 0 : i32
      %dma_wait3A_22 = tpu.memref_slice %arg3[%mul3A_2, %dma_wait3A_21] : memref<8192x64xf32, #tpu.memory_space<hbm>> -> memref<256x64xf32, #tpu.memory_space<hbm>>
      tpu.wait_dma2 semaphore(%run_scoped3A : memref<!tpu.dma_semaphore, #tpu.memory_space<semaphore_mem>>) src(%dma_wait3A_22 : memref<256x64xf32, #tpu.memory_space<hbm>>) dst(%arg8 : memref<256x64xf32, #tpu.memory_space<vmem>>)
      tpu.yield
    }) : () -> ()
    %iota3A = tpu.iota {dimensions = array<i32: 0>} : vector<16xi32>
    %scan3A = arith.constant 0 : i32
    %scan3A_11 = arith.constant 0 : i32
    %scan3A_12 = arith.constant 16 : i32
    %scan3A_13 = arith.addi %scan3A_11, %scan3A_12 : i32
    %scan3A_14 = arith.constant 1 : i32
    scf.for %scan3A_17 = %scan3A_11 to %scan3A_13 step %scan3A_14  : i32 {
      %mul3A_18 = arith.constant 16 : i32
      %mul3A_19 = arith.muli %scan3A_17, %mul3A_18 : i32
      %add3A_20 = vector.broadcast %mul3A_19 : i32 to vector<16xi32>
      %add3A_21 = arith.addi %add3A_20, %iota3A : vector<16xi32>
      %broadcast_in_dim3A = arith.constant 0xFF800000 : f32
      %broadcast_in_dim3A_22 = vector.broadcast %broadcast_in_dim3A : f32 to vector<16xf32>
      %broadcast_in_dim3A_23 = arith.constant 0 : i32
      %broadcast_in_dim3A_24 = vector.broadcast %broadcast_in_dim3A_23 : i32 to vector<16xi32>
      %scan3A_25 = arith.constant 0 : i32
      %scan3A_26 = arith.constant 64 : i32
      %scan3A_27 = arith.addi %scan3A_25, %scan3A_26 : i32
      %scan3A_28 = arith.constant 1 : i32
      %scan3A_29:16 = scf.for %scan3A_78 = %scan3A_25 to %scan3A_27 step %scan3A_28 iter_args(%scan3A_79 = %broadcast_in_dim3A_22, %scan3A_80 = %broadcast_in_dim3A_22, %scan3A_81 = %broadcast_in_dim3A_22, %scan3A_82 = %broadcast_in_dim3A_22, %scan3A_83 = %broadcast_in_dim3A_22, %scan3A_84 = %broadcast_in_dim3A_22, %scan3A_85 = %broadcast_in_dim3A_22, %scan3A_86 = %broadcast_in_dim3A_22, %scan3A_87 = %broadcast_in_dim3A_24, %scan3A_88 = %broadcast_in_dim3A_24, %scan3A_89 = %broadcast_in_dim3A_24, %scan3A_90 = %broadcast_in_dim3A_24, %scan3A_91 = %broadcast_in_dim3A_24, %scan3A_92 = %broadcast_in_dim3A_24, %scan3A_93 = %broadcast_in_dim3A_24, %scan3A_94 = %broadcast_in_dim3A_24) -> (vector<16xf32>, vector<16xf32>, vector<16xf32>, vector<16xf32>, vector<16xf32>, vector<16xf32>, vector<16xf32>, vector<16xf32>, vector<16xi32>, vector<16xi32>, vector<16xi32>, vector<16xi32>, vector<16xi32>, vector<16xi32>, vector<16xi32>, vector<16xi32>)  : i32 {
        %broadcast_in_dim3A_95 = vector.broadcast %scan3A_78 : i32 to vector<16xi32>
        %gather3A = tpu.vector_load_idx %arg8[%add3A_21, %broadcast_in_dim3A_95] : memref<256x64xf32, #tpu.memory_space<vmem>>[vector<16xi32>, vector<16xi32>], vector<16xf32>,
        %broadcast_in_dim3A_96 = vector.broadcast %scan3A_78 : i32 to vector<16xi32>
        %gt3A = arith.cmpf ogt, %gather3A, %scan3A_79 : vector<16xf32>
        %gt3A_97 = arith.cmpf ogt, %gather3A, %scan3A_80 : vector<16xf32>
        %gt3A_98 = arith.cmpf ogt, %gather3A, %scan3A_81 : vector<16xf32>
        %gt3A_99 = arith.cmpf ogt, %gather3A, %scan3A_82 : vector<16xf32>
        %gt3A_100 = arith.cmpf ogt, %gather3A, %scan3A_83 : vector<16xf32>
        %gt3A_101 = arith.cmpf ogt, %gather3A, %scan3A_84 : vector<16xf32>
        %gt3A_102 = arith.cmpf ogt, %gather3A, %scan3A_85 : vector<16xf32>
        %gt3A_103 = arith.cmpf ogt, %gather3A, %scan3A_86 : vector<16xf32>
        %select_n3A = arith.select %gt3A, %gather3A, %scan3A_79 : vector<16xi1>, vector<16xf32>
        %select_n3A_104 = arith.select %gt3A, %broadcast_in_dim3A_96, %scan3A_87 : vector<16xi1>, vector<16xi32>
        %select_n3A_105 = arith.select %gt3A, %scan3A_79, %gather3A : vector<16xi1>, vector<16xf32>
        %select_n3A_106 = arith.select %gt3A_97, %select_n3A_105, %scan3A_80 : vector<16xi1>, vector<16xf32>
        %select_n3A_107 = arith.select %gt3A, %scan3A_87, %broadcast_in_dim3A_96 : vector<16xi1>, vector<16xi32>
        %select_n3A_108 = arith.select %gt3A_97, %select_n3A_107, %scan3A_88 : vector<16xi1>, vector<16xi32>
        %select_n3A_109 = arith.select %gt3A_97, %scan3A_80, %gather3A : vector<16xi1>, vector<16xf32>
        %select_n3A_110 = arith.select %gt3A_98, %select_n3A_109, %scan3A_81 : vector<16xi1>, vector<16xf32>
        %select_n3A_111 = arith.select %gt3A_97, %scan3A_88, %broadcast_in_dim3A_96 : vector<16xi1>, vector<16xi32>
        %select_n3A_112 = arith.select %gt3A_98, %select_n3A_111, %scan3A_89 : vector<16xi1>, vector<16xi32>
        %select_n3A_113 = arith.select %gt3A_98, %scan3A_81, %gather3A : vector<16xi1>, vector<16xf32>
        %select_n3A_114 = arith.select %gt3A_99, %select_n3A_113, %scan3A_82 : vector<16xi1>, vector<16xf32>
        %select_n3A_115 = arith.select %gt3A_98, %scan3A_89, %broadcast_in_dim3A_96 : vector<16xi1>, vector<16xi32>
        %select_n3A_116 = arith.select %gt3A_99, %select_n3A_115, %scan3A_90 : vector<16xi1>, vector<16xi32>
        %select_n3A_117 = arith.select %gt3A_99, %scan3A_82, %gather3A : vector<16xi1>, vector<16xf32>
        %select_n3A_118 = arith.select %gt3A_100, %select_n3A_117, %scan3A_83 : vector<16xi1>, vector<16xf32>
        %select_n3A_119 = arith.select %gt3A_99, %scan3A_90, %broadcast_in_dim3A_96 : vector<16xi1>, vector<16xi32>
        %select_n3A_120 = arith.select %gt3A_100, %select_n3A_119, %scan3A_91 : vector<16xi1>, vector<16xi32>
        %select_n3A_121 = arith.select %gt3A_100, %scan3A_83, %gather3A : vector<16xi1>, vector<16xf32>
        %select_n3A_122 = arith.select %gt3A_101, %select_n3A_121, %scan3A_84 : vector<16xi1>, vector<16xf32>
        %select_n3A_123 = arith.select %gt3A_100, %scan3A_91, %broadcast_in_dim3A_96 : vector<16xi1>, vector<16xi32>
        %select_n3A_124 = arith.select %gt3A_101, %select_n3A_123, %scan3A_92 : vector<16xi1>, vector<16xi32>
        %select_n3A_125 = arith.select %gt3A_101, %scan3A_84, %gather3A : vector<16xi1>, vector<16xf32>
        %select_n3A_126 = arith.select %gt3A_102, %select_n3A_125, %scan3A_85 : vector<16xi1>, vector<16xf32>
        %select_n3A_127 = arith.select %gt3A_101, %scan3A_92, %broadcast_in_dim3A_96 : vector<16xi1>, vector<16xi32>
        %select_n3A_128 = arith.select %gt3A_102, %select_n3A_127, %scan3A_93 : vector<16xi1>, vector<16xi32>
        %select_n3A_129 = arith.select %gt3A_102, %scan3A_85, %gather3A : vector<16xi1>, vector<16xf32>
        %select_n3A_130 = arith.select %gt3A_103, %select_n3A_129, %scan3A_86 : vector<16xi1>, vector<16xf32>
        %select_n3A_131 = arith.select %gt3A_102, %scan3A_93, %broadcast_in_dim3A_96 : vector<16xi1>, vector<16xi32>
        %select_n3A_132 = arith.select %gt3A_103, %select_n3A_131, %scan3A_94 : vector<16xi1>, vector<16xi32>
        scf.yield %select_n3A, %select_n3A_106, %select_n3A_110, %select_n3A_114, %select_n3A_118, %select_n3A_122, %select_n3A_126, %select_n3A_130, %select_n3A_104, %select_n3A_108, %select_n3A_112, %select_n3A_116, %select_n3A_120, %select_n3A_124, %select_n3A_128, %select_n3A_132 : vector<16xf32>, vector<16xf32>, vector<16xf32>, vector<16xf32>, vector<16xf32>, vector<16xf32>, vector<16xf32>, vector<16xf32>, vector<16xi32>, vector<16xi32>, vector<16xi32>, vector<16xi32>, vector<16xi32>, vector<16xi32>, vector<16xi32>, vector<16xi32>
      }
      %scan3A_30 = arith.constant 64 : i32
      %sub3A = arith.subf %scan3A_29#0, %scan3A_29#0 : vector<16xf32>
      %exp3A = math.exp %sub3A : vector<16xf32>
      %sub3A_31 = arith.subf %scan3A_29#1, %scan3A_29#0 : vector<16xf32>
      %exp3A_32 = math.exp %sub3A_31 : vector<16xf32>
      %sub3A_33 = arith.subf %scan3A_29#2, %scan3A_29#0 : vector<16xf32>
      %exp3A_34 = math.exp %sub3A_33 : vector<16xf32>
      %sub3A_35 = arith.subf %scan3A_29#3, %scan3A_29#0 : vector<16xf32>
      %exp3A_36 = math.exp %sub3A_35 : vector<16xf32>
      %sub3A_37 = arith.subf %scan3A_29#4, %scan3A_29#0 : vector<16xf32>
      %exp3A_38 = math.exp %sub3A_37 : vector<16xf32>
      %sub3A_39 = arith.subf %scan3A_29#5, %scan3A_29#0 : vector<16xf32>
      %exp3A_40 = math.exp %sub3A_39 : vector<16xf32>
      %sub3A_41 = arith.subf %scan3A_29#6, %scan3A_29#0 : vector<16xf32>
      %exp3A_42 = math.exp %sub3A_41 : vector<16xf32>
      %sub3A_43 = arith.subf %scan3A_29#7, %scan3A_29#0 : vector<16xf32>
      %exp3A_44 = math.exp %sub3A_43 : vector<16xf32>
      %add3A_45 = arith.addf %exp3A, %exp3A_32 : vector<16xf32>
      %add3A_46 = arith.addf %add3A_45, %exp3A_34 : vector<16xf32>
      %add3A_47 = arith.addf %add3A_46, %exp3A_36 : vector<16xf32>
      %add3A_48 = arith.addf %add3A_47, %exp3A_38 : vector<16xf32>
      %add3A_49 = arith.addf %add3A_48, %exp3A_40 : vector<16xf32>
      %add3A_50 = arith.addf %add3A_49, %exp3A_42 : vector<16xf32>
      %add3A_51 = arith.addf %add3A_50, %exp3A_44 : vector<16xf32>
      %div3A = arith.constant 1.000000e+00 : f32
      %div3A_52 = vector.broadcast %div3A : f32 to vector<16xf32>
      %div3A_53 = arith.divf %div3A_52, %add3A_51 : vector<16xf32>
      %broadcast_in_dim3A_54 = arith.constant 0 : i32
      %broadcast_in_dim3A_55 = vector.broadcast %broadcast_in_dim3A_54 : i32 to vector<16xi32>
      %mul3A_56 = arith.mulf %exp3A, %div3A_53 : vector<16xf32>
      tpu.vector_store_idx %arg10[%add3A_21, %broadcast_in_dim3A_55], %mul3A_56 : memref<256x8xf32, #tpu.memory_space<vmem>>[vector<16xi32>, vector<16xi32>], vector<16xf32>,
      tpu.vector_store_idx %arg9[%add3A_21, %broadcast_in_dim3A_55], %scan3A_29#8 : memref<256x8xi32, #tpu.memory_space<vmem>>[vector<16xi32>, vector<16xi32>], vector<16xi32>,
      %broadcast_in_dim3A_57 = arith.constant 1 : i32
      %broadcast_in_dim3A_58 = vector.broadcast %broadcast_in_dim3A_57 : i32 to vector<16xi32>
      %mul3A_59 = arith.mulf %exp3A_32, %div3A_53 : vector<16xf32>
      tpu.vector_store_idx %arg10[%add3A_21, %broadcast_in_dim3A_58], %mul3A_59 : memref<256x8xf32, #tpu.memory_space<vmem>>[vector<16xi32>, vector<16xi32>], vector<16xf32>,
      tpu.vector_store_idx %arg9[%add3A_21, %broadcast_in_dim3A_58], %scan3A_29#9 : memref<256x8xi32, #tpu.memory_space<vmem>>[vector<16xi32>, vector<16xi32>], vector<16xi32>,
      %broadcast_in_dim3A_60 = arith.constant 2 : i32
      %broadcast_in_dim3A_61 = vector.broadcast %broadcast_in_dim3A_60 : i32 to vector<16xi32>
      %mul3A_62 = arith.mulf %exp3A_34, %div3A_53 : vector<16xf32>
      tpu.vector_store_idx %arg10[%add3A_21, %broadcast_in_dim3A_61], %mul3A_62 : memref<256x8xf32, #tpu.memory_space<vmem>>[vector<16xi32>, vector<16xi32>], vector<16xf32>,
      tpu.vector_store_idx %arg9[%add3A_21, %broadcast_in_dim3A_61], %scan3A_29#10 : memref<256x8xi32, #tpu.memory_space<vmem>>[vector<16xi32>, vector<16xi32>], vector<16xi32>,
      %broadcast_in_dim3A_63 = arith.constant 3 : i32
      %broadcast_in_dim3A_64 = vector.broadcast %broadcast_in_dim3A_63 : i32 to vector<16xi32>
      %mul3A_65 = arith.mulf %exp3A_36, %div3A_53 : vector<16xf32>
      tpu.vector_store_idx %arg10[%add3A_21, %broadcast_in_dim3A_64], %mul3A_65 : memref<256x8xf32, #tpu.memory_space<vmem>>[vector<16xi32>, vector<16xi32>], vector<16xf32>,
      tpu.vector_store_idx %arg9[%add3A_21, %broadcast_in_dim3A_64], %scan3A_29#11 : memref<256x8xi32, #tpu.memory_space<vmem>>[vector<16xi32>, vector<16xi32>], vector<16xi32>,
      %broadcast_in_dim3A_66 = arith.constant 4 : i32
      %broadcast_in_dim3A_67 = vector.broadcast %broadcast_in_dim3A_66 : i32 to vector<16xi32>
      %mul3A_68 = arith.mulf %exp3A_38, %div3A_53 : vector<16xf32>
      tpu.vector_store_idx %arg10[%add3A_21, %broadcast_in_dim3A_67], %mul3A_68 : memref<256x8xf32, #tpu.memory_space<vmem>>[vector<16xi32>, vector<16xi32>], vector<16xf32>,
      tpu.vector_store_idx %arg9[%add3A_21, %broadcast_in_dim3A_67], %scan3A_29#12 : memref<256x8xi32, #tpu.memory_space<vmem>>[vector<16xi32>, vector<16xi32>], vector<16xi32>,
      %broadcast_in_dim3A_69 = arith.constant 5 : i32
      %broadcast_in_dim3A_70 = vector.broadcast %broadcast_in_dim3A_69 : i32 to vector<16xi32>
      %mul3A_71 = arith.mulf %exp3A_40, %div3A_53 : vector<16xf32>
      tpu.vector_store_idx %arg10[%add3A_21, %broadcast_in_dim3A_70], %mul3A_71 : memref<256x8xf32, #tpu.memory_space<vmem>>[vector<16xi32>, vector<16xi32>], vector<16xf32>,
      tpu.vector_store_idx %arg9[%add3A_21, %broadcast_in_dim3A_70], %scan3A_29#13 : memref<256x8xi32, #tpu.memory_space<vmem>>[vector<16xi32>, vector<16xi32>], vector<16xi32>,
      %broadcast_in_dim3A_72 = arith.constant 6 : i32
      %broadcast_in_dim3A_73 = vector.broadcast %broadcast_in_dim3A_72 : i32 to vector<16xi32>
      %mul3A_74 = arith.mulf %exp3A_42, %div3A_53 : vector<16xf32>
      tpu.vector_store_idx %arg10[%add3A_21, %broadcast_in_dim3A_73], %mul3A_74 : memref<256x8xf32, #tpu.memory_space<vmem>>[vector<16xi32>, vector<16xi32>], vector<16xf32>,
      tpu.vector_store_idx %arg9[%add3A_21, %broadcast_in_dim3A_73], %scan3A_29#14 : memref<256x8xi32, #tpu.memory_space<vmem>>[vector<16xi32>, vector<16xi32>], vector<16xi32>,
      %broadcast_in_dim3A_75 = arith.constant 7 : i32
      %broadcast_in_dim3A_76 = vector.broadcast %broadcast_in_dim3A_75 : i32 to vector<16xi32>
      %mul3A_77 = arith.mulf %exp3A_44, %div3A_53 : vector<16xf32>
      tpu.vector_store_idx %arg10[%add3A_21, %broadcast_in_dim3A_76], %mul3A_77 : memref<256x8xf32, #tpu.memory_space<vmem>>[vector<16xi32>, vector<16xi32>], vector<16xf32>,
      tpu.vector_store_idx %arg9[%add3A_21, %broadcast_in_dim3A_76], %scan3A_29#15 : memref<256x8xi32, #tpu.memory_space<vmem>>[vector<16xi32>, vector<16xi32>], vector<16xi32>,
    }
    %scan3A_15 = arith.constant 16 : i32
    %add3A_16 = arith.addi %reduce_max3A_10, %mul3A_2 : i32
    %multiple_of3A = tpu.assume_multiple %add3A_16, 32 : i32
    "tpu.region"() ({
      %run_scoped3A = tpu.sem_alloc : memref<!tpu.dma_semaphore, #tpu.memory_space<semaphore_mem>>
      %dma_start3A = arith.constant 0 : i32
      %dma_start3A_17 = tpu.memref_slice %arg4[%multiple_of3A, %dma_start3A] : memref<32768x8xi32, #tpu.memory_space<hbm>> -> memref<256x8xi32, #tpu.memory_space<hbm>>
      %dma_start3A_18 = arith.constant 0 : i32
      %dma_start3A_19 = tpu.memref_slice %arg4[%multiple_of3A, %dma_start3A_18] : memref<32768x8xi32, #tpu.memory_space<hbm>> -> memref<256x8xi32, #tpu.memory_space<hbm>>
      tpu.enqueue_dma source(%arg9 : memref<256x8xi32, #tpu.memory_space<vmem>>) target(%dma_start3A_19 : memref<256x8xi32, #tpu.memory_space<hbm>>) target_semaphore(%run_scoped3A : memref<!tpu.dma_semaphore, #tpu.memory_space<semaphore_mem>>)
      %dma_wait3A = arith.constant 0 : i32
      %dma_wait3A_20 = tpu.memref_slice %arg4[%multiple_of3A, %dma_wait3A] : memref<32768x8xi32, #tpu.memory_space<hbm>> -> memref<256x8xi32, #tpu.memory_space<hbm>>
      %dma_wait3A_21 = arith.constant 0 : i32
      %dma_wait3A_22 = tpu.memref_slice %arg4[%multiple_of3A, %dma_wait3A_21] : memref<32768x8xi32, #tpu.memory_space<hbm>> -> memref<256x8xi32, #tpu.memory_space<hbm>>
      tpu.wait_dma2 semaphore(%run_scoped3A : memref<!tpu.dma_semaphore, #tpu.memory_space<semaphore_mem>>) src(%arg9 : memref<256x8xi32, #tpu.memory_space<vmem>>) dst(%dma_wait3A_22 : memref<256x8xi32, #tpu.memory_space<hbm>>)
      tpu.yield
    }) : () -> ()
    "tpu.region"() ({
      %run_scoped3A = tpu.sem_alloc : memref<!tpu.dma_semaphore, #tpu.memory_space<semaphore_mem>>
      %dma_start3A = arith.constant 0 : i32
      %dma_start3A_17 = tpu.memref_slice %arg5[%multiple_of3A, %dma_start3A] : memref<32768x8xf32, #tpu.memory_space<hbm>> -> memref<256x8xf32, #tpu.memory_space<hbm>>
      %dma_start3A_18 = arith.constant 0 : i32
      %dma_start3A_19 = tpu.memref_slice %arg5[%multiple_of3A, %dma_start3A_18] : memref<32768x8xf32, #tpu.memory_space<hbm>> -> memref<256x8xf32, #tpu.memory_space<hbm>>
      tpu.enqueue_dma source(%arg10 : memref<256x8xf32, #tpu.memory_space<vmem>>) target(%dma_start3A_19 : memref<256x8xf32, #tpu.memory_space<hbm>>) target_semaphore(%run_scoped3A : memref<!tpu.dma_semaphore, #tpu.memory_space<semaphore_mem>>)
      %dma_wait3A = arith.constant 0 : i32
      %dma_wait3A_20 = tpu.memref_slice %arg5[%multiple_of3A, %dma_wait3A] : memref<32768x8xf32, #tpu.memory_space<hbm>> -> memref<256x8xf32, #tpu.memory_space<hbm>>
      %dma_wait3A_21 = arith.constant 0 : i32
      %dma_wait3A_22 = tpu.memref_slice %arg5[%multiple_of3A, %dma_wait3A_21] : memref<32768x8xf32, #tpu.memory_space<hbm>> -> memref<256x8xf32, #tpu.memory_space<hbm>>
      tpu.wait_dma2 semaphore(%run_scoped3A : memref<!tpu.dma_semaphore, #tpu.memory_space<semaphore_mem>>) src(%arg10 : memref<256x8xf32, #tpu.memory_space<vmem>>) dst(%dma_wait3A_22 : memref<256x8xf32, #tpu.memory_space<hbm>>)
      tpu.yield
    }) : () -> ()
    return
  }
}

#map = affine_map<(d0, d1) -> (0)>
#map1 = affine_map<(d0, d1) -> (0, 0)>
module attributes {stable_mosaic.version = 14 : i64} {
  func.func @new_body(%arg0: i32, %arg1: i32, %arg2: memref<16xi32, #tpu.memory_space<hbm>>, %arg3: memref<8192x64xf32, #tpu.memory_space<hbm>>, %arg4: memref<32768x8xi32, #tpu.memory_space<hbm>>, %arg5: memref<32768x8xf32, #tpu.memory_space<hbm>>, %arg6: memref<32768x8xi32, #tpu.memory_space<hbm>>, %arg7: memref<32768x8xf32, #tpu.memory_space<hbm>>, %arg8: memref<256x64xf32, #tpu.memory_space<vmem>>, %arg9: memref<256x8xi32, #tpu.memory_space<vmem>>, %arg10: memref<256x8xf32, #tpu.memory_space<vmem>>, %arg11: memref<16xi32, #tpu.memory_space<vmem>>) attributes {dimension_semantics = [#tpu.dimension_semantics<core_parallel>, #tpu.dimension_semantics<subcore_parallel>], iteration_bounds = array<i64: 2, 16>, scalar_prefetch = 0 : i64, scratch_operands = 4 : i64, tpu.core_type = #tpu.core_type<sc_vector_subcore>, window_params = [{transform_indices = #map}, {transform_indices = #map1}, {transform_indices = #map1}, {transform_indices = #map1}, {transform_indices = #map1}, {transform_indices = #map1}]} {
    %mul3A = arith.constant 2 : i32
    %mul3A_0 = arith.muli %arg1, %mul3A : i32
    %add3A = arith.addi %mul3A_0, %arg0 : i32
    %mul3A_1 = arith.constant 256 : i32
    %mul3A_2 = arith.muli %add3A, %mul3A_1 : i32
    "tpu.region"() ({
      %run_scoped3A = tpu.sem_alloc : memref<!tpu.dma_semaphore, #tpu.memory_space<semaphore_mem>>
      tpu.enqueue_dma source(%arg2 : memref<16xi32, #tpu.memory_space<hbm>>) target(%arg11 : memref<16xi32, #tpu.memory_space<vmem>>) target_semaphore(%run_scoped3A : memref<!tpu.dma_semaphore, #tpu.memory_space<semaphore_mem>>)
      tpu.wait_dma2 semaphore(%run_scoped3A : memref<!tpu.dma_semaphore, #tpu.memory_space<semaphore_mem>>) src(%arg2 : memref<16xi32, #tpu.memory_space<hbm>>) dst(%arg11 : memref<16xi32, #tpu.memory_space<vmem>>)
      tpu.yield
    }) : () -> ()
    %get3A = arith.constant 0 : index
    %get3A_3 = tpu.vector_load %arg11[%get3A] {strides = array<i32>} : memref<16xi32, #tpu.memory_space<vmem>>, vector<16xi32>,
    %reduce_max3A = arith.constant true
    %reduce_max3A_4 = vector.broadcast %reduce_max3A : i1 to vector<16xi1>
    %reduce_max3A_5 = arith.constant -2147483648 : i32
    %reduce_max3A_6 = vector.broadcast %reduce_max3A_5 : i32 to vector<16xi32>
    %reduce_max3A_7 = arith.xori %get3A_3, %reduce_max3A_6 : vector<16xi32>
    %reduce_max3A_8 = tpu.scan <max>, %reduce_max3A_7 masked %reduce_max3A_4 : vector<16xi32>, vector<16xi1> -> vector<16xi32>
    %reduce_max3A_9 = arith.xori %reduce_max3A_8, %reduce_max3A_6 : vector<16xi32>
    %reduce_max3A_10 = vector.extract %reduce_max3A_9[15] : i32 from vector<16xi32>
    "tpu.region"() ({
      %run_scoped3A = tpu.sem_alloc : memref<!tpu.dma_semaphore, #tpu.memory_space<semaphore_mem>>
      %dma_start3A = arith.constant 0 : i32
      %dma_start3A_17 = tpu.memref_slice %arg3[%mul3A_2, %dma_start3A] : memref<8192x64xf32, #tpu.memory_space<hbm>> -> memref<256x64xf32, #tpu.memory_space<hbm>>
      %dma_start3A_18 = arith.constant 0 : i32
      %dma_start3A_19 = tpu.memref_slice %arg3[%mul3A_2, %dma_start3A_18] : memref<8192x64xf32, #tpu.memory_space<hbm>> -> memref<256x64xf32, #tpu.memory_space<hbm>>
      tpu.enqueue_dma source(%dma_start3A_19 : memref<256x64xf32, #tpu.memory_space<hbm>>) target(%arg8 : memref<256x64xf32, #tpu.memory_space<vmem>>) target_semaphore(%run_scoped3A : memref<!tpu.dma_semaphore, #tpu.memory_space<semaphore_mem>>)
      %dma_wait3A = arith.constant 0 : i32
      %dma_wait3A_20 = tpu.memref_slice %arg3[%mul3A_2, %dma_wait3A] : memref<8192x64xf32, #tpu.memory_space<hbm>> -> memref<256x64xf32, #tpu.memory_space<hbm>>
      %dma_wait3A_21 = arith.constant 0 : i32
      %dma_wait3A_22 = tpu.memref_slice %arg3[%mul3A_2, %dma_wait3A_21] : memref<8192x64xf32, #tpu.memory_space<hbm>> -> memref<256x64xf32, #tpu.memory_space<hbm>>
      tpu.wait_dma2 semaphore(%run_scoped3A : memref<!tpu.dma_semaphore, #tpu.memory_space<semaphore_mem>>) src(%dma_wait3A_22 : memref<256x64xf32, #tpu.memory_space<hbm>>) dst(%arg8 : memref<256x64xf32, #tpu.memory_space<vmem>>)
      tpu.yield
    }) : () -> ()
    %iota3A = tpu.iota {dimensions = array<i32: 0>} : vector<16xi32>
    %scan3A = arith.constant 0 : i32
    %scan3A_11 = arith.constant 0 : i32
    %scan3A_12 = arith.constant 16 : i32
    %scan3A_13 = arith.addi %scan3A_11, %scan3A_12 : i32
    %scan3A_14 = arith.constant 1 : i32
    scf.for %scan3A_17 = %scan3A_11 to %scan3A_13 step %scan3A_14  : i32 {
      %mul3A_18 = arith.constant 16 : i32
      %mul3A_19 = arith.muli %scan3A_17, %mul3A_18 : i32
      %add3A_20 = vector.broadcast %mul3A_19 : i32 to vector<16xi32>
      %add3A_21 = arith.addi %add3A_20, %iota3A : vector<16xi32>
      %broadcast_in_dim3A = arith.constant 0xFF800000 : f32
      %broadcast_in_dim3A_22 = vector.broadcast %broadcast_in_dim3A : f32 to vector<16xf32>
      %broadcast_in_dim3A_23 = arith.constant 0 : i32
      %broadcast_in_dim3A_24 = vector.broadcast %broadcast_in_dim3A_23 : i32 to vector<16xi32>
      %scan3A_25 = arith.constant 0 : i32
      %scan3A_26 = arith.constant 64 : i32
      %scan3A_27 = arith.addi %scan3A_25, %scan3A_26 : i32
      %scan3A_28 = arith.constant 1 : i32
      %scan3A_29:16 = scf.for %scan3A_78 = %scan3A_25 to %scan3A_27 step %scan3A_28 iter_args(%scan3A_79 = %broadcast_in_dim3A_22, %scan3A_80 = %broadcast_in_dim3A_22, %scan3A_81 = %broadcast_in_dim3A_22, %scan3A_82 = %broadcast_in_dim3A_22, %scan3A_83 = %broadcast_in_dim3A_22, %scan3A_84 = %broadcast_in_dim3A_22, %scan3A_85 = %broadcast_in_dim3A_22, %scan3A_86 = %broadcast_in_dim3A_22, %scan3A_87 = %broadcast_in_dim3A_24, %scan3A_88 = %broadcast_in_dim3A_24, %scan3A_89 = %broadcast_in_dim3A_24, %scan3A_90 = %broadcast_in_dim3A_24, %scan3A_91 = %broadcast_in_dim3A_24, %scan3A_92 = %broadcast_in_dim3A_24, %scan3A_93 = %broadcast_in_dim3A_24, %scan3A_94 = %broadcast_in_dim3A_24) -> (vector<16xf32>, vector<16xf32>, vector<16xf32>, vector<16xf32>, vector<16xf32>, vector<16xf32>, vector<16xf32>, vector<16xf32>, vector<16xi32>, vector<16xi32>, vector<16xi32>, vector<16xi32>, vector<16xi32>, vector<16xi32>, vector<16xi32>, vector<16xi32>)  : i32 {
        %broadcast_in_dim3A_95 = vector.broadcast %scan3A_78 : i32 to vector<16xi32>
        %gather3A = tpu.vector_load_idx %arg8[%add3A_21, %broadcast_in_dim3A_95] : memref<256x64xf32, #tpu.memory_space<vmem>>[vector<16xi32>, vector<16xi32>], vector<16xf32>,
        %broadcast_in_dim3A_96 = vector.broadcast %scan3A_78 : i32 to vector<16xi32>
        %gt3A = arith.cmpf ogt, %gather3A, %scan3A_79 : vector<16xf32>
        %gt3A_97 = arith.cmpf ogt, %gather3A, %scan3A_80 : vector<16xf32>
        %gt3A_98 = arith.cmpf ogt, %gather3A, %scan3A_81 : vector<16xf32>
        %gt3A_99 = arith.cmpf ogt, %gather3A, %scan3A_82 : vector<16xf32>
        %gt3A_100 = arith.cmpf ogt, %gather3A, %scan3A_83 : vector<16xf32>
        %gt3A_101 = arith.cmpf ogt, %gather3A, %scan3A_84 : vector<16xf32>
        %gt3A_102 = arith.cmpf ogt, %gather3A, %scan3A_85 : vector<16xf32>
        %gt3A_103 = arith.cmpf ogt, %gather3A, %scan3A_86 : vector<16xf32>
        %select_n3A = arith.select %gt3A, %gather3A, %scan3A_79 : vector<16xi1>, vector<16xf32>
        %select_n3A_104 = arith.select %gt3A, %broadcast_in_dim3A_96, %scan3A_87 : vector<16xi1>, vector<16xi32>
        %select_n3A_105 = arith.select %gt3A, %scan3A_79, %gather3A : vector<16xi1>, vector<16xf32>
        %select_n3A_106 = arith.select %gt3A_97, %select_n3A_105, %scan3A_80 : vector<16xi1>, vector<16xf32>
        %select_n3A_107 = arith.select %gt3A, %scan3A_87, %broadcast_in_dim3A_96 : vector<16xi1>, vector<16xi32>
        %select_n3A_108 = arith.select %gt3A_97, %select_n3A_107, %scan3A_88 : vector<16xi1>, vector<16xi32>
        %select_n3A_109 = arith.select %gt3A_97, %scan3A_80, %gather3A : vector<16xi1>, vector<16xf32>
        %select_n3A_110 = arith.select %gt3A_98, %select_n3A_109, %scan3A_81 : vector<16xi1>, vector<16xf32>
        %select_n3A_111 = arith.select %gt3A_97, %scan3A_88, %broadcast_in_dim3A_96 : vector<16xi1>, vector<16xi32>
        %select_n3A_112 = arith.select %gt3A_98, %select_n3A_111, %scan3A_89 : vector<16xi1>, vector<16xi32>
        %select_n3A_113 = arith.select %gt3A_98, %scan3A_81, %gather3A : vector<16xi1>, vector<16xf32>
        %select_n3A_114 = arith.select %gt3A_99, %select_n3A_113, %scan3A_82 : vector<16xi1>, vector<16xf32>
        %select_n3A_115 = arith.select %gt3A_98, %scan3A_89, %broadcast_in_dim3A_96 : vector<16xi1>, vector<16xi32>
        %select_n3A_116 = arith.select %gt3A_99, %select_n3A_115, %scan3A_90 : vector<16xi1>, vector<16xi32>
        %select_n3A_117 = arith.select %gt3A_99, %scan3A_82, %gather3A : vector<16xi1>, vector<16xf32>
        %select_n3A_118 = arith.select %gt3A_100, %select_n3A_117, %scan3A_83 : vector<16xi1>, vector<16xf32>
        %select_n3A_119 = arith.select %gt3A_99, %scan3A_90, %broadcast_in_dim3A_96 : vector<16xi1>, vector<16xi32>
        %select_n3A_120 = arith.select %gt3A_100, %select_n3A_119, %scan3A_91 : vector<16xi1>, vector<16xi32>
        %select_n3A_121 = arith.select %gt3A_100, %scan3A_83, %gather3A : vector<16xi1>, vector<16xf32>
        %select_n3A_122 = arith.select %gt3A_101, %select_n3A_121, %scan3A_84 : vector<16xi1>, vector<16xf32>
        %select_n3A_123 = arith.select %gt3A_100, %scan3A_91, %broadcast_in_dim3A_96 : vector<16xi1>, vector<16xi32>
        %select_n3A_124 = arith.select %gt3A_101, %select_n3A_123, %scan3A_92 : vector<16xi1>, vector<16xi32>
        %select_n3A_125 = arith.select %gt3A_101, %scan3A_84, %gather3A : vector<16xi1>, vector<16xf32>
        %select_n3A_126 = arith.select %gt3A_102, %select_n3A_125, %scan3A_85 : vector<16xi1>, vector<16xf32>
        %select_n3A_127 = arith.select %gt3A_101, %scan3A_92, %broadcast_in_dim3A_96 : vector<16xi1>, vector<16xi32>
        %select_n3A_128 = arith.select %gt3A_102, %select_n3A_127, %scan3A_93 : vector<16xi1>, vector<16xi32>
        %select_n3A_129 = arith.select %gt3A_102, %scan3A_85, %gather3A : vector<16xi1>, vector<16xf32>
        %select_n3A_130 = arith.select %gt3A_103, %select_n3A_129, %scan3A_86 : vector<16xi1>, vector<16xf32>
        %select_n3A_131 = arith.select %gt3A_102, %scan3A_93, %broadcast_in_dim3A_96 : vector<16xi1>, vector<16xi32>
        %select_n3A_132 = arith.select %gt3A_103, %select_n3A_131, %scan3A_94 : vector<16xi1>, vector<16xi32>
        scf.yield %select_n3A, %select_n3A_106, %select_n3A_110, %select_n3A_114, %select_n3A_118, %select_n3A_122, %select_n3A_126, %select_n3A_130, %select_n3A_104, %select_n3A_108, %select_n3A_112, %select_n3A_116, %select_n3A_120, %select_n3A_124, %select_n3A_128, %select_n3A_132 : vector<16xf32>, vector<16xf32>, vector<16xf32>, vector<16xf32>, vector<16xf32>, vector<16xf32>, vector<16xf32>, vector<16xf32>, vector<16xi32>, vector<16xi32>, vector<16xi32>, vector<16xi32>, vector<16xi32>, vector<16xi32>, vector<16xi32>, vector<16xi32>
      }
      %scan3A_30 = arith.constant 64 : i32
      %sub3A = arith.subf %scan3A_29#0, %scan3A_29#0 : vector<16xf32>
      %exp3A = math.exp %sub3A : vector<16xf32>
      %sub3A_31 = arith.subf %scan3A_29#1, %scan3A_29#0 : vector<16xf32>
      %exp3A_32 = math.exp %sub3A_31 : vector<16xf32>
      %sub3A_33 = arith.subf %scan3A_29#2, %scan3A_29#0 : vector<16xf32>
      %exp3A_34 = math.exp %sub3A_33 : vector<16xf32>
      %sub3A_35 = arith.subf %scan3A_29#3, %scan3A_29#0 : vector<16xf32>
      %exp3A_36 = math.exp %sub3A_35 : vector<16xf32>
      %sub3A_37 = arith.subf %scan3A_29#4, %scan3A_29#0 : vector<16xf32>
      %exp3A_38 = math.exp %sub3A_37 : vector<16xf32>
      %sub3A_39 = arith.subf %scan3A_29#5, %scan3A_29#0 : vector<16xf32>
      %exp3A_40 = math.exp %sub3A_39 : vector<16xf32>
      %sub3A_41 = arith.subf %scan3A_29#6, %scan3A_29#0 : vector<16xf32>
      %exp3A_42 = math.exp %sub3A_41 : vector<16xf32>
      %sub3A_43 = arith.subf %scan3A_29#7, %scan3A_29#0 : vector<16xf32>
      %exp3A_44 = math.exp %sub3A_43 : vector<16xf32>
      %add3A_45 = arith.addf %exp3A, %exp3A_32 : vector<16xf32>
      %add3A_46 = arith.addf %add3A_45, %exp3A_34 : vector<16xf32>
      %add3A_47 = arith.addf %add3A_46, %exp3A_36 : vector<16xf32>
      %add3A_48 = arith.addf %add3A_47, %exp3A_38 : vector<16xf32>
      %add3A_49 = arith.addf %add3A_48, %exp3A_40 : vector<16xf32>
      %add3A_50 = arith.addf %add3A_49, %exp3A_42 : vector<16xf32>
      %add3A_51 = arith.addf %add3A_50, %exp3A_44 : vector<16xf32>
      %div3A = arith.constant 1.000000e+00 : f32
      %div3A_52 = vector.broadcast %div3A : f32 to vector<16xf32>
      %div3A_53 = arith.divf %div3A_52, %add3A_51 : vector<16xf32>
      %broadcast_in_dim3A_54 = arith.constant 0 : i32
      %broadcast_in_dim3A_55 = vector.broadcast %broadcast_in_dim3A_54 : i32 to vector<16xi32>
      %mul3A_56 = arith.mulf %exp3A, %div3A_53 : vector<16xf32>
      tpu.vector_store_idx %arg10[%add3A_21, %broadcast_in_dim3A_55], %mul3A_56 : memref<256x8xf32, #tpu.memory_space<vmem>>[vector<16xi32>, vector<16xi32>], vector<16xf32>,
      tpu.vector_store_idx %arg9[%add3A_21, %broadcast_in_dim3A_55], %scan3A_29#8 : memref<256x8xi32, #tpu.memory_space<vmem>>[vector<16xi32>, vector<16xi32>], vector<16xi32>,
      %broadcast_in_dim3A_57 = arith.constant 1 : i32
      %broadcast_in_dim3A_58 = vector.broadcast %broadcast_in_dim3A_57 : i32 to vector<16xi32>
      %mul3A_59 = arith.mulf %exp3A_32, %div3A_53 : vector<16xf32>
      tpu.vector_store_idx %arg10[%add3A_21, %broadcast_in_dim3A_58], %mul3A_59 : memref<256x8xf32, #tpu.memory_space<vmem>>[vector<16xi32>, vector<16xi32>], vector<16xf32>,
      tpu.vector_store_idx %arg9[%add3A_21, %broadcast_in_dim3A_58], %scan3A_29#9 : memref<256x8xi32, #tpu.memory_space<vmem>>[vector<16xi32>, vector<16xi32>], vector<16xi32>,
      %broadcast_in_dim3A_60 = arith.constant 2 : i32
      %broadcast_in_dim3A_61 = vector.broadcast %broadcast_in_dim3A_60 : i32 to vector<16xi32>
      %mul3A_62 = arith.mulf %exp3A_34, %div3A_53 : vector<16xf32>
      tpu.vector_store_idx %arg10[%add3A_21, %broadcast_in_dim3A_61], %mul3A_62 : memref<256x8xf32, #tpu.memory_space<vmem>>[vector<16xi32>, vector<16xi32>], vector<16xf32>,
      tpu.vector_store_idx %arg9[%add3A_21, %broadcast_in_dim3A_61], %scan3A_29#10 : memref<256x8xi32, #tpu.memory_space<vmem>>[vector<16xi32>, vector<16xi32>], vector<16xi32>,
      %broadcast_in_dim3A_63 = arith.constant 3 : i32
      %broadcast_in_dim3A_64 = vector.broadcast %broadcast_in_dim3A_63 : i32 to vector<16xi32>
      %mul3A_65 = arith.mulf %exp3A_36, %div3A_53 : vector<16xf32>
      tpu.vector_store_idx %arg10[%add3A_21, %broadcast_in_dim3A_64], %mul3A_65 : memref<256x8xf32, #tpu.memory_space<vmem>>[vector<16xi32>, vector<16xi32>], vector<16xf32>,
      tpu.vector_store_idx %arg9[%add3A_21, %broadcast_in_dim3A_64], %scan3A_29#11 : memref<256x8xi32, #tpu.memory_space<vmem>>[vector<16xi32>, vector<16xi32>], vector<16xi32>,
      %broadcast_in_dim3A_66 = arith.constant 4 : i32
      %broadcast_in_dim3A_67 = vector.broadcast %broadcast_in_dim3A_66 : i32 to vector<16xi32>
      %mul3A_68 = arith.mulf %exp3A_38, %div3A_53 : vector<16xf32>
      tpu.vector_store_idx %arg10[%add3A_21, %broadcast_in_dim3A_67], %mul3A_68 : memref<256x8xf32, #tpu.memory_space<vmem>>[vector<16xi32>, vector<16xi32>], vector<16xf32>,
      tpu.vector_store_idx %arg9[%add3A_21, %broadcast_in_dim3A_67], %scan3A_29#12 : memref<256x8xi32, #tpu.memory_space<vmem>>[vector<16xi32>, vector<16xi32>], vector<16xi32>,
      %broadcast_in_dim3A_69 = arith.constant 5 : i32
      %broadcast_in_dim3A_70 = vector.broadcast %broadcast_in_dim3A_69 : i32 to vector<16xi32>
      %mul3A_71 = arith.mulf %exp3A_40, %div3A_53 : vector<16xf32>
      tpu.vector_store_idx %arg10[%add3A_21, %broadcast_in_dim3A_70], %mul3A_71 : memref<256x8xf32, #tpu.memory_space<vmem>>[vector<16xi32>, vector<16xi32>], vector<16xf32>,
      tpu.vector_store_idx %arg9[%add3A_21, %broadcast_in_dim3A_70], %scan3A_29#13 : memref<256x8xi32, #tpu.memory_space<vmem>>[vector<16xi32>, vector<16xi32>], vector<16xi32>,
      %broadcast_in_dim3A_72 = arith.constant 6 : i32
      %broadcast_in_dim3A_73 = vector.broadcast %broadcast_in_dim3A_72 : i32 to vector<16xi32>
      %mul3A_74 = arith.mulf %exp3A_42, %div3A_53 : vector<16xf32>
      tpu.vector_store_idx %arg10[%add3A_21, %broadcast_in_dim3A_73], %mul3A_74 : memref<256x8xf32, #tpu.memory_space<vmem>>[vector<16xi32>, vector<16xi32>], vector<16xf32>,
      tpu.vector_store_idx %arg9[%add3A_21, %broadcast_in_dim3A_73], %scan3A_29#14 : memref<256x8xi32, #tpu.memory_space<vmem>>[vector<16xi32>, vector<16xi32>], vector<16xi32>,
      %broadcast_in_dim3A_75 = arith.constant 7 : i32
      %broadcast_in_dim3A_76 = vector.broadcast %broadcast_in_dim3A_75 : i32 to vector<16xi32>
      %mul3A_77 = arith.mulf %exp3A_44, %div3A_53 : vector<16xf32>
      tpu.vector_store_idx %arg10[%add3A_21, %broadcast_in_dim3A_76], %mul3A_77 : memref<256x8xf32, #tpu.memory_space<vmem>>[vector<16xi32>, vector<16xi32>], vector<16xf32>,
      tpu.vector_store_idx %arg9[%add3A_21, %broadcast_in_dim3A_76], %scan3A_29#15 : memref<256x8xi32, #tpu.memory_space<vmem>>[vector<16xi32>, vector<16xi32>], vector<16xi32>,
    }
    %scan3A_15 = arith.constant 16 : i32
    %add3A_16 = arith.addi %reduce_max3A_10, %mul3A_2 : i32
    %multiple_of3A = tpu.assume_multiple %add3A_16, 32 : i32
    "tpu.region"() ({
      %run_scoped3A = tpu.sem_alloc : memref<!tpu.dma_semaphore, #tpu.memory_space<semaphore_mem>>
      %dma_start3A = arith.constant 0 : i32
      %dma_start3A_17 = tpu.memref_slice %arg4[%multiple_of3A, %dma_start3A] : memref<32768x8xi32, #tpu.memory_space<hbm>> -> memref<256x8xi32, #tpu.memory_space<hbm>>
      %dma_start3A_18 = arith.constant 0 : i32
      %dma_start3A_19 = tpu.memref_slice %arg4[%multiple_of3A, %dma_start3A_18] : memref<32768x8xi32, #tpu.memory_space<hbm>> -> memref<256x8xi32, #tpu.memory_space<hbm>>
      tpu.enqueue_dma source(%arg9 : memref<256x8xi32, #tpu.memory_space<vmem>>) target(%dma_start3A_19 : memref<256x8xi32, #tpu.memory_space<hbm>>) target_semaphore(%run_scoped3A : memref<!tpu.dma_semaphore, #tpu.memory_space<semaphore_mem>>)
      %dma_wait3A = arith.constant 0 : i32
      %dma_wait3A_20 = tpu.memref_slice %arg4[%multiple_of3A, %dma_wait3A] : memref<32768x8xi32, #tpu.memory_space<hbm>> -> memref<256x8xi32, #tpu.memory_space<hbm>>
      %dma_wait3A_21 = arith.constant 0 : i32
      %dma_wait3A_22 = tpu.memref_slice %arg4[%multiple_of3A, %dma_wait3A_21] : memref<32768x8xi32, #tpu.memory_space<hbm>> -> memref<256x8xi32, #tpu.memory_space<hbm>>
      tpu.wait_dma2 semaphore(%run_scoped3A : memref<!tpu.dma_semaphore, #tpu.memory_space<semaphore_mem>>) src(%arg9 : memref<256x8xi32, #tpu.memory_space<vmem>>) dst(%dma_wait3A_22 : memref<256x8xi32, #tpu.memory_space<hbm>>)
      tpu.yield
    }) : () -> ()
    "tpu.region"() ({
      %run_scoped3A = tpu.sem_alloc : memref<!tpu.dma_semaphore, #tpu.memory_space<semaphore_mem>>
      %dma_start3A = arith.constant 0 : i32
      %dma_start3A_17 = tpu.memref_slice %arg5[%multiple_of3A, %dma_start3A] : memref<32768x8xf32, #tpu.memory_space<hbm>> -> memref<256x8xf32, #tpu.memory_space<hbm>>
      %dma_start3A_18 = arith.constant 0 : i32
      %dma_start3A_19 = tpu.memref_slice %arg5[%multiple_of3A, %dma_start3A_18] : memref<32768x8xf32, #tpu.memory_space<hbm>> -> memref<256x8xf32, #tpu.memory_space<hbm>>
      tpu.enqueue_dma source(%arg10 : memref<256x8xf32, #tpu.memory_space<vmem>>) target(%dma_start3A_19 : memref<256x8xf32, #tpu.memory_space<hbm>>) target_semaphore(%run_scoped3A : memref<!tpu.dma_semaphore, #tpu.memory_space<semaphore_mem>>)
      %dma_wait3A = arith.constant 0 : i32
      %dma_wait3A_20 = tpu.memref_slice %arg5[%multiple_of3A, %dma_wait3A] : memref<32768x8xf32, #tpu.memory_space<hbm>> -> memref<256x8xf32, #tpu.memory_space<hbm>>
      %dma_wait3A_21 = arith.constant 0 : i32
      %dma_wait3A_22 = tpu.memref_slice %arg5[%multiple_of3A, %dma_wait3A_21] : memref<32768x8xf32, #tpu.memory_space<hbm>> -> memref<256x8xf32, #tpu.memory_space<hbm>>
      tpu.wait_dma2 semaphore(%run_scoped3A : memref<!tpu.dma_semaphore, #tpu.memory_space<semaphore_mem>>) src(%arg10 : memref<256x8xf32, #tpu.memory_space<vmem>>) dst(%dma_wait3A_22 : memref<256x8xf32, #tpu.memory_space<hbm>>)
      tpu.yield
    }) : () -> ()
    return
  }
}

#map = affine_map<(d0, d1) -> (0)>
#map1 = affine_map<(d0, d1) -> (0, 0)>
module attributes {stable_mosaic.version = 14 : i64} {
  func.func @new_body(%arg0: i32, %arg1: i32, %arg2: memref<16xi32, #tpu.memory_space<hbm>>, %arg3: memref<4096x64xf32, #tpu.memory_space<hbm>>, %arg4: memref<32768x8xi32, #tpu.memory_space<hbm>>, %arg5: memref<32768x8xf32, #tpu.memory_space<hbm>>, %arg6: memref<32768x8xi32, #tpu.memory_space<hbm>>, %arg7: memref<32768x8xf32, #tpu.memory_space<hbm>>, %arg8: memref<128x64xf32, #tpu.memory_space<vmem>>, %arg9: memref<128x8xi32, #tpu.memory_space<vmem>>, %arg10: memref<128x8xf32, #tpu.memory_space<vmem>>, %arg11: memref<16xi32, #tpu.memory_space<vmem>>) attributes {dimension_semantics = [#tpu.dimension_semantics<core_parallel>, #tpu.dimension_semantics<subcore_parallel>], iteration_bounds = array<i64: 2, 16>, scalar_prefetch = 0 : i64, scratch_operands = 4 : i64, tpu.core_type = #tpu.core_type<sc_vector_subcore>, window_params = [{transform_indices = #map}, {transform_indices = #map1}, {transform_indices = #map1}, {transform_indices = #map1}, {transform_indices = #map1}, {transform_indices = #map1}]} {
    %mul3A = arith.constant 2 : i32
    %mul3A_0 = arith.muli %arg1, %mul3A : i32
    %add3A = arith.addi %mul3A_0, %arg0 : i32
    %mul3A_1 = arith.constant 128 : i32
    %mul3A_2 = arith.muli %add3A, %mul3A_1 : i32
    "tpu.region"() ({
      %run_scoped3A = tpu.sem_alloc : memref<!tpu.dma_semaphore, #tpu.memory_space<semaphore_mem>>
      tpu.enqueue_dma source(%arg2 : memref<16xi32, #tpu.memory_space<hbm>>) target(%arg11 : memref<16xi32, #tpu.memory_space<vmem>>) target_semaphore(%run_scoped3A : memref<!tpu.dma_semaphore, #tpu.memory_space<semaphore_mem>>)
      tpu.wait_dma2 semaphore(%run_scoped3A : memref<!tpu.dma_semaphore, #tpu.memory_space<semaphore_mem>>) src(%arg2 : memref<16xi32, #tpu.memory_space<hbm>>) dst(%arg11 : memref<16xi32, #tpu.memory_space<vmem>>)
      tpu.yield
    }) : () -> ()
    %get3A = arith.constant 0 : index
    %get3A_3 = tpu.vector_load %arg11[%get3A] {strides = array<i32>} : memref<16xi32, #tpu.memory_space<vmem>>, vector<16xi32>,
    %reduce_max3A = arith.constant true
    %reduce_max3A_4 = vector.broadcast %reduce_max3A : i1 to vector<16xi1>
    %reduce_max3A_5 = arith.constant -2147483648 : i32
    %reduce_max3A_6 = vector.broadcast %reduce_max3A_5 : i32 to vector<16xi32>
    %reduce_max3A_7 = arith.xori %get3A_3, %reduce_max3A_6 : vector<16xi32>
    %reduce_max3A_8 = tpu.scan <max>, %reduce_max3A_7 masked %reduce_max3A_4 : vector<16xi32>, vector<16xi1> -> vector<16xi32>
    %reduce_max3A_9 = arith.xori %reduce_max3A_8, %reduce_max3A_6 : vector<16xi32>
    %reduce_max3A_10 = vector.extract %reduce_max3A_9[15] : i32 from vector<16xi32>
    "tpu.region"() ({
      %run_scoped3A = tpu.sem_alloc : memref<!tpu.dma_semaphore, #tpu.memory_space<semaphore_mem>>
      %dma_start3A = arith.constant 0 : i32
      %dma_start3A_17 = tpu.memref_slice %arg3[%mul3A_2, %dma_start3A] : memref<4096x64xf32, #tpu.memory_space<hbm>> -> memref<128x64xf32, #tpu.memory_space<hbm>>
      %dma_start3A_18 = arith.constant 0 : i32
      %dma_start3A_19 = tpu.memref_slice %arg3[%mul3A_2, %dma_start3A_18] : memref<4096x64xf32, #tpu.memory_space<hbm>> -> memref<128x64xf32, #tpu.memory_space<hbm>>
      tpu.enqueue_dma source(%dma_start3A_19 : memref<128x64xf32, #tpu.memory_space<hbm>>) target(%arg8 : memref<128x64xf32, #tpu.memory_space<vmem>>) target_semaphore(%run_scoped3A : memref<!tpu.dma_semaphore, #tpu.memory_space<semaphore_mem>>)
      %dma_wait3A = arith.constant 0 : i32
      %dma_wait3A_20 = tpu.memref_slice %arg3[%mul3A_2, %dma_wait3A] : memref<4096x64xf32, #tpu.memory_space<hbm>> -> memref<128x64xf32, #tpu.memory_space<hbm>>
      %dma_wait3A_21 = arith.constant 0 : i32
      %dma_wait3A_22 = tpu.memref_slice %arg3[%mul3A_2, %dma_wait3A_21] : memref<4096x64xf32, #tpu.memory_space<hbm>> -> memref<128x64xf32, #tpu.memory_space<hbm>>
      tpu.wait_dma2 semaphore(%run_scoped3A : memref<!tpu.dma_semaphore, #tpu.memory_space<semaphore_mem>>) src(%dma_wait3A_22 : memref<128x64xf32, #tpu.memory_space<hbm>>) dst(%arg8 : memref<128x64xf32, #tpu.memory_space<vmem>>)
      tpu.yield
    }) : () -> ()
    %iota3A = tpu.iota {dimensions = array<i32: 0>} : vector<16xi32>
    %scan3A = arith.constant 0 : i32
    %scan3A_11 = arith.constant 0 : i32
    %scan3A_12 = arith.constant 8 : i32
    %scan3A_13 = arith.addi %scan3A_11, %scan3A_12 : i32
    %scan3A_14 = arith.constant 1 : i32
    scf.for %scan3A_17 = %scan3A_11 to %scan3A_13 step %scan3A_14  : i32 {
      %mul3A_18 = arith.constant 16 : i32
      %mul3A_19 = arith.muli %scan3A_17, %mul3A_18 : i32
      %add3A_20 = vector.broadcast %mul3A_19 : i32 to vector<16xi32>
      %add3A_21 = arith.addi %add3A_20, %iota3A : vector<16xi32>
      %broadcast_in_dim3A = arith.constant 0xFF800000 : f32
      %broadcast_in_dim3A_22 = vector.broadcast %broadcast_in_dim3A : f32 to vector<16xf32>
      %broadcast_in_dim3A_23 = arith.constant 0 : i32
      %broadcast_in_dim3A_24 = vector.broadcast %broadcast_in_dim3A_23 : i32 to vector<16xi32>
      %scan3A_25 = arith.constant 0 : i32
      %scan3A_26 = arith.constant 64 : i32
      %scan3A_27 = arith.addi %scan3A_25, %scan3A_26 : i32
      %scan3A_28 = arith.constant 1 : i32
      %scan3A_29:16 = scf.for %scan3A_78 = %scan3A_25 to %scan3A_27 step %scan3A_28 iter_args(%scan3A_79 = %broadcast_in_dim3A_22, %scan3A_80 = %broadcast_in_dim3A_22, %scan3A_81 = %broadcast_in_dim3A_22, %scan3A_82 = %broadcast_in_dim3A_22, %scan3A_83 = %broadcast_in_dim3A_22, %scan3A_84 = %broadcast_in_dim3A_22, %scan3A_85 = %broadcast_in_dim3A_22, %scan3A_86 = %broadcast_in_dim3A_22, %scan3A_87 = %broadcast_in_dim3A_24, %scan3A_88 = %broadcast_in_dim3A_24, %scan3A_89 = %broadcast_in_dim3A_24, %scan3A_90 = %broadcast_in_dim3A_24, %scan3A_91 = %broadcast_in_dim3A_24, %scan3A_92 = %broadcast_in_dim3A_24, %scan3A_93 = %broadcast_in_dim3A_24, %scan3A_94 = %broadcast_in_dim3A_24) -> (vector<16xf32>, vector<16xf32>, vector<16xf32>, vector<16xf32>, vector<16xf32>, vector<16xf32>, vector<16xf32>, vector<16xf32>, vector<16xi32>, vector<16xi32>, vector<16xi32>, vector<16xi32>, vector<16xi32>, vector<16xi32>, vector<16xi32>, vector<16xi32>)  : i32 {
        %broadcast_in_dim3A_95 = vector.broadcast %scan3A_78 : i32 to vector<16xi32>
        %gather3A = tpu.vector_load_idx %arg8[%add3A_21, %broadcast_in_dim3A_95] : memref<128x64xf32, #tpu.memory_space<vmem>>[vector<16xi32>, vector<16xi32>], vector<16xf32>,
        %broadcast_in_dim3A_96 = vector.broadcast %scan3A_78 : i32 to vector<16xi32>
        %gt3A = arith.cmpf ogt, %gather3A, %scan3A_79 : vector<16xf32>
        %gt3A_97 = arith.cmpf ogt, %gather3A, %scan3A_80 : vector<16xf32>
        %gt3A_98 = arith.cmpf ogt, %gather3A, %scan3A_81 : vector<16xf32>
        %gt3A_99 = arith.cmpf ogt, %gather3A, %scan3A_82 : vector<16xf32>
        %gt3A_100 = arith.cmpf ogt, %gather3A, %scan3A_83 : vector<16xf32>
        %gt3A_101 = arith.cmpf ogt, %gather3A, %scan3A_84 : vector<16xf32>
        %gt3A_102 = arith.cmpf ogt, %gather3A, %scan3A_85 : vector<16xf32>
        %gt3A_103 = arith.cmpf ogt, %gather3A, %scan3A_86 : vector<16xf32>
        %select_n3A = arith.select %gt3A, %gather3A, %scan3A_79 : vector<16xi1>, vector<16xf32>
        %select_n3A_104 = arith.select %gt3A, %broadcast_in_dim3A_96, %scan3A_87 : vector<16xi1>, vector<16xi32>
        %select_n3A_105 = arith.select %gt3A, %scan3A_79, %gather3A : vector<16xi1>, vector<16xf32>
        %select_n3A_106 = arith.select %gt3A_97, %select_n3A_105, %scan3A_80 : vector<16xi1>, vector<16xf32>
        %select_n3A_107 = arith.select %gt3A, %scan3A_87, %broadcast_in_dim3A_96 : vector<16xi1>, vector<16xi32>
        %select_n3A_108 = arith.select %gt3A_97, %select_n3A_107, %scan3A_88 : vector<16xi1>, vector<16xi32>
        %select_n3A_109 = arith.select %gt3A_97, %scan3A_80, %gather3A : vector<16xi1>, vector<16xf32>
        %select_n3A_110 = arith.select %gt3A_98, %select_n3A_109, %scan3A_81 : vector<16xi1>, vector<16xf32>
        %select_n3A_111 = arith.select %gt3A_97, %scan3A_88, %broadcast_in_dim3A_96 : vector<16xi1>, vector<16xi32>
        %select_n3A_112 = arith.select %gt3A_98, %select_n3A_111, %scan3A_89 : vector<16xi1>, vector<16xi32>
        %select_n3A_113 = arith.select %gt3A_98, %scan3A_81, %gather3A : vector<16xi1>, vector<16xf32>
        %select_n3A_114 = arith.select %gt3A_99, %select_n3A_113, %scan3A_82 : vector<16xi1>, vector<16xf32>
        %select_n3A_115 = arith.select %gt3A_98, %scan3A_89, %broadcast_in_dim3A_96 : vector<16xi1>, vector<16xi32>
        %select_n3A_116 = arith.select %gt3A_99, %select_n3A_115, %scan3A_90 : vector<16xi1>, vector<16xi32>
        %select_n3A_117 = arith.select %gt3A_99, %scan3A_82, %gather3A : vector<16xi1>, vector<16xf32>
        %select_n3A_118 = arith.select %gt3A_100, %select_n3A_117, %scan3A_83 : vector<16xi1>, vector<16xf32>
        %select_n3A_119 = arith.select %gt3A_99, %scan3A_90, %broadcast_in_dim3A_96 : vector<16xi1>, vector<16xi32>
        %select_n3A_120 = arith.select %gt3A_100, %select_n3A_119, %scan3A_91 : vector<16xi1>, vector<16xi32>
        %select_n3A_121 = arith.select %gt3A_100, %scan3A_83, %gather3A : vector<16xi1>, vector<16xf32>
        %select_n3A_122 = arith.select %gt3A_101, %select_n3A_121, %scan3A_84 : vector<16xi1>, vector<16xf32>
        %select_n3A_123 = arith.select %gt3A_100, %scan3A_91, %broadcast_in_dim3A_96 : vector<16xi1>, vector<16xi32>
        %select_n3A_124 = arith.select %gt3A_101, %select_n3A_123, %scan3A_92 : vector<16xi1>, vector<16xi32>
        %select_n3A_125 = arith.select %gt3A_101, %scan3A_84, %gather3A : vector<16xi1>, vector<16xf32>
        %select_n3A_126 = arith.select %gt3A_102, %select_n3A_125, %scan3A_85 : vector<16xi1>, vector<16xf32>
        %select_n3A_127 = arith.select %gt3A_101, %scan3A_92, %broadcast_in_dim3A_96 : vector<16xi1>, vector<16xi32>
        %select_n3A_128 = arith.select %gt3A_102, %select_n3A_127, %scan3A_93 : vector<16xi1>, vector<16xi32>
        %select_n3A_129 = arith.select %gt3A_102, %scan3A_85, %gather3A : vector<16xi1>, vector<16xf32>
        %select_n3A_130 = arith.select %gt3A_103, %select_n3A_129, %scan3A_86 : vector<16xi1>, vector<16xf32>
        %select_n3A_131 = arith.select %gt3A_102, %scan3A_93, %broadcast_in_dim3A_96 : vector<16xi1>, vector<16xi32>
        %select_n3A_132 = arith.select %gt3A_103, %select_n3A_131, %scan3A_94 : vector<16xi1>, vector<16xi32>
        scf.yield %select_n3A, %select_n3A_106, %select_n3A_110, %select_n3A_114, %select_n3A_118, %select_n3A_122, %select_n3A_126, %select_n3A_130, %select_n3A_104, %select_n3A_108, %select_n3A_112, %select_n3A_116, %select_n3A_120, %select_n3A_124, %select_n3A_128, %select_n3A_132 : vector<16xf32>, vector<16xf32>, vector<16xf32>, vector<16xf32>, vector<16xf32>, vector<16xf32>, vector<16xf32>, vector<16xf32>, vector<16xi32>, vector<16xi32>, vector<16xi32>, vector<16xi32>, vector<16xi32>, vector<16xi32>, vector<16xi32>, vector<16xi32>
      }
      %scan3A_30 = arith.constant 64 : i32
      %sub3A = arith.subf %scan3A_29#0, %scan3A_29#0 : vector<16xf32>
      %exp3A = math.exp %sub3A : vector<16xf32>
      %sub3A_31 = arith.subf %scan3A_29#1, %scan3A_29#0 : vector<16xf32>
      %exp3A_32 = math.exp %sub3A_31 : vector<16xf32>
      %sub3A_33 = arith.subf %scan3A_29#2, %scan3A_29#0 : vector<16xf32>
      %exp3A_34 = math.exp %sub3A_33 : vector<16xf32>
      %sub3A_35 = arith.subf %scan3A_29#3, %scan3A_29#0 : vector<16xf32>
      %exp3A_36 = math.exp %sub3A_35 : vector<16xf32>
      %sub3A_37 = arith.subf %scan3A_29#4, %scan3A_29#0 : vector<16xf32>
      %exp3A_38 = math.exp %sub3A_37 : vector<16xf32>
      %sub3A_39 = arith.subf %scan3A_29#5, %scan3A_29#0 : vector<16xf32>
      %exp3A_40 = math.exp %sub3A_39 : vector<16xf32>
      %sub3A_41 = arith.subf %scan3A_29#6, %scan3A_29#0 : vector<16xf32>
      %exp3A_42 = math.exp %sub3A_41 : vector<16xf32>
      %sub3A_43 = arith.subf %scan3A_29#7, %scan3A_29#0 : vector<16xf32>
      %exp3A_44 = math.exp %sub3A_43 : vector<16xf32>
      %add3A_45 = arith.addf %exp3A, %exp3A_32 : vector<16xf32>
      %add3A_46 = arith.addf %add3A_45, %exp3A_34 : vector<16xf32>
      %add3A_47 = arith.addf %add3A_46, %exp3A_36 : vector<16xf32>
      %add3A_48 = arith.addf %add3A_47, %exp3A_38 : vector<16xf32>
      %add3A_49 = arith.addf %add3A_48, %exp3A_40 : vector<16xf32>
      %add3A_50 = arith.addf %add3A_49, %exp3A_42 : vector<16xf32>
      %add3A_51 = arith.addf %add3A_50, %exp3A_44 : vector<16xf32>
      %div3A = arith.constant 1.000000e+00 : f32
      %div3A_52 = vector.broadcast %div3A : f32 to vector<16xf32>
      %div3A_53 = arith.divf %div3A_52, %add3A_51 : vector<16xf32>
      %broadcast_in_dim3A_54 = arith.constant 0 : i32
      %broadcast_in_dim3A_55 = vector.broadcast %broadcast_in_dim3A_54 : i32 to vector<16xi32>
      %mul3A_56 = arith.mulf %exp3A, %div3A_53 : vector<16xf32>
      tpu.vector_store_idx %arg10[%add3A_21, %broadcast_in_dim3A_55], %mul3A_56 : memref<128x8xf32, #tpu.memory_space<vmem>>[vector<16xi32>, vector<16xi32>], vector<16xf32>,
      tpu.vector_store_idx %arg9[%add3A_21, %broadcast_in_dim3A_55], %scan3A_29#8 : memref<128x8xi32, #tpu.memory_space<vmem>>[vector<16xi32>, vector<16xi32>], vector<16xi32>,
      %broadcast_in_dim3A_57 = arith.constant 1 : i32
      %broadcast_in_dim3A_58 = vector.broadcast %broadcast_in_dim3A_57 : i32 to vector<16xi32>
      %mul3A_59 = arith.mulf %exp3A_32, %div3A_53 : vector<16xf32>
      tpu.vector_store_idx %arg10[%add3A_21, %broadcast_in_dim3A_58], %mul3A_59 : memref<128x8xf32, #tpu.memory_space<vmem>>[vector<16xi32>, vector<16xi32>], vector<16xf32>,
      tpu.vector_store_idx %arg9[%add3A_21, %broadcast_in_dim3A_58], %scan3A_29#9 : memref<128x8xi32, #tpu.memory_space<vmem>>[vector<16xi32>, vector<16xi32>], vector<16xi32>,
      %broadcast_in_dim3A_60 = arith.constant 2 : i32
      %broadcast_in_dim3A_61 = vector.broadcast %broadcast_in_dim3A_60 : i32 to vector<16xi32>
      %mul3A_62 = arith.mulf %exp3A_34, %div3A_53 : vector<16xf32>
      tpu.vector_store_idx %arg10[%add3A_21, %broadcast_in_dim3A_61], %mul3A_62 : memref<128x8xf32, #tpu.memory_space<vmem>>[vector<16xi32>, vector<16xi32>], vector<16xf32>,
      tpu.vector_store_idx %arg9[%add3A_21, %broadcast_in_dim3A_61], %scan3A_29#10 : memref<128x8xi32, #tpu.memory_space<vmem>>[vector<16xi32>, vector<16xi32>], vector<16xi32>,
      %broadcast_in_dim3A_63 = arith.constant 3 : i32
      %broadcast_in_dim3A_64 = vector.broadcast %broadcast_in_dim3A_63 : i32 to vector<16xi32>
      %mul3A_65 = arith.mulf %exp3A_36, %div3A_53 : vector<16xf32>
      tpu.vector_store_idx %arg10[%add3A_21, %broadcast_in_dim3A_64], %mul3A_65 : memref<128x8xf32, #tpu.memory_space<vmem>>[vector<16xi32>, vector<16xi32>], vector<16xf32>,
      tpu.vector_store_idx %arg9[%add3A_21, %broadcast_in_dim3A_64], %scan3A_29#11 : memref<128x8xi32, #tpu.memory_space<vmem>>[vector<16xi32>, vector<16xi32>], vector<16xi32>,
      %broadcast_in_dim3A_66 = arith.constant 4 : i32
      %broadcast_in_dim3A_67 = vector.broadcast %broadcast_in_dim3A_66 : i32 to vector<16xi32>
      %mul3A_68 = arith.mulf %exp3A_38, %div3A_53 : vector<16xf32>
      tpu.vector_store_idx %arg10[%add3A_21, %broadcast_in_dim3A_67], %mul3A_68 : memref<128x8xf32, #tpu.memory_space<vmem>>[vector<16xi32>, vector<16xi32>], vector<16xf32>,
      tpu.vector_store_idx %arg9[%add3A_21, %broadcast_in_dim3A_67], %scan3A_29#12 : memref<128x8xi32, #tpu.memory_space<vmem>>[vector<16xi32>, vector<16xi32>], vector<16xi32>,
      %broadcast_in_dim3A_69 = arith.constant 5 : i32
      %broadcast_in_dim3A_70 = vector.broadcast %broadcast_in_dim3A_69 : i32 to vector<16xi32>
      %mul3A_71 = arith.mulf %exp3A_40, %div3A_53 : vector<16xf32>
      tpu.vector_store_idx %arg10[%add3A_21, %broadcast_in_dim3A_70], %mul3A_71 : memref<128x8xf32, #tpu.memory_space<vmem>>[vector<16xi32>, vector<16xi32>], vector<16xf32>,
      tpu.vector_store_idx %arg9[%add3A_21, %broadcast_in_dim3A_70], %scan3A_29#13 : memref<128x8xi32, #tpu.memory_space<vmem>>[vector<16xi32>, vector<16xi32>], vector<16xi32>,
      %broadcast_in_dim3A_72 = arith.constant 6 : i32
      %broadcast_in_dim3A_73 = vector.broadcast %broadcast_in_dim3A_72 : i32 to vector<16xi32>
      %mul3A_74 = arith.mulf %exp3A_42, %div3A_53 : vector<16xf32>
      tpu.vector_store_idx %arg10[%add3A_21, %broadcast_in_dim3A_73], %mul3A_74 : memref<128x8xf32, #tpu.memory_space<vmem>>[vector<16xi32>, vector<16xi32>], vector<16xf32>,
      tpu.vector_store_idx %arg9[%add3A_21, %broadcast_in_dim3A_73], %scan3A_29#14 : memref<128x8xi32, #tpu.memory_space<vmem>>[vector<16xi32>, vector<16xi32>], vector<16xi32>,
      %broadcast_in_dim3A_75 = arith.constant 7 : i32
      %broadcast_in_dim3A_76 = vector.broadcast %broadcast_in_dim3A_75 : i32 to vector<16xi32>
      %mul3A_77 = arith.mulf %exp3A_44, %div3A_53 : vector<16xf32>
      tpu.vector_store_idx %arg10[%add3A_21, %broadcast_in_dim3A_76], %mul3A_77 : memref<128x8xf32, #tpu.memory_space<vmem>>[vector<16xi32>, vector<16xi32>], vector<16xf32>,
      tpu.vector_store_idx %arg9[%add3A_21, %broadcast_in_dim3A_76], %scan3A_29#15 : memref<128x8xi32, #tpu.memory_space<vmem>>[vector<16xi32>, vector<16xi32>], vector<16xi32>,
    }
    %scan3A_15 = arith.constant 8 : i32
    %add3A_16 = arith.addi %reduce_max3A_10, %mul3A_2 : i32
    %multiple_of3A = tpu.assume_multiple %add3A_16, 32 : i32
    "tpu.region"() ({
      %run_scoped3A = tpu.sem_alloc : memref<!tpu.dma_semaphore, #tpu.memory_space<semaphore_mem>>
      %dma_start3A = arith.constant 0 : i32
      %dma_start3A_17 = tpu.memref_slice %arg4[%multiple_of3A, %dma_start3A] : memref<32768x8xi32, #tpu.memory_space<hbm>> -> memref<128x8xi32, #tpu.memory_space<hbm>>
      %dma_start3A_18 = arith.constant 0 : i32
      %dma_start3A_19 = tpu.memref_slice %arg4[%multiple_of3A, %dma_start3A_18] : memref<32768x8xi32, #tpu.memory_space<hbm>> -> memref<128x8xi32, #tpu.memory_space<hbm>>
      tpu.enqueue_dma source(%arg9 : memref<128x8xi32, #tpu.memory_space<vmem>>) target(%dma_start3A_19 : memref<128x8xi32, #tpu.memory_space<hbm>>) target_semaphore(%run_scoped3A : memref<!tpu.dma_semaphore, #tpu.memory_space<semaphore_mem>>)
      %dma_wait3A = arith.constant 0 : i32
      %dma_wait3A_20 = tpu.memref_slice %arg4[%multiple_of3A, %dma_wait3A] : memref<32768x8xi32, #tpu.memory_space<hbm>> -> memref<128x8xi32, #tpu.memory_space<hbm>>
      %dma_wait3A_21 = arith.constant 0 : i32
      %dma_wait3A_22 = tpu.memref_slice %arg4[%multiple_of3A, %dma_wait3A_21] : memref<32768x8xi32, #tpu.memory_space<hbm>> -> memref<128x8xi32, #tpu.memory_space<hbm>>
      tpu.wait_dma2 semaphore(%run_scoped3A : memref<!tpu.dma_semaphore, #tpu.memory_space<semaphore_mem>>) src(%arg9 : memref<128x8xi32, #tpu.memory_space<vmem>>) dst(%dma_wait3A_22 : memref<128x8xi32, #tpu.memory_space<hbm>>)
      tpu.yield
    }) : () -> ()
    "tpu.region"() ({
      %run_scoped3A = tpu.sem_alloc : memref<!tpu.dma_semaphore, #tpu.memory_space<semaphore_mem>>
      %dma_start3A = arith.constant 0 : i32
      %dma_start3A_17 = tpu.memref_slice %arg5[%multiple_of3A, %dma_start3A] : memref<32768x8xf32, #tpu.memory_space<hbm>> -> memref<128x8xf32, #tpu.memory_space<hbm>>
      %dma_start3A_18 = arith.constant 0 : i32
      %dma_start3A_19 = tpu.memref_slice %arg5[%multiple_of3A, %dma_start3A_18] : memref<32768x8xf32, #tpu.memory_space<hbm>> -> memref<128x8xf32, #tpu.memory_space<hbm>>
      tpu.enqueue_dma source(%arg10 : memref<128x8xf32, #tpu.memory_space<vmem>>) target(%dma_start3A_19 : memref<128x8xf32, #tpu.memory_space<hbm>>) target_semaphore(%run_scoped3A : memref<!tpu.dma_semaphore, #tpu.memory_space<semaphore_mem>>)
      %dma_wait3A = arith.constant 0 : i32
      %dma_wait3A_20 = tpu.memref_slice %arg5[%multiple_of3A, %dma_wait3A] : memref<32768x8xf32, #tpu.memory_space<hbm>> -> memref<128x8xf32, #tpu.memory_space<hbm>>
      %dma_wait3A_21 = arith.constant 0 : i32
      %dma_wait3A_22 = tpu.memref_slice %arg5[%multiple_of3A, %dma_wait3A_21] : memref<32768x8xf32, #tpu.memory_space<hbm>> -> memref<128x8xf32, #tpu.memory_space<hbm>>
      tpu.wait_dma2 semaphore(%run_scoped3A : memref<!tpu.dma_semaphore, #tpu.memory_space<semaphore_mem>>) src(%arg10 : memref<128x8xf32, #tpu.memory_space<vmem>>) dst(%dma_wait3A_22 : memref<128x8xf32, #tpu.memory_space<hbm>>)
      tpu.yield
    }) : () -> ()
    return
  }
}

#map = affine_map<(d0, d1) -> (0)>
#map1 = affine_map<(d0, d1) -> (0, 0)>
module attributes {stable_mosaic.version = 14 : i64} {
  func.func @new_body(%arg0: i32, %arg1: i32, %arg2: memref<16xi32, #tpu.memory_space<hbm>>, %arg3: memref<2048x64xf32, #tpu.memory_space<hbm>>, %arg4: memref<32768x8xi32, #tpu.memory_space<hbm>>, %arg5: memref<32768x8xf32, #tpu.memory_space<hbm>>, %arg6: memref<32768x8xi32, #tpu.memory_space<hbm>>, %arg7: memref<32768x8xf32, #tpu.memory_space<hbm>>, %arg8: memref<64x64xf32, #tpu.memory_space<vmem>>, %arg9: memref<64x8xi32, #tpu.memory_space<vmem>>, %arg10: memref<64x8xf32, #tpu.memory_space<vmem>>, %arg11: memref<16xi32, #tpu.memory_space<vmem>>) attributes {dimension_semantics = [#tpu.dimension_semantics<core_parallel>, #tpu.dimension_semantics<subcore_parallel>], iteration_bounds = array<i64: 2, 16>, scalar_prefetch = 0 : i64, scratch_operands = 4 : i64, tpu.core_type = #tpu.core_type<sc_vector_subcore>, window_params = [{transform_indices = #map}, {transform_indices = #map1}, {transform_indices = #map1}, {transform_indices = #map1}, {transform_indices = #map1}, {transform_indices = #map1}]} {
    %mul3A = arith.constant 2 : i32
    %mul3A_0 = arith.muli %arg1, %mul3A : i32
    %add3A = arith.addi %mul3A_0, %arg0 : i32
    %mul3A_1 = arith.constant 64 : i32
    %mul3A_2 = arith.muli %add3A, %mul3A_1 : i32
    "tpu.region"() ({
      %run_scoped3A = tpu.sem_alloc : memref<!tpu.dma_semaphore, #tpu.memory_space<semaphore_mem>>
      tpu.enqueue_dma source(%arg2 : memref<16xi32, #tpu.memory_space<hbm>>) target(%arg11 : memref<16xi32, #tpu.memory_space<vmem>>) target_semaphore(%run_scoped3A : memref<!tpu.dma_semaphore, #tpu.memory_space<semaphore_mem>>)
      tpu.wait_dma2 semaphore(%run_scoped3A : memref<!tpu.dma_semaphore, #tpu.memory_space<semaphore_mem>>) src(%arg2 : memref<16xi32, #tpu.memory_space<hbm>>) dst(%arg11 : memref<16xi32, #tpu.memory_space<vmem>>)
      tpu.yield
    }) : () -> ()
    %get3A = arith.constant 0 : index
    %get3A_3 = tpu.vector_load %arg11[%get3A] {strides = array<i32>} : memref<16xi32, #tpu.memory_space<vmem>>, vector<16xi32>,
    %reduce_max3A = arith.constant true
    %reduce_max3A_4 = vector.broadcast %reduce_max3A : i1 to vector<16xi1>
    %reduce_max3A_5 = arith.constant -2147483648 : i32
    %reduce_max3A_6 = vector.broadcast %reduce_max3A_5 : i32 to vector<16xi32>
    %reduce_max3A_7 = arith.xori %get3A_3, %reduce_max3A_6 : vector<16xi32>
    %reduce_max3A_8 = tpu.scan <max>, %reduce_max3A_7 masked %reduce_max3A_4 : vector<16xi32>, vector<16xi1> -> vector<16xi32>
    %reduce_max3A_9 = arith.xori %reduce_max3A_8, %reduce_max3A_6 : vector<16xi32>
    %reduce_max3A_10 = vector.extract %reduce_max3A_9[15] : i32 from vector<16xi32>
    "tpu.region"() ({
      %run_scoped3A = tpu.sem_alloc : memref<!tpu.dma_semaphore, #tpu.memory_space<semaphore_mem>>
      %dma_start3A = arith.constant 0 : i32
      %dma_start3A_17 = tpu.memref_slice %arg3[%mul3A_2, %dma_start3A] : memref<2048x64xf32, #tpu.memory_space<hbm>> -> memref<64x64xf32, #tpu.memory_space<hbm>>
      %dma_start3A_18 = arith.constant 0 : i32
      %dma_start3A_19 = tpu.memref_slice %arg3[%mul3A_2, %dma_start3A_18] : memref<2048x64xf32, #tpu.memory_space<hbm>> -> memref<64x64xf32, #tpu.memory_space<hbm>>
      tpu.enqueue_dma source(%dma_start3A_19 : memref<64x64xf32, #tpu.memory_space<hbm>>) target(%arg8 : memref<64x64xf32, #tpu.memory_space<vmem>>) target_semaphore(%run_scoped3A : memref<!tpu.dma_semaphore, #tpu.memory_space<semaphore_mem>>)
      %dma_wait3A = arith.constant 0 : i32
      %dma_wait3A_20 = tpu.memref_slice %arg3[%mul3A_2, %dma_wait3A] : memref<2048x64xf32, #tpu.memory_space<hbm>> -> memref<64x64xf32, #tpu.memory_space<hbm>>
      %dma_wait3A_21 = arith.constant 0 : i32
      %dma_wait3A_22 = tpu.memref_slice %arg3[%mul3A_2, %dma_wait3A_21] : memref<2048x64xf32, #tpu.memory_space<hbm>> -> memref<64x64xf32, #tpu.memory_space<hbm>>
      tpu.wait_dma2 semaphore(%run_scoped3A : memref<!tpu.dma_semaphore, #tpu.memory_space<semaphore_mem>>) src(%dma_wait3A_22 : memref<64x64xf32, #tpu.memory_space<hbm>>) dst(%arg8 : memref<64x64xf32, #tpu.memory_space<vmem>>)
      tpu.yield
    }) : () -> ()
    %iota3A = tpu.iota {dimensions = array<i32: 0>} : vector<16xi32>
    %scan3A = arith.constant 0 : i32
    %scan3A_11 = arith.constant 0 : i32
    %scan3A_12 = arith.constant 4 : i32
    %scan3A_13 = arith.addi %scan3A_11, %scan3A_12 : i32
    %scan3A_14 = arith.constant 1 : i32
    scf.for %scan3A_17 = %scan3A_11 to %scan3A_13 step %scan3A_14  : i32 {
      %mul3A_18 = arith.constant 16 : i32
      %mul3A_19 = arith.muli %scan3A_17, %mul3A_18 : i32
      %add3A_20 = vector.broadcast %mul3A_19 : i32 to vector<16xi32>
      %add3A_21 = arith.addi %add3A_20, %iota3A : vector<16xi32>
      %broadcast_in_dim3A = arith.constant 0xFF800000 : f32
      %broadcast_in_dim3A_22 = vector.broadcast %broadcast_in_dim3A : f32 to vector<16xf32>
      %broadcast_in_dim3A_23 = arith.constant 0 : i32
      %broadcast_in_dim3A_24 = vector.broadcast %broadcast_in_dim3A_23 : i32 to vector<16xi32>
      %scan3A_25 = arith.constant 0 : i32
      %scan3A_26 = arith.constant 64 : i32
      %scan3A_27 = arith.addi %scan3A_25, %scan3A_26 : i32
      %scan3A_28 = arith.constant 1 : i32
      %scan3A_29:16 = scf.for %scan3A_78 = %scan3A_25 to %scan3A_27 step %scan3A_28 iter_args(%scan3A_79 = %broadcast_in_dim3A_22, %scan3A_80 = %broadcast_in_dim3A_22, %scan3A_81 = %broadcast_in_dim3A_22, %scan3A_82 = %broadcast_in_dim3A_22, %scan3A_83 = %broadcast_in_dim3A_22, %scan3A_84 = %broadcast_in_dim3A_22, %scan3A_85 = %broadcast_in_dim3A_22, %scan3A_86 = %broadcast_in_dim3A_22, %scan3A_87 = %broadcast_in_dim3A_24, %scan3A_88 = %broadcast_in_dim3A_24, %scan3A_89 = %broadcast_in_dim3A_24, %scan3A_90 = %broadcast_in_dim3A_24, %scan3A_91 = %broadcast_in_dim3A_24, %scan3A_92 = %broadcast_in_dim3A_24, %scan3A_93 = %broadcast_in_dim3A_24, %scan3A_94 = %broadcast_in_dim3A_24) -> (vector<16xf32>, vector<16xf32>, vector<16xf32>, vector<16xf32>, vector<16xf32>, vector<16xf32>, vector<16xf32>, vector<16xf32>, vector<16xi32>, vector<16xi32>, vector<16xi32>, vector<16xi32>, vector<16xi32>, vector<16xi32>, vector<16xi32>, vector<16xi32>)  : i32 {
        %broadcast_in_dim3A_95 = vector.broadcast %scan3A_78 : i32 to vector<16xi32>
        %gather3A = tpu.vector_load_idx %arg8[%add3A_21, %broadcast_in_dim3A_95] : memref<64x64xf32, #tpu.memory_space<vmem>>[vector<16xi32>, vector<16xi32>], vector<16xf32>,
        %broadcast_in_dim3A_96 = vector.broadcast %scan3A_78 : i32 to vector<16xi32>
        %gt3A = arith.cmpf ogt, %gather3A, %scan3A_79 : vector<16xf32>
        %gt3A_97 = arith.cmpf ogt, %gather3A, %scan3A_80 : vector<16xf32>
        %gt3A_98 = arith.cmpf ogt, %gather3A, %scan3A_81 : vector<16xf32>
        %gt3A_99 = arith.cmpf ogt, %gather3A, %scan3A_82 : vector<16xf32>
        %gt3A_100 = arith.cmpf ogt, %gather3A, %scan3A_83 : vector<16xf32>
        %gt3A_101 = arith.cmpf ogt, %gather3A, %scan3A_84 : vector<16xf32>
        %gt3A_102 = arith.cmpf ogt, %gather3A, %scan3A_85 : vector<16xf32>
        %gt3A_103 = arith.cmpf ogt, %gather3A, %scan3A_86 : vector<16xf32>
        %select_n3A = arith.select %gt3A, %gather3A, %scan3A_79 : vector<16xi1>, vector<16xf32>
        %select_n3A_104 = arith.select %gt3A, %broadcast_in_dim3A_96, %scan3A_87 : vector<16xi1>, vector<16xi32>
        %select_n3A_105 = arith.select %gt3A, %scan3A_79, %gather3A : vector<16xi1>, vector<16xf32>
        %select_n3A_106 = arith.select %gt3A_97, %select_n3A_105, %scan3A_80 : vector<16xi1>, vector<16xf32>
        %select_n3A_107 = arith.select %gt3A, %scan3A_87, %broadcast_in_dim3A_96 : vector<16xi1>, vector<16xi32>
        %select_n3A_108 = arith.select %gt3A_97, %select_n3A_107, %scan3A_88 : vector<16xi1>, vector<16xi32>
        %select_n3A_109 = arith.select %gt3A_97, %scan3A_80, %gather3A : vector<16xi1>, vector<16xf32>
        %select_n3A_110 = arith.select %gt3A_98, %select_n3A_109, %scan3A_81 : vector<16xi1>, vector<16xf32>
        %select_n3A_111 = arith.select %gt3A_97, %scan3A_88, %broadcast_in_dim3A_96 : vector<16xi1>, vector<16xi32>
        %select_n3A_112 = arith.select %gt3A_98, %select_n3A_111, %scan3A_89 : vector<16xi1>, vector<16xi32>
        %select_n3A_113 = arith.select %gt3A_98, %scan3A_81, %gather3A : vector<16xi1>, vector<16xf32>
        %select_n3A_114 = arith.select %gt3A_99, %select_n3A_113, %scan3A_82 : vector<16xi1>, vector<16xf32>
        %select_n3A_115 = arith.select %gt3A_98, %scan3A_89, %broadcast_in_dim3A_96 : vector<16xi1>, vector<16xi32>
        %select_n3A_116 = arith.select %gt3A_99, %select_n3A_115, %scan3A_90 : vector<16xi1>, vector<16xi32>
        %select_n3A_117 = arith.select %gt3A_99, %scan3A_82, %gather3A : vector<16xi1>, vector<16xf32>
        %select_n3A_118 = arith.select %gt3A_100, %select_n3A_117, %scan3A_83 : vector<16xi1>, vector<16xf32>
        %select_n3A_119 = arith.select %gt3A_99, %scan3A_90, %broadcast_in_dim3A_96 : vector<16xi1>, vector<16xi32>
        %select_n3A_120 = arith.select %gt3A_100, %select_n3A_119, %scan3A_91 : vector<16xi1>, vector<16xi32>
        %select_n3A_121 = arith.select %gt3A_100, %scan3A_83, %gather3A : vector<16xi1>, vector<16xf32>
        %select_n3A_122 = arith.select %gt3A_101, %select_n3A_121, %scan3A_84 : vector<16xi1>, vector<16xf32>
        %select_n3A_123 = arith.select %gt3A_100, %scan3A_91, %broadcast_in_dim3A_96 : vector<16xi1>, vector<16xi32>
        %select_n3A_124 = arith.select %gt3A_101, %select_n3A_123, %scan3A_92 : vector<16xi1>, vector<16xi32>
        %select_n3A_125 = arith.select %gt3A_101, %scan3A_84, %gather3A : vector<16xi1>, vector<16xf32>
        %select_n3A_126 = arith.select %gt3A_102, %select_n3A_125, %scan3A_85 : vector<16xi1>, vector<16xf32>
        %select_n3A_127 = arith.select %gt3A_101, %scan3A_92, %broadcast_in_dim3A_96 : vector<16xi1>, vector<16xi32>
        %select_n3A_128 = arith.select %gt3A_102, %select_n3A_127, %scan3A_93 : vector<16xi1>, vector<16xi32>
        %select_n3A_129 = arith.select %gt3A_102, %scan3A_85, %gather3A : vector<16xi1>, vector<16xf32>
        %select_n3A_130 = arith.select %gt3A_103, %select_n3A_129, %scan3A_86 : vector<16xi1>, vector<16xf32>
        %select_n3A_131 = arith.select %gt3A_102, %scan3A_93, %broadcast_in_dim3A_96 : vector<16xi1>, vector<16xi32>
        %select_n3A_132 = arith.select %gt3A_103, %select_n3A_131, %scan3A_94 : vector<16xi1>, vector<16xi32>
        scf.yield %select_n3A, %select_n3A_106, %select_n3A_110, %select_n3A_114, %select_n3A_118, %select_n3A_122, %select_n3A_126, %select_n3A_130, %select_n3A_104, %select_n3A_108, %select_n3A_112, %select_n3A_116, %select_n3A_120, %select_n3A_124, %select_n3A_128, %select_n3A_132 : vector<16xf32>, vector<16xf32>, vector<16xf32>, vector<16xf32>, vector<16xf32>, vector<16xf32>, vector<16xf32>, vector<16xf32>, vector<16xi32>, vector<16xi32>, vector<16xi32>, vector<16xi32>, vector<16xi32>, vector<16xi32>, vector<16xi32>, vector<16xi32>
      }
      %scan3A_30 = arith.constant 64 : i32
      %sub3A = arith.subf %scan3A_29#0, %scan3A_29#0 : vector<16xf32>
      %exp3A = math.exp %sub3A : vector<16xf32>
      %sub3A_31 = arith.subf %scan3A_29#1, %scan3A_29#0 : vector<16xf32>
      %exp3A_32 = math.exp %sub3A_31 : vector<16xf32>
      %sub3A_33 = arith.subf %scan3A_29#2, %scan3A_29#0 : vector<16xf32>
      %exp3A_34 = math.exp %sub3A_33 : vector<16xf32>
      %sub3A_35 = arith.subf %scan3A_29#3, %scan3A_29#0 : vector<16xf32>
      %exp3A_36 = math.exp %sub3A_35 : vector<16xf32>
      %sub3A_37 = arith.subf %scan3A_29#4, %scan3A_29#0 : vector<16xf32>
      %exp3A_38 = math.exp %sub3A_37 : vector<16xf32>
      %sub3A_39 = arith.subf %scan3A_29#5, %scan3A_29#0 : vector<16xf32>
      %exp3A_40 = math.exp %sub3A_39 : vector<16xf32>
      %sub3A_41 = arith.subf %scan3A_29#6, %scan3A_29#0 : vector<16xf32>
      %exp3A_42 = math.exp %sub3A_41 : vector<16xf32>
      %sub3A_43 = arith.subf %scan3A_29#7, %scan3A_29#0 : vector<16xf32>
      %exp3A_44 = math.exp %sub3A_43 : vector<16xf32>
      %add3A_45 = arith.addf %exp3A, %exp3A_32 : vector<16xf32>
      %add3A_46 = arith.addf %add3A_45, %exp3A_34 : vector<16xf32>
      %add3A_47 = arith.addf %add3A_46, %exp3A_36 : vector<16xf32>
      %add3A_48 = arith.addf %add3A_47, %exp3A_38 : vector<16xf32>
      %add3A_49 = arith.addf %add3A_48, %exp3A_40 : vector<16xf32>
      %add3A_50 = arith.addf %add3A_49, %exp3A_42 : vector<16xf32>
      %add3A_51 = arith.addf %add3A_50, %exp3A_44 : vector<16xf32>
      %div3A = arith.constant 1.000000e+00 : f32
      %div3A_52 = vector.broadcast %div3A : f32 to vector<16xf32>
      %div3A_53 = arith.divf %div3A_52, %add3A_51 : vector<16xf32>
      %broadcast_in_dim3A_54 = arith.constant 0 : i32
      %broadcast_in_dim3A_55 = vector.broadcast %broadcast_in_dim3A_54 : i32 to vector<16xi32>
      %mul3A_56 = arith.mulf %exp3A, %div3A_53 : vector<16xf32>
      tpu.vector_store_idx %arg10[%add3A_21, %broadcast_in_dim3A_55], %mul3A_56 : memref<64x8xf32, #tpu.memory_space<vmem>>[vector<16xi32>, vector<16xi32>], vector<16xf32>,
      tpu.vector_store_idx %arg9[%add3A_21, %broadcast_in_dim3A_55], %scan3A_29#8 : memref<64x8xi32, #tpu.memory_space<vmem>>[vector<16xi32>, vector<16xi32>], vector<16xi32>,
      %broadcast_in_dim3A_57 = arith.constant 1 : i32
      %broadcast_in_dim3A_58 = vector.broadcast %broadcast_in_dim3A_57 : i32 to vector<16xi32>
      %mul3A_59 = arith.mulf %exp3A_32, %div3A_53 : vector<16xf32>
      tpu.vector_store_idx %arg10[%add3A_21, %broadcast_in_dim3A_58], %mul3A_59 : memref<64x8xf32, #tpu.memory_space<vmem>>[vector<16xi32>, vector<16xi32>], vector<16xf32>,
      tpu.vector_store_idx %arg9[%add3A_21, %broadcast_in_dim3A_58], %scan3A_29#9 : memref<64x8xi32, #tpu.memory_space<vmem>>[vector<16xi32>, vector<16xi32>], vector<16xi32>,
      %broadcast_in_dim3A_60 = arith.constant 2 : i32
      %broadcast_in_dim3A_61 = vector.broadcast %broadcast_in_dim3A_60 : i32 to vector<16xi32>
      %mul3A_62 = arith.mulf %exp3A_34, %div3A_53 : vector<16xf32>
      tpu.vector_store_idx %arg10[%add3A_21, %broadcast_in_dim3A_61], %mul3A_62 : memref<64x8xf32, #tpu.memory_space<vmem>>[vector<16xi32>, vector<16xi32>], vector<16xf32>,
      tpu.vector_store_idx %arg9[%add3A_21, %broadcast_in_dim3A_61], %scan3A_29#10 : memref<64x8xi32, #tpu.memory_space<vmem>>[vector<16xi32>, vector<16xi32>], vector<16xi32>,
      %broadcast_in_dim3A_63 = arith.constant 3 : i32
      %broadcast_in_dim3A_64 = vector.broadcast %broadcast_in_dim3A_63 : i32 to vector<16xi32>
      %mul3A_65 = arith.mulf %exp3A_36, %div3A_53 : vector<16xf32>
      tpu.vector_store_idx %arg10[%add3A_21, %broadcast_in_dim3A_64], %mul3A_65 : memref<64x8xf32, #tpu.memory_space<vmem>>[vector<16xi32>, vector<16xi32>], vector<16xf32>,
      tpu.vector_store_idx %arg9[%add3A_21, %broadcast_in_dim3A_64], %scan3A_29#11 : memref<64x8xi32, #tpu.memory_space<vmem>>[vector<16xi32>, vector<16xi32>], vector<16xi32>,
      %broadcast_in_dim3A_66 = arith.constant 4 : i32
      %broadcast_in_dim3A_67 = vector.broadcast %broadcast_in_dim3A_66 : i32 to vector<16xi32>
      %mul3A_68 = arith.mulf %exp3A_38, %div3A_53 : vector<16xf32>
      tpu.vector_store_idx %arg10[%add3A_21, %broadcast_in_dim3A_67], %mul3A_68 : memref<64x8xf32, #tpu.memory_space<vmem>>[vector<16xi32>, vector<16xi32>], vector<16xf32>,
      tpu.vector_store_idx %arg9[%add3A_21, %broadcast_in_dim3A_67], %scan3A_29#12 : memref<64x8xi32, #tpu.memory_space<vmem>>[vector<16xi32>, vector<16xi32>], vector<16xi32>,
      %broadcast_in_dim3A_69 = arith.constant 5 : i32
      %broadcast_in_dim3A_70 = vector.broadcast %broadcast_in_dim3A_69 : i32 to vector<16xi32>
      %mul3A_71 = arith.mulf %exp3A_40, %div3A_53 : vector<16xf32>
      tpu.vector_store_idx %arg10[%add3A_21, %broadcast_in_dim3A_70], %mul3A_71 : memref<64x8xf32, #tpu.memory_space<vmem>>[vector<16xi32>, vector<16xi32>], vector<16xf32>,
      tpu.vector_store_idx %arg9[%add3A_21, %broadcast_in_dim3A_70], %scan3A_29#13 : memref<64x8xi32, #tpu.memory_space<vmem>>[vector<16xi32>, vector<16xi32>], vector<16xi32>,
      %broadcast_in_dim3A_72 = arith.constant 6 : i32
      %broadcast_in_dim3A_73 = vector.broadcast %broadcast_in_dim3A_72 : i32 to vector<16xi32>
      %mul3A_74 = arith.mulf %exp3A_42, %div3A_53 : vector<16xf32>
      tpu.vector_store_idx %arg10[%add3A_21, %broadcast_in_dim3A_73], %mul3A_74 : memref<64x8xf32, #tpu.memory_space<vmem>>[vector<16xi32>, vector<16xi32>], vector<16xf32>,
      tpu.vector_store_idx %arg9[%add3A_21, %broadcast_in_dim3A_73], %scan3A_29#14 : memref<64x8xi32, #tpu.memory_space<vmem>>[vector<16xi32>, vector<16xi32>], vector<16xi32>,
      %broadcast_in_dim3A_75 = arith.constant 7 : i32
      %broadcast_in_dim3A_76 = vector.broadcast %broadcast_in_dim3A_75 : i32 to vector<16xi32>
      %mul3A_77 = arith.mulf %exp3A_44, %div3A_53 : vector<16xf32>
      tpu.vector_store_idx %arg10[%add3A_21, %broadcast_in_dim3A_76], %mul3A_77 : memref<64x8xf32, #tpu.memory_space<vmem>>[vector<16xi32>, vector<16xi32>], vector<16xf32>,
      tpu.vector_store_idx %arg9[%add3A_21, %broadcast_in_dim3A_76], %scan3A_29#15 : memref<64x8xi32, #tpu.memory_space<vmem>>[vector<16xi32>, vector<16xi32>], vector<16xi32>,
    }
    %scan3A_15 = arith.constant 4 : i32
    %add3A_16 = arith.addi %reduce_max3A_10, %mul3A_2 : i32
    %multiple_of3A = tpu.assume_multiple %add3A_16, 32 : i32
    "tpu.region"() ({
      %run_scoped3A = tpu.sem_alloc : memref<!tpu.dma_semaphore, #tpu.memory_space<semaphore_mem>>
      %dma_start3A = arith.constant 0 : i32
      %dma_start3A_17 = tpu.memref_slice %arg4[%multiple_of3A, %dma_start3A] : memref<32768x8xi32, #tpu.memory_space<hbm>> -> memref<64x8xi32, #tpu.memory_space<hbm>>
      %dma_start3A_18 = arith.constant 0 : i32
      %dma_start3A_19 = tpu.memref_slice %arg4[%multiple_of3A, %dma_start3A_18] : memref<32768x8xi32, #tpu.memory_space<hbm>> -> memref<64x8xi32, #tpu.memory_space<hbm>>
      tpu.enqueue_dma source(%arg9 : memref<64x8xi32, #tpu.memory_space<vmem>>) target(%dma_start3A_19 : memref<64x8xi32, #tpu.memory_space<hbm>>) target_semaphore(%run_scoped3A : memref<!tpu.dma_semaphore, #tpu.memory_space<semaphore_mem>>)
      %dma_wait3A = arith.constant 0 : i32
      %dma_wait3A_20 = tpu.memref_slice %arg4[%multiple_of3A, %dma_wait3A] : memref<32768x8xi32, #tpu.memory_space<hbm>> -> memref<64x8xi32, #tpu.memory_space<hbm>>
      %dma_wait3A_21 = arith.constant 0 : i32
      %dma_wait3A_22 = tpu.memref_slice %arg4[%multiple_of3A, %dma_wait3A_21] : memref<32768x8xi32, #tpu.memory_space<hbm>> -> memref<64x8xi32, #tpu.memory_space<hbm>>
      tpu.wait_dma2 semaphore(%run_scoped3A : memref<!tpu.dma_semaphore, #tpu.memory_space<semaphore_mem>>) src(%arg9 : memref<64x8xi32, #tpu.memory_space<vmem>>) dst(%dma_wait3A_22 : memref<64x8xi32, #tpu.memory_space<hbm>>)
      tpu.yield
    }) : () -> ()
    "tpu.region"() ({
      %run_scoped3A = tpu.sem_alloc : memref<!tpu.dma_semaphore, #tpu.memory_space<semaphore_mem>>
      %dma_start3A = arith.constant 0 : i32
      %dma_start3A_17 = tpu.memref_slice %arg5[%multiple_of3A, %dma_start3A] : memref<32768x8xf32, #tpu.memory_space<hbm>> -> memref<64x8xf32, #tpu.memory_space<hbm>>
      %dma_start3A_18 = arith.constant 0 : i32
      %dma_start3A_19 = tpu.memref_slice %arg5[%multiple_of3A, %dma_start3A_18] : memref<32768x8xf32, #tpu.memory_space<hbm>> -> memref<64x8xf32, #tpu.memory_space<hbm>>
      tpu.enqueue_dma source(%arg10 : memref<64x8xf32, #tpu.memory_space<vmem>>) target(%dma_start3A_19 : memref<64x8xf32, #tpu.memory_space<hbm>>) target_semaphore(%run_scoped3A : memref<!tpu.dma_semaphore, #tpu.memory_space<semaphore_mem>>)
      %dma_wait3A = arith.constant 0 : i32
      %dma_wait3A_20 = tpu.memref_slice %arg5[%multiple_of3A, %dma_wait3A] : memref<32768x8xf32, #tpu.memory_space<hbm>> -> memref<64x8xf32, #tpu.memory_space<hbm>>
      %dma_wait3A_21 = arith.constant 0 : i32
      %dma_wait3A_22 = tpu.memref_slice %arg5[%multiple_of3A, %dma_wait3A_21] : memref<32768x8xf32, #tpu.memory_space<hbm>> -> memref<64x8xf32, #tpu.memory_space<hbm>>
      tpu.wait_dma2 semaphore(%run_scoped3A : memref<!tpu.dma_semaphore, #tpu.memory_space<semaphore_mem>>) src(%arg10 : memref<64x8xf32, #tpu.memory_space<vmem>>) dst(%dma_wait3A_22 : memref<64x8xf32, #tpu.memory_space<hbm>>)
      tpu.yield
    }) : () -> ()
    return
  }
}

#map = affine_map<(d0, d1) -> (0)>
#map1 = affine_map<(d0, d1) -> (0, 0)>
module attributes {stable_mosaic.version = 14 : i64} {
  func.func @new_body(%arg0: i32, %arg1: i32, %arg2: memref<16xi32, #tpu.memory_space<hbm>>, %arg3: memref<2048x64xf32, #tpu.memory_space<hbm>>, %arg4: memref<32768x8xi32, #tpu.memory_space<hbm>>, %arg5: memref<32768x8xf32, #tpu.memory_space<hbm>>, %arg6: memref<32768x8xi32, #tpu.memory_space<hbm>>, %arg7: memref<32768x8xf32, #tpu.memory_space<hbm>>, %arg8: memref<64x64xf32, #tpu.memory_space<vmem>>, %arg9: memref<64x8xi32, #tpu.memory_space<vmem>>, %arg10: memref<64x8xf32, #tpu.memory_space<vmem>>, %arg11: memref<16xi32, #tpu.memory_space<vmem>>) attributes {dimension_semantics = [#tpu.dimension_semantics<core_parallel>, #tpu.dimension_semantics<subcore_parallel>], iteration_bounds = array<i64: 2, 16>, scalar_prefetch = 0 : i64, scratch_operands = 4 : i64, tpu.core_type = #tpu.core_type<sc_vector_subcore>, window_params = [{transform_indices = #map}, {transform_indices = #map1}, {transform_indices = #map1}, {transform_indices = #map1}, {transform_indices = #map1}, {transform_indices = #map1}]} {
    %mul3A = arith.constant 2 : i32
    %mul3A_0 = arith.muli %arg1, %mul3A : i32
    %add3A = arith.addi %mul3A_0, %arg0 : i32
    %mul3A_1 = arith.constant 64 : i32
    %mul3A_2 = arith.muli %add3A, %mul3A_1 : i32
    "tpu.region"() ({
      %run_scoped3A = tpu.sem_alloc : memref<!tpu.dma_semaphore, #tpu.memory_space<semaphore_mem>>
      tpu.enqueue_dma source(%arg2 : memref<16xi32, #tpu.memory_space<hbm>>) target(%arg11 : memref<16xi32, #tpu.memory_space<vmem>>) target_semaphore(%run_scoped3A : memref<!tpu.dma_semaphore, #tpu.memory_space<semaphore_mem>>)
      tpu.wait_dma2 semaphore(%run_scoped3A : memref<!tpu.dma_semaphore, #tpu.memory_space<semaphore_mem>>) src(%arg2 : memref<16xi32, #tpu.memory_space<hbm>>) dst(%arg11 : memref<16xi32, #tpu.memory_space<vmem>>)
      tpu.yield
    }) : () -> ()
    %get3A = arith.constant 0 : index
    %get3A_3 = tpu.vector_load %arg11[%get3A] {strides = array<i32>} : memref<16xi32, #tpu.memory_space<vmem>>, vector<16xi32>,
    %reduce_max3A = arith.constant true
    %reduce_max3A_4 = vector.broadcast %reduce_max3A : i1 to vector<16xi1>
    %reduce_max3A_5 = arith.constant -2147483648 : i32
    %reduce_max3A_6 = vector.broadcast %reduce_max3A_5 : i32 to vector<16xi32>
    %reduce_max3A_7 = arith.xori %get3A_3, %reduce_max3A_6 : vector<16xi32>
    %reduce_max3A_8 = tpu.scan <max>, %reduce_max3A_7 masked %reduce_max3A_4 : vector<16xi32>, vector<16xi1> -> vector<16xi32>
    %reduce_max3A_9 = arith.xori %reduce_max3A_8, %reduce_max3A_6 : vector<16xi32>
    %reduce_max3A_10 = vector.extract %reduce_max3A_9[15] : i32 from vector<16xi32>
    "tpu.region"() ({
      %run_scoped3A = tpu.sem_alloc : memref<!tpu.dma_semaphore, #tpu.memory_space<semaphore_mem>>
      %dma_start3A = arith.constant 0 : i32
      %dma_start3A_17 = tpu.memref_slice %arg3[%mul3A_2, %dma_start3A] : memref<2048x64xf32, #tpu.memory_space<hbm>> -> memref<64x64xf32, #tpu.memory_space<hbm>>
      %dma_start3A_18 = arith.constant 0 : i32
      %dma_start3A_19 = tpu.memref_slice %arg3[%mul3A_2, %dma_start3A_18] : memref<2048x64xf32, #tpu.memory_space<hbm>> -> memref<64x64xf32, #tpu.memory_space<hbm>>
      tpu.enqueue_dma source(%dma_start3A_19 : memref<64x64xf32, #tpu.memory_space<hbm>>) target(%arg8 : memref<64x64xf32, #tpu.memory_space<vmem>>) target_semaphore(%run_scoped3A : memref<!tpu.dma_semaphore, #tpu.memory_space<semaphore_mem>>)
      %dma_wait3A = arith.constant 0 : i32
      %dma_wait3A_20 = tpu.memref_slice %arg3[%mul3A_2, %dma_wait3A] : memref<2048x64xf32, #tpu.memory_space<hbm>> -> memref<64x64xf32, #tpu.memory_space<hbm>>
      %dma_wait3A_21 = arith.constant 0 : i32
      %dma_wait3A_22 = tpu.memref_slice %arg3[%mul3A_2, %dma_wait3A_21] : memref<2048x64xf32, #tpu.memory_space<hbm>> -> memref<64x64xf32, #tpu.memory_space<hbm>>
      tpu.wait_dma2 semaphore(%run_scoped3A : memref<!tpu.dma_semaphore, #tpu.memory_space<semaphore_mem>>) src(%dma_wait3A_22 : memref<64x64xf32, #tpu.memory_space<hbm>>) dst(%arg8 : memref<64x64xf32, #tpu.memory_space<vmem>>)
      tpu.yield
    }) : () -> ()
    %iota3A = tpu.iota {dimensions = array<i32: 0>} : vector<16xi32>
    %scan3A = arith.constant 0 : i32
    %scan3A_11 = arith.constant 0 : i32
    %scan3A_12 = arith.constant 4 : i32
    %scan3A_13 = arith.addi %scan3A_11, %scan3A_12 : i32
    %scan3A_14 = arith.constant 1 : i32
    scf.for %scan3A_17 = %scan3A_11 to %scan3A_13 step %scan3A_14  : i32 {
      %mul3A_18 = arith.constant 16 : i32
      %mul3A_19 = arith.muli %scan3A_17, %mul3A_18 : i32
      %add3A_20 = vector.broadcast %mul3A_19 : i32 to vector<16xi32>
      %add3A_21 = arith.addi %add3A_20, %iota3A : vector<16xi32>
      %broadcast_in_dim3A = arith.constant 0xFF800000 : f32
      %broadcast_in_dim3A_22 = vector.broadcast %broadcast_in_dim3A : f32 to vector<16xf32>
      %broadcast_in_dim3A_23 = arith.constant 0 : i32
      %broadcast_in_dim3A_24 = vector.broadcast %broadcast_in_dim3A_23 : i32 to vector<16xi32>
      %scan3A_25 = arith.constant 0 : i32
      %scan3A_26 = arith.constant 64 : i32
      %scan3A_27 = arith.addi %scan3A_25, %scan3A_26 : i32
      %scan3A_28 = arith.constant 1 : i32
      %scan3A_29:16 = scf.for %scan3A_78 = %scan3A_25 to %scan3A_27 step %scan3A_28 iter_args(%scan3A_79 = %broadcast_in_dim3A_22, %scan3A_80 = %broadcast_in_dim3A_22, %scan3A_81 = %broadcast_in_dim3A_22, %scan3A_82 = %broadcast_in_dim3A_22, %scan3A_83 = %broadcast_in_dim3A_22, %scan3A_84 = %broadcast_in_dim3A_22, %scan3A_85 = %broadcast_in_dim3A_22, %scan3A_86 = %broadcast_in_dim3A_22, %scan3A_87 = %broadcast_in_dim3A_24, %scan3A_88 = %broadcast_in_dim3A_24, %scan3A_89 = %broadcast_in_dim3A_24, %scan3A_90 = %broadcast_in_dim3A_24, %scan3A_91 = %broadcast_in_dim3A_24, %scan3A_92 = %broadcast_in_dim3A_24, %scan3A_93 = %broadcast_in_dim3A_24, %scan3A_94 = %broadcast_in_dim3A_24) -> (vector<16xf32>, vector<16xf32>, vector<16xf32>, vector<16xf32>, vector<16xf32>, vector<16xf32>, vector<16xf32>, vector<16xf32>, vector<16xi32>, vector<16xi32>, vector<16xi32>, vector<16xi32>, vector<16xi32>, vector<16xi32>, vector<16xi32>, vector<16xi32>)  : i32 {
        %broadcast_in_dim3A_95 = vector.broadcast %scan3A_78 : i32 to vector<16xi32>
        %gather3A = tpu.vector_load_idx %arg8[%add3A_21, %broadcast_in_dim3A_95] : memref<64x64xf32, #tpu.memory_space<vmem>>[vector<16xi32>, vector<16xi32>], vector<16xf32>,
        %broadcast_in_dim3A_96 = vector.broadcast %scan3A_78 : i32 to vector<16xi32>
        %gt3A = arith.cmpf ogt, %gather3A, %scan3A_79 : vector<16xf32>
        %gt3A_97 = arith.cmpf ogt, %gather3A, %scan3A_80 : vector<16xf32>
        %gt3A_98 = arith.cmpf ogt, %gather3A, %scan3A_81 : vector<16xf32>
        %gt3A_99 = arith.cmpf ogt, %gather3A, %scan3A_82 : vector<16xf32>
        %gt3A_100 = arith.cmpf ogt, %gather3A, %scan3A_83 : vector<16xf32>
        %gt3A_101 = arith.cmpf ogt, %gather3A, %scan3A_84 : vector<16xf32>
        %gt3A_102 = arith.cmpf ogt, %gather3A, %scan3A_85 : vector<16xf32>
        %gt3A_103 = arith.cmpf ogt, %gather3A, %scan3A_86 : vector<16xf32>
        %select_n3A = arith.select %gt3A, %gather3A, %scan3A_79 : vector<16xi1>, vector<16xf32>
        %select_n3A_104 = arith.select %gt3A, %broadcast_in_dim3A_96, %scan3A_87 : vector<16xi1>, vector<16xi32>
        %select_n3A_105 = arith.select %gt3A, %scan3A_79, %gather3A : vector<16xi1>, vector<16xf32>
        %select_n3A_106 = arith.select %gt3A_97, %select_n3A_105, %scan3A_80 : vector<16xi1>, vector<16xf32>
        %select_n3A_107 = arith.select %gt3A, %scan3A_87, %broadcast_in_dim3A_96 : vector<16xi1>, vector<16xi32>
        %select_n3A_108 = arith.select %gt3A_97, %select_n3A_107, %scan3A_88 : vector<16xi1>, vector<16xi32>
        %select_n3A_109 = arith.select %gt3A_97, %scan3A_80, %gather3A : vector<16xi1>, vector<16xf32>
        %select_n3A_110 = arith.select %gt3A_98, %select_n3A_109, %scan3A_81 : vector<16xi1>, vector<16xf32>
        %select_n3A_111 = arith.select %gt3A_97, %scan3A_88, %broadcast_in_dim3A_96 : vector<16xi1>, vector<16xi32>
        %select_n3A_112 = arith.select %gt3A_98, %select_n3A_111, %scan3A_89 : vector<16xi1>, vector<16xi32>
        %select_n3A_113 = arith.select %gt3A_98, %scan3A_81, %gather3A : vector<16xi1>, vector<16xf32>
        %select_n3A_114 = arith.select %gt3A_99, %select_n3A_113, %scan3A_82 : vector<16xi1>, vector<16xf32>
        %select_n3A_115 = arith.select %gt3A_98, %scan3A_89, %broadcast_in_dim3A_96 : vector<16xi1>, vector<16xi32>
        %select_n3A_116 = arith.select %gt3A_99, %select_n3A_115, %scan3A_90 : vector<16xi1>, vector<16xi32>
        %select_n3A_117 = arith.select %gt3A_99, %scan3A_82, %gather3A : vector<16xi1>, vector<16xf32>
        %select_n3A_118 = arith.select %gt3A_100, %select_n3A_117, %scan3A_83 : vector<16xi1>, vector<16xf32>
        %select_n3A_119 = arith.select %gt3A_99, %scan3A_90, %broadcast_in_dim3A_96 : vector<16xi1>, vector<16xi32>
        %select_n3A_120 = arith.select %gt3A_100, %select_n3A_119, %scan3A_91 : vector<16xi1>, vector<16xi32>
        %select_n3A_121 = arith.select %gt3A_100, %scan3A_83, %gather3A : vector<16xi1>, vector<16xf32>
        %select_n3A_122 = arith.select %gt3A_101, %select_n3A_121, %scan3A_84 : vector<16xi1>, vector<16xf32>
        %select_n3A_123 = arith.select %gt3A_100, %scan3A_91, %broadcast_in_dim3A_96 : vector<16xi1>, vector<16xi32>
        %select_n3A_124 = arith.select %gt3A_101, %select_n3A_123, %scan3A_92 : vector<16xi1>, vector<16xi32>
        %select_n3A_125 = arith.select %gt3A_101, %scan3A_84, %gather3A : vector<16xi1>, vector<16xf32>
        %select_n3A_126 = arith.select %gt3A_102, %select_n3A_125, %scan3A_85 : vector<16xi1>, vector<16xf32>
        %select_n3A_127 = arith.select %gt3A_101, %scan3A_92, %broadcast_in_dim3A_96 : vector<16xi1>, vector<16xi32>
        %select_n3A_128 = arith.select %gt3A_102, %select_n3A_127, %scan3A_93 : vector<16xi1>, vector<16xi32>
        %select_n3A_129 = arith.select %gt3A_102, %scan3A_85, %gather3A : vector<16xi1>, vector<16xf32>
        %select_n3A_130 = arith.select %gt3A_103, %select_n3A_129, %scan3A_86 : vector<16xi1>, vector<16xf32>
        %select_n3A_131 = arith.select %gt3A_102, %scan3A_93, %broadcast_in_dim3A_96 : vector<16xi1>, vector<16xi32>
        %select_n3A_132 = arith.select %gt3A_103, %select_n3A_131, %scan3A_94 : vector<16xi1>, vector<16xi32>
        scf.yield %select_n3A, %select_n3A_106, %select_n3A_110, %select_n3A_114, %select_n3A_118, %select_n3A_122, %select_n3A_126, %select_n3A_130, %select_n3A_104, %select_n3A_108, %select_n3A_112, %select_n3A_116, %select_n3A_120, %select_n3A_124, %select_n3A_128, %select_n3A_132 : vector<16xf32>, vector<16xf32>, vector<16xf32>, vector<16xf32>, vector<16xf32>, vector<16xf32>, vector<16xf32>, vector<16xf32>, vector<16xi32>, vector<16xi32>, vector<16xi32>, vector<16xi32>, vector<16xi32>, vector<16xi32>, vector<16xi32>, vector<16xi32>
      }
      %scan3A_30 = arith.constant 64 : i32
      %sub3A = arith.subf %scan3A_29#0, %scan3A_29#0 : vector<16xf32>
      %exp3A = math.exp %sub3A : vector<16xf32>
      %sub3A_31 = arith.subf %scan3A_29#1, %scan3A_29#0 : vector<16xf32>
      %exp3A_32 = math.exp %sub3A_31 : vector<16xf32>
      %sub3A_33 = arith.subf %scan3A_29#2, %scan3A_29#0 : vector<16xf32>
      %exp3A_34 = math.exp %sub3A_33 : vector<16xf32>
      %sub3A_35 = arith.subf %scan3A_29#3, %scan3A_29#0 : vector<16xf32>
      %exp3A_36 = math.exp %sub3A_35 : vector<16xf32>
      %sub3A_37 = arith.subf %scan3A_29#4, %scan3A_29#0 : vector<16xf32>
      %exp3A_38 = math.exp %sub3A_37 : vector<16xf32>
      %sub3A_39 = arith.subf %scan3A_29#5, %scan3A_29#0 : vector<16xf32>
      %exp3A_40 = math.exp %sub3A_39 : vector<16xf32>
      %sub3A_41 = arith.subf %scan3A_29#6, %scan3A_29#0 : vector<16xf32>
      %exp3A_42 = math.exp %sub3A_41 : vector<16xf32>
      %sub3A_43 = arith.subf %scan3A_29#7, %scan3A_29#0 : vector<16xf32>
      %exp3A_44 = math.exp %sub3A_43 : vector<16xf32>
      %add3A_45 = arith.addf %exp3A, %exp3A_32 : vector<16xf32>
      %add3A_46 = arith.addf %add3A_45, %exp3A_34 : vector<16xf32>
      %add3A_47 = arith.addf %add3A_46, %exp3A_36 : vector<16xf32>
      %add3A_48 = arith.addf %add3A_47, %exp3A_38 : vector<16xf32>
      %add3A_49 = arith.addf %add3A_48, %exp3A_40 : vector<16xf32>
      %add3A_50 = arith.addf %add3A_49, %exp3A_42 : vector<16xf32>
      %add3A_51 = arith.addf %add3A_50, %exp3A_44 : vector<16xf32>
      %div3A = arith.constant 1.000000e+00 : f32
      %div3A_52 = vector.broadcast %div3A : f32 to vector<16xf32>
      %div3A_53 = arith.divf %div3A_52, %add3A_51 : vector<16xf32>
      %broadcast_in_dim3A_54 = arith.constant 0 : i32
      %broadcast_in_dim3A_55 = vector.broadcast %broadcast_in_dim3A_54 : i32 to vector<16xi32>
      %mul3A_56 = arith.mulf %exp3A, %div3A_53 : vector<16xf32>
      tpu.vector_store_idx %arg10[%add3A_21, %broadcast_in_dim3A_55], %mul3A_56 : memref<64x8xf32, #tpu.memory_space<vmem>>[vector<16xi32>, vector<16xi32>], vector<16xf32>,
      tpu.vector_store_idx %arg9[%add3A_21, %broadcast_in_dim3A_55], %scan3A_29#8 : memref<64x8xi32, #tpu.memory_space<vmem>>[vector<16xi32>, vector<16xi32>], vector<16xi32>,
      %broadcast_in_dim3A_57 = arith.constant 1 : i32
      %broadcast_in_dim3A_58 = vector.broadcast %broadcast_in_dim3A_57 : i32 to vector<16xi32>
      %mul3A_59 = arith.mulf %exp3A_32, %div3A_53 : vector<16xf32>
      tpu.vector_store_idx %arg10[%add3A_21, %broadcast_in_dim3A_58], %mul3A_59 : memref<64x8xf32, #tpu.memory_space<vmem>>[vector<16xi32>, vector<16xi32>], vector<16xf32>,
      tpu.vector_store_idx %arg9[%add3A_21, %broadcast_in_dim3A_58], %scan3A_29#9 : memref<64x8xi32, #tpu.memory_space<vmem>>[vector<16xi32>, vector<16xi32>], vector<16xi32>,
      %broadcast_in_dim3A_60 = arith.constant 2 : i32
      %broadcast_in_dim3A_61 = vector.broadcast %broadcast_in_dim3A_60 : i32 to vector<16xi32>
      %mul3A_62 = arith.mulf %exp3A_34, %div3A_53 : vector<16xf32>
      tpu.vector_store_idx %arg10[%add3A_21, %broadcast_in_dim3A_61], %mul3A_62 : memref<64x8xf32, #tpu.memory_space<vmem>>[vector<16xi32>, vector<16xi32>], vector<16xf32>,
      tpu.vector_store_idx %arg9[%add3A_21, %broadcast_in_dim3A_61], %scan3A_29#10 : memref<64x8xi32, #tpu.memory_space<vmem>>[vector<16xi32>, vector<16xi32>], vector<16xi32>,
      %broadcast_in_dim3A_63 = arith.constant 3 : i32
      %broadcast_in_dim3A_64 = vector.broadcast %broadcast_in_dim3A_63 : i32 to vector<16xi32>
      %mul3A_65 = arith.mulf %exp3A_36, %div3A_53 : vector<16xf32>
      tpu.vector_store_idx %arg10[%add3A_21, %broadcast_in_dim3A_64], %mul3A_65 : memref<64x8xf32, #tpu.memory_space<vmem>>[vector<16xi32>, vector<16xi32>], vector<16xf32>,
      tpu.vector_store_idx %arg9[%add3A_21, %broadcast_in_dim3A_64], %scan3A_29#11 : memref<64x8xi32, #tpu.memory_space<vmem>>[vector<16xi32>, vector<16xi32>], vector<16xi32>,
      %broadcast_in_dim3A_66 = arith.constant 4 : i32
      %broadcast_in_dim3A_67 = vector.broadcast %broadcast_in_dim3A_66 : i32 to vector<16xi32>
      %mul3A_68 = arith.mulf %exp3A_38, %div3A_53 : vector<16xf32>
      tpu.vector_store_idx %arg10[%add3A_21, %broadcast_in_dim3A_67], %mul3A_68 : memref<64x8xf32, #tpu.memory_space<vmem>>[vector<16xi32>, vector<16xi32>], vector<16xf32>,
      tpu.vector_store_idx %arg9[%add3A_21, %broadcast_in_dim3A_67], %scan3A_29#12 : memref<64x8xi32, #tpu.memory_space<vmem>>[vector<16xi32>, vector<16xi32>], vector<16xi32>,
      %broadcast_in_dim3A_69 = arith.constant 5 : i32
      %broadcast_in_dim3A_70 = vector.broadcast %broadcast_in_dim3A_69 : i32 to vector<16xi32>
      %mul3A_71 = arith.mulf %exp3A_40, %div3A_53 : vector<16xf32>
      tpu.vector_store_idx %arg10[%add3A_21, %broadcast_in_dim3A_70], %mul3A_71 : memref<64x8xf32, #tpu.memory_space<vmem>>[vector<16xi32>, vector<16xi32>], vector<16xf32>,
      tpu.vector_store_idx %arg9[%add3A_21, %broadcast_in_dim3A_70], %scan3A_29#13 : memref<64x8xi32, #tpu.memory_space<vmem>>[vector<16xi32>, vector<16xi32>], vector<16xi32>,
      %broadcast_in_dim3A_72 = arith.constant 6 : i32
      %broadcast_in_dim3A_73 = vector.broadcast %broadcast_in_dim3A_72 : i32 to vector<16xi32>
      %mul3A_74 = arith.mulf %exp3A_42, %div3A_53 : vector<16xf32>
      tpu.vector_store_idx %arg10[%add3A_21, %broadcast_in_dim3A_73], %mul3A_74 : memref<64x8xf32, #tpu.memory_space<vmem>>[vector<16xi32>, vector<16xi32>], vector<16xf32>,
      tpu.vector_store_idx %arg9[%add3A_21, %broadcast_in_dim3A_73], %scan3A_29#14 : memref<64x8xi32, #tpu.memory_space<vmem>>[vector<16xi32>, vector<16xi32>], vector<16xi32>,
      %broadcast_in_dim3A_75 = arith.constant 7 : i32
      %broadcast_in_dim3A_76 = vector.broadcast %broadcast_in_dim3A_75 : i32 to vector<16xi32>
      %mul3A_77 = arith.mulf %exp3A_44, %div3A_53 : vector<16xf32>
      tpu.vector_store_idx %arg10[%add3A_21, %broadcast_in_dim3A_76], %mul3A_77 : memref<64x8xf32, #tpu.memory_space<vmem>>[vector<16xi32>, vector<16xi32>], vector<16xf32>,
      tpu.vector_store_idx %arg9[%add3A_21, %broadcast_in_dim3A_76], %scan3A_29#15 : memref<64x8xi32, #tpu.memory_space<vmem>>[vector<16xi32>, vector<16xi32>], vector<16xi32>,
    }
    %scan3A_15 = arith.constant 4 : i32
    %add3A_16 = arith.addi %reduce_max3A_10, %mul3A_2 : i32
    %multiple_of3A = tpu.assume_multiple %add3A_16, 32 : i32
    "tpu.region"() ({
      %run_scoped3A = tpu.sem_alloc : memref<!tpu.dma_semaphore, #tpu.memory_space<semaphore_mem>>
      %dma_start3A = arith.constant 0 : i32
      %dma_start3A_17 = tpu.memref_slice %arg4[%multiple_of3A, %dma_start3A] : memref<32768x8xi32, #tpu.memory_space<hbm>> -> memref<64x8xi32, #tpu.memory_space<hbm>>
      %dma_start3A_18 = arith.constant 0 : i32
      %dma_start3A_19 = tpu.memref_slice %arg4[%multiple_of3A, %dma_start3A_18] : memref<32768x8xi32, #tpu.memory_space<hbm>> -> memref<64x8xi32, #tpu.memory_space<hbm>>
      tpu.enqueue_dma source(%arg9 : memref<64x8xi32, #tpu.memory_space<vmem>>) target(%dma_start3A_19 : memref<64x8xi32, #tpu.memory_space<hbm>>) target_semaphore(%run_scoped3A : memref<!tpu.dma_semaphore, #tpu.memory_space<semaphore_mem>>)
      %dma_wait3A = arith.constant 0 : i32
      %dma_wait3A_20 = tpu.memref_slice %arg4[%multiple_of3A, %dma_wait3A] : memref<32768x8xi32, #tpu.memory_space<hbm>> -> memref<64x8xi32, #tpu.memory_space<hbm>>
      %dma_wait3A_21 = arith.constant 0 : i32
      %dma_wait3A_22 = tpu.memref_slice %arg4[%multiple_of3A, %dma_wait3A_21] : memref<32768x8xi32, #tpu.memory_space<hbm>> -> memref<64x8xi32, #tpu.memory_space<hbm>>
      tpu.wait_dma2 semaphore(%run_scoped3A : memref<!tpu.dma_semaphore, #tpu.memory_space<semaphore_mem>>) src(%arg9 : memref<64x8xi32, #tpu.memory_space<vmem>>) dst(%dma_wait3A_22 : memref<64x8xi32, #tpu.memory_space<hbm>>)
      tpu.yield
    }) : () -> ()
    "tpu.region"() ({
      %run_scoped3A = tpu.sem_alloc : memref<!tpu.dma_semaphore, #tpu.memory_space<semaphore_mem>>
      %dma_start3A = arith.constant 0 : i32
      %dma_start3A_17 = tpu.memref_slice %arg5[%multiple_of3A, %dma_start3A] : memref<32768x8xf32, #tpu.memory_space<hbm>> -> memref<64x8xf32, #tpu.memory_space<hbm>>
      %dma_start3A_18 = arith.constant 0 : i32
      %dma_start3A_19 = tpu.memref_slice %arg5[%multiple_of3A, %dma_start3A_18] : memref<32768x8xf32, #tpu.memory_space<hbm>> -> memref<64x8xf32, #tpu.memory_space<hbm>>
      tpu.enqueue_dma source(%arg10 : memref<64x8xf32, #tpu.memory_space<vmem>>) target(%dma_start3A_19 : memref<64x8xf32, #tpu.memory_space<hbm>>) target_semaphore(%run_scoped3A : memref<!tpu.dma_semaphore, #tpu.memory_space<semaphore_mem>>)
      %dma_wait3A = arith.constant 0 : i32
      %dma_wait3A_20 = tpu.memref_slice %arg5[%multiple_of3A, %dma_wait3A] : memref<32768x8xf32, #tpu.memory_space<hbm>> -> memref<64x8xf32, #tpu.memory_space<hbm>>
      %dma_wait3A_21 = arith.constant 0 : i32
      %dma_wait3A_22 = tpu.memref_slice %arg5[%multiple_of3A, %dma_wait3A_21] : memref<32768x8xf32, #tpu.memory_space<hbm>> -> memref<64x8xf32, #tpu.memory_space<hbm>>
      tpu.wait_dma2 semaphore(%run_scoped3A : memref<!tpu.dma_semaphore, #tpu.memory_space<semaphore_mem>>) src(%arg10 : memref<64x8xf32, #tpu.memory_space<vmem>>) dst(%dma_wait3A_22 : memref<64x8xf32, #tpu.memory_space<hbm>>)
      tpu.yield
    }) : () -> ()
    return
  }
}

module attributes {stable_mosaic.version = 14 : i64} {
  func.func @_matmul_body(%arg0: i32, %arg1: memref<512x4096xf32, #tpu.memory_space<vmem>>, %arg2: memref<4096x64xf32, #tpu.memory_space<vmem>>, %arg3: memref<1x64xf32, #tpu.memory_space<vmem>>, %arg4: memref<512x64xf32, #tpu.memory_space<vmem>>) attributes {dimension_semantics = [#tpu.dimension_semantics<arbitrary>], iteration_bounds = array<i64: 16>, scalar_prefetch = 0 : i64, scratch_operands = 0 : i64, tpu.core_type = #tpu.core_type<tc>, window_params = [{transform_indices = @transform_0, window_bounds = array<i64: 512, 4096>}, {pipeline_mode = #tpu.pipeline_mode<synchronous>, transform_indices = @transform_1, window_bounds = array<i64: 4096, 64>}, {pipeline_mode = #tpu.pipeline_mode<synchronous>, transform_indices = @transform_2, window_bounds = array<i64: 1, 64>}, {transform_indices = @transform_3, window_bounds = array<i64: 512, 64>}]} {
    %get3A = arith.constant 0 : index
    %get3A_0 = arith.constant 0 : index
    %get3A_1 = vector.load %arg1[%get3A, %get3A_0] : memref<512x4096xf32, #tpu.memory_space<vmem>>, vector<512x4096xf32>
    %get3A_2 = arith.constant 0 : index
    %get3A_3 = arith.constant 0 : index
    %get3A_4 = vector.load %arg2[%get3A_2, %get3A_3] : memref<4096x64xf32, #tpu.memory_space<vmem>>, vector<4096x64xf32>
    %dot_general3A = arith.constant dense<0.000000e+00> : vector<512x64xf32>
    %dot_general3A_5 = tpu.matmul %get3A_1, %get3A_4, %dot_general3A {dimension_numbers = #tpu.dot_dimension_numbers<[1], [0], [0], [1], [0, 0, 1, 1], [], []>, transpose_lhs_hint = false} : vector<512x4096xf32>, vector<4096x64xf32>, vector<512x64xf32> -> vector<512x64xf32>
    %get3A_6 = arith.constant 0 : index
    %get3A_7 = arith.constant 0 : index
    %get3A_8 = vector.load %arg3[%get3A_6, %get3A_7] : memref<1x64xf32, #tpu.memory_space<vmem>>, vector<1x64xf32>
    %add3A = vector.broadcast %get3A_8 : vector<1x64xf32> to vector<512x64xf32>
    %add3A_9 = arith.addf %dot_general3A_5, %add3A : vector<512x64xf32>
    %swap3A = arith.constant 0 : index
    %swap3A_10 = arith.constant 0 : index
    %swap3A_11 = vector.load %arg4[%swap3A, %swap3A_10] : memref<512x64xf32, #tpu.memory_space<vmem>>, vector<512x64xf32>
    tpu.vector_store %arg4[%swap3A, %swap3A_10], %add3A_9 {strides = array<i32>} : memref<512x64xf32, #tpu.memory_space<vmem>>, vector<512x64xf32>,
    return
  }
  func.func @transform_0(%arg0: i32) -> (i32, i32) {
    %add3A = arith.constant 32 : i32
    %add3A_0 = arith.addi %add3A, %arg0 : i32
    %c0_i32 = arith.constant 0 : i32
    %c0_i32_1 = arith.constant 0 : i32
    return %add3A_0, %c0_i32 : i32, i32
  }
  func.func @transform_1(%arg0: i32) -> (i32, i32) {
    %c0_i32 = arith.constant 0 : i32
    %c0_i32_0 = arith.constant 0 : i32
    %c0_i32_1 = arith.constant 0 : i32
    return %c0_i32, %c0_i32_0 : i32, i32
  }
  func.func @transform_2(%arg0: i32) -> (i32, i32) {
    %c0_i32 = arith.constant 0 : i32
    %c0_i32_0 = arith.constant 0 : i32
    %c0_i32_1 = arith.constant 0 : i32
    return %c0_i32, %c0_i32_0 : i32, i32
  }
  func.func @transform_3(%arg0: i32) -> (i32, i32) {
    %c0_i32 = arith.constant 0 : i32
    %c0_i32_0 = arith.constant 0 : i32
    return %arg0, %c0_i32 : i32, i32
  }
}

module attributes {stable_mosaic.version = 14 : i64} {
  func.func @_matmul_body(%arg0: i32, %arg1: memref<512x4096xf32, #tpu.memory_space<vmem>>, %arg2: memref<4096x64xf32, #tpu.memory_space<vmem>>, %arg3: memref<1x64xf32, #tpu.memory_space<vmem>>, %arg4: memref<512x64xf32, #tpu.memory_space<vmem>>) attributes {dimension_semantics = [#tpu.dimension_semantics<arbitrary>], iteration_bounds = array<i64: 16>, scalar_prefetch = 0 : i64, scratch_operands = 0 : i64, tpu.core_type = #tpu.core_type<tc>, window_params = [{transform_indices = @transform_0, window_bounds = array<i64: 512, 4096>}, {pipeline_mode = #tpu.pipeline_mode<synchronous>, transform_indices = @transform_1, window_bounds = array<i64: 4096, 64>}, {pipeline_mode = #tpu.pipeline_mode<synchronous>, transform_indices = @transform_2, window_bounds = array<i64: 1, 64>}, {transform_indices = @transform_3, window_bounds = array<i64: 512, 64>}]} {
    %get3A = arith.constant 0 : index
    %get3A_0 = arith.constant 0 : index
    %get3A_1 = vector.load %arg1[%get3A, %get3A_0] : memref<512x4096xf32, #tpu.memory_space<vmem>>, vector<512x4096xf32>
    %get3A_2 = arith.constant 0 : index
    %get3A_3 = arith.constant 0 : index
    %get3A_4 = vector.load %arg2[%get3A_2, %get3A_3] : memref<4096x64xf32, #tpu.memory_space<vmem>>, vector<4096x64xf32>
    %dot_general3A = arith.constant dense<0.000000e+00> : vector<512x64xf32>
    %dot_general3A_5 = tpu.matmul %get3A_1, %get3A_4, %dot_general3A {dimension_numbers = #tpu.dot_dimension_numbers<[1], [0], [0], [1], [0, 0, 1, 1], [], []>, transpose_lhs_hint = false} : vector<512x4096xf32>, vector<4096x64xf32>, vector<512x64xf32> -> vector<512x64xf32>
    %get3A_6 = arith.constant 0 : index
    %get3A_7 = arith.constant 0 : index
    %get3A_8 = vector.load %arg3[%get3A_6, %get3A_7] : memref<1x64xf32, #tpu.memory_space<vmem>>, vector<1x64xf32>
    %add3A = vector.broadcast %get3A_8 : vector<1x64xf32> to vector<512x64xf32>
    %add3A_9 = arith.addf %dot_general3A_5, %add3A : vector<512x64xf32>
    %swap3A = arith.constant 0 : index
    %swap3A_10 = arith.constant 0 : index
    %swap3A_11 = vector.load %arg4[%swap3A, %swap3A_10] : memref<512x64xf32, #tpu.memory_space<vmem>>, vector<512x64xf32>
    tpu.vector_store %arg4[%swap3A, %swap3A_10], %add3A_9 {strides = array<i32>} : memref<512x64xf32, #tpu.memory_space<vmem>>, vector<512x64xf32>,
    return
  }
  func.func @transform_0(%arg0: i32) -> (i32, i32) {
    %add3A = arith.constant 0 : i32
    %add3A_0 = arith.addi %add3A, %arg0 : i32
    %c0_i32 = arith.constant 0 : i32
    %c0_i32_1 = arith.constant 0 : i32
    return %add3A_0, %c0_i32 : i32, i32
  }
  func.func @transform_1(%arg0: i32) -> (i32, i32) {
    %c0_i32 = arith.constant 0 : i32
    %c0_i32_0 = arith.constant 0 : i32
    %c0_i32_1 = arith.constant 0 : i32
    return %c0_i32, %c0_i32_0 : i32, i32
  }
  func.func @transform_2(%arg0: i32) -> (i32, i32) {
    %c0_i32 = arith.constant 0 : i32
    %c0_i32_0 = arith.constant 0 : i32
    %c0_i32_1 = arith.constant 0 : i32
    return %c0_i32, %c0_i32_0 : i32, i32
  }
  func.func @transform_3(%arg0: i32) -> (i32, i32) {
    %c0_i32 = arith.constant 0 : i32
    %c0_i32_0 = arith.constant 0 : i32
    return %arg0, %c0_i32 : i32, i32
  }
}

module attributes {stable_mosaic.version = 14 : i64} {
  func.func @_matmul_body(%arg0: i32, %arg1: memref<512x4096xf32, #tpu.memory_space<vmem>>, %arg2: memref<4096x64xf32, #tpu.memory_space<vmem>>, %arg3: memref<1x64xf32, #tpu.memory_space<vmem>>, %arg4: memref<512x64xf32, #tpu.memory_space<vmem>>) attributes {dimension_semantics = [#tpu.dimension_semantics<arbitrary>], iteration_bounds = array<i64: 16>, scalar_prefetch = 0 : i64, scratch_operands = 0 : i64, tpu.core_type = #tpu.core_type<tc>, window_params = [{transform_indices = @transform_0, window_bounds = array<i64: 512, 4096>}, {pipeline_mode = #tpu.pipeline_mode<synchronous>, transform_indices = @transform_1, window_bounds = array<i64: 4096, 64>}, {pipeline_mode = #tpu.pipeline_mode<synchronous>, transform_indices = @transform_2, window_bounds = array<i64: 1, 64>}, {transform_indices = @transform_3, window_bounds = array<i64: 512, 64>}]} {
    %get3A = arith.constant 0 : index
    %get3A_0 = arith.constant 0 : index
    %get3A_1 = vector.load %arg1[%get3A, %get3A_0] : memref<512x4096xf32, #tpu.memory_space<vmem>>, vector<512x4096xf32>
    %get3A_2 = arith.constant 0 : index
    %get3A_3 = arith.constant 0 : index
    %get3A_4 = vector.load %arg2[%get3A_2, %get3A_3] : memref<4096x64xf32, #tpu.memory_space<vmem>>, vector<4096x64xf32>
    %dot_general3A = arith.constant dense<0.000000e+00> : vector<512x64xf32>
    %dot_general3A_5 = tpu.matmul %get3A_1, %get3A_4, %dot_general3A {dimension_numbers = #tpu.dot_dimension_numbers<[1], [0], [0], [1], [0, 0, 1, 1], [], []>, transpose_lhs_hint = false} : vector<512x4096xf32>, vector<4096x64xf32>, vector<512x64xf32> -> vector<512x64xf32>
    %get3A_6 = arith.constant 0 : index
    %get3A_7 = arith.constant 0 : index
    %get3A_8 = vector.load %arg3[%get3A_6, %get3A_7] : memref<1x64xf32, #tpu.memory_space<vmem>>, vector<1x64xf32>
    %add3A = vector.broadcast %get3A_8 : vector<1x64xf32> to vector<512x64xf32>
    %add3A_9 = arith.addf %dot_general3A_5, %add3A : vector<512x64xf32>
    %swap3A = arith.constant 0 : index
    %swap3A_10 = arith.constant 0 : index
    %swap3A_11 = vector.load %arg4[%swap3A, %swap3A_10] : memref<512x64xf32, #tpu.memory_space<vmem>>, vector<512x64xf32>
    tpu.vector_store %arg4[%swap3A, %swap3A_10], %add3A_9 {strides = array<i32>} : memref<512x64xf32, #tpu.memory_space<vmem>>, vector<512x64xf32>,
    return
  }
  func.func @transform_0(%arg0: i32) -> (i32, i32) {
    %add3A = arith.constant 16 : i32
    %add3A_0 = arith.addi %add3A, %arg0 : i32
    %c0_i32 = arith.constant 0 : i32
    %c0_i32_1 = arith.constant 0 : i32
    return %add3A_0, %c0_i32 : i32, i32
  }
  func.func @transform_1(%arg0: i32) -> (i32, i32) {
    %c0_i32 = arith.constant 0 : i32
    %c0_i32_0 = arith.constant 0 : i32
    %c0_i32_1 = arith.constant 0 : i32
    return %c0_i32, %c0_i32_0 : i32, i32
  }
  func.func @transform_2(%arg0: i32) -> (i32, i32) {
    %c0_i32 = arith.constant 0 : i32
    %c0_i32_0 = arith.constant 0 : i32
    %c0_i32_1 = arith.constant 0 : i32
    return %c0_i32, %c0_i32_0 : i32, i32
  }
  func.func @transform_3(%arg0: i32) -> (i32, i32) {
    %c0_i32 = arith.constant 0 : i32
    %c0_i32_0 = arith.constant 0 : i32
    return %arg0, %c0_i32 : i32, i32
  }
}

module attributes {stable_mosaic.version = 14 : i64} {
  func.func @_matmul_body(%arg0: i32, %arg1: memref<512x4096xf32, #tpu.memory_space<vmem>>, %arg2: memref<4096x64xf32, #tpu.memory_space<vmem>>, %arg3: memref<1x64xf32, #tpu.memory_space<vmem>>, %arg4: memref<512x64xf32, #tpu.memory_space<vmem>>) attributes {dimension_semantics = [#tpu.dimension_semantics<arbitrary>], iteration_bounds = array<i64: 8>, scalar_prefetch = 0 : i64, scratch_operands = 0 : i64, tpu.core_type = #tpu.core_type<tc>, window_params = [{transform_indices = @transform_0, window_bounds = array<i64: 512, 4096>}, {pipeline_mode = #tpu.pipeline_mode<synchronous>, transform_indices = @transform_1, window_bounds = array<i64: 4096, 64>}, {pipeline_mode = #tpu.pipeline_mode<synchronous>, transform_indices = @transform_2, window_bounds = array<i64: 1, 64>}, {transform_indices = @transform_3, window_bounds = array<i64: 512, 64>}]} {
    %get3A = arith.constant 0 : index
    %get3A_0 = arith.constant 0 : index
    %get3A_1 = vector.load %arg1[%get3A, %get3A_0] : memref<512x4096xf32, #tpu.memory_space<vmem>>, vector<512x4096xf32>
    %get3A_2 = arith.constant 0 : index
    %get3A_3 = arith.constant 0 : index
    %get3A_4 = vector.load %arg2[%get3A_2, %get3A_3] : memref<4096x64xf32, #tpu.memory_space<vmem>>, vector<4096x64xf32>
    %dot_general3A = arith.constant dense<0.000000e+00> : vector<512x64xf32>
    %dot_general3A_5 = tpu.matmul %get3A_1, %get3A_4, %dot_general3A {dimension_numbers = #tpu.dot_dimension_numbers<[1], [0], [0], [1], [0, 0, 1, 1], [], []>, transpose_lhs_hint = false} : vector<512x4096xf32>, vector<4096x64xf32>, vector<512x64xf32> -> vector<512x64xf32>
    %get3A_6 = arith.constant 0 : index
    %get3A_7 = arith.constant 0 : index
    %get3A_8 = vector.load %arg3[%get3A_6, %get3A_7] : memref<1x64xf32, #tpu.memory_space<vmem>>, vector<1x64xf32>
    %add3A = vector.broadcast %get3A_8 : vector<1x64xf32> to vector<512x64xf32>
    %add3A_9 = arith.addf %dot_general3A_5, %add3A : vector<512x64xf32>
    %swap3A = arith.constant 0 : index
    %swap3A_10 = arith.constant 0 : index
    %swap3A_11 = vector.load %arg4[%swap3A, %swap3A_10] : memref<512x64xf32, #tpu.memory_space<vmem>>, vector<512x64xf32>
    tpu.vector_store %arg4[%swap3A, %swap3A_10], %add3A_9 {strides = array<i32>} : memref<512x64xf32, #tpu.memory_space<vmem>>, vector<512x64xf32>,
    return
  }
  func.func @transform_0(%arg0: i32) -> (i32, i32) {
    %add3A = arith.constant 48 : i32
    %add3A_0 = arith.addi %add3A, %arg0 : i32
    %c0_i32 = arith.constant 0 : i32
    %c0_i32_1 = arith.constant 0 : i32
    return %add3A_0, %c0_i32 : i32, i32
  }
  func.func @transform_1(%arg0: i32) -> (i32, i32) {
    %c0_i32 = arith.constant 0 : i32
    %c0_i32_0 = arith.constant 0 : i32
    %c0_i32_1 = arith.constant 0 : i32
    return %c0_i32, %c0_i32_0 : i32, i32
  }
  func.func @transform_2(%arg0: i32) -> (i32, i32) {
    %c0_i32 = arith.constant 0 : i32
    %c0_i32_0 = arith.constant 0 : i32
    %c0_i32_1 = arith.constant 0 : i32
    return %c0_i32, %c0_i32_0 : i32, i32
  }
  func.func @transform_3(%arg0: i32) -> (i32, i32) {
    %c0_i32 = arith.constant 0 : i32
    %c0_i32_0 = arith.constant 0 : i32
    return %arg0, %c0_i32 : i32, i32
  }
}

module attributes {stable_mosaic.version = 14 : i64} {
  func.func @_matmul_body(%arg0: i32, %arg1: memref<512x4096xf32, #tpu.memory_space<vmem>>, %arg2: memref<4096x64xf32, #tpu.memory_space<vmem>>, %arg3: memref<1x64xf32, #tpu.memory_space<vmem>>, %arg4: memref<512x64xf32, #tpu.memory_space<vmem>>) attributes {dimension_semantics = [#tpu.dimension_semantics<arbitrary>], iteration_bounds = array<i64: 4>, scalar_prefetch = 0 : i64, scratch_operands = 0 : i64, tpu.core_type = #tpu.core_type<tc>, window_params = [{transform_indices = @transform_0, window_bounds = array<i64: 512, 4096>}, {pipeline_mode = #tpu.pipeline_mode<synchronous>, transform_indices = @transform_1, window_bounds = array<i64: 4096, 64>}, {pipeline_mode = #tpu.pipeline_mode<synchronous>, transform_indices = @transform_2, window_bounds = array<i64: 1, 64>}, {transform_indices = @transform_3, window_bounds = array<i64: 512, 64>}]} {
    %get3A = arith.constant 0 : index
    %get3A_0 = arith.constant 0 : index
    %get3A_1 = vector.load %arg1[%get3A, %get3A_0] : memref<512x4096xf32, #tpu.memory_space<vmem>>, vector<512x4096xf32>
    %get3A_2 = arith.constant 0 : index
    %get3A_3 = arith.constant 0 : index
    %get3A_4 = vector.load %arg2[%get3A_2, %get3A_3] : memref<4096x64xf32, #tpu.memory_space<vmem>>, vector<4096x64xf32>
    %dot_general3A = arith.constant dense<0.000000e+00> : vector<512x64xf32>
    %dot_general3A_5 = tpu.matmul %get3A_1, %get3A_4, %dot_general3A {dimension_numbers = #tpu.dot_dimension_numbers<[1], [0], [0], [1], [0, 0, 1, 1], [], []>, transpose_lhs_hint = false} : vector<512x4096xf32>, vector<4096x64xf32>, vector<512x64xf32> -> vector<512x64xf32>
    %get3A_6 = arith.constant 0 : index
    %get3A_7 = arith.constant 0 : index
    %get3A_8 = vector.load %arg3[%get3A_6, %get3A_7] : memref<1x64xf32, #tpu.memory_space<vmem>>, vector<1x64xf32>
    %add3A = vector.broadcast %get3A_8 : vector<1x64xf32> to vector<512x64xf32>
    %add3A_9 = arith.addf %dot_general3A_5, %add3A : vector<512x64xf32>
    %swap3A = arith.constant 0 : index
    %swap3A_10 = arith.constant 0 : index
    %swap3A_11 = vector.load %arg4[%swap3A, %swap3A_10] : memref<512x64xf32, #tpu.memory_space<vmem>>, vector<512x64xf32>
    tpu.vector_store %arg4[%swap3A, %swap3A_10], %add3A_9 {strides = array<i32>} : memref<512x64xf32, #tpu.memory_space<vmem>>, vector<512x64xf32>,
    return
  }
  func.func @transform_0(%arg0: i32) -> (i32, i32) {
    %add3A = arith.constant 56 : i32
    %add3A_0 = arith.addi %add3A, %arg0 : i32
    %c0_i32 = arith.constant 0 : i32
    %c0_i32_1 = arith.constant 0 : i32
    return %add3A_0, %c0_i32 : i32, i32
  }
  func.func @transform_1(%arg0: i32) -> (i32, i32) {
    %c0_i32 = arith.constant 0 : i32
    %c0_i32_0 = arith.constant 0 : i32
    %c0_i32_1 = arith.constant 0 : i32
    return %c0_i32, %c0_i32_0 : i32, i32
  }
  func.func @transform_2(%arg0: i32) -> (i32, i32) {
    %c0_i32 = arith.constant 0 : i32
    %c0_i32_0 = arith.constant 0 : i32
    %c0_i32_1 = arith.constant 0 : i32
    return %c0_i32, %c0_i32_0 : i32, i32
  }
  func.func @transform_3(%arg0: i32) -> (i32, i32) {
    %c0_i32 = arith.constant 0 : i32
    %c0_i32_0 = arith.constant 0 : i32
    return %arg0, %c0_i32 : i32, i32
  }
}

module attributes {stable_mosaic.version = 14 : i64} {
  func.func @_matmul_body(%arg0: i32, %arg1: memref<512x4096xf32, #tpu.memory_space<vmem>>, %arg2: memref<4096x64xf32, #tpu.memory_space<vmem>>, %arg3: memref<1x64xf32, #tpu.memory_space<vmem>>, %arg4: memref<512x64xf32, #tpu.memory_space<vmem>>) attributes {dimension_semantics = [#tpu.dimension_semantics<arbitrary>], iteration_bounds = array<i64: 4>, scalar_prefetch = 0 : i64, scratch_operands = 0 : i64, tpu.core_type = #tpu.core_type<tc>, window_params = [{transform_indices = @transform_0, window_bounds = array<i64: 512, 4096>}, {pipeline_mode = #tpu.pipeline_mode<synchronous>, transform_indices = @transform_1, window_bounds = array<i64: 4096, 64>}, {pipeline_mode = #tpu.pipeline_mode<synchronous>, transform_indices = @transform_2, window_bounds = array<i64: 1, 64>}, {transform_indices = @transform_3, window_bounds = array<i64: 512, 64>}]} {
    %get3A = arith.constant 0 : index
    %get3A_0 = arith.constant 0 : index
    %get3A_1 = vector.load %arg1[%get3A, %get3A_0] : memref<512x4096xf32, #tpu.memory_space<vmem>>, vector<512x4096xf32>
    %get3A_2 = arith.constant 0 : index
    %get3A_3 = arith.constant 0 : index
    %get3A_4 = vector.load %arg2[%get3A_2, %get3A_3] : memref<4096x64xf32, #tpu.memory_space<vmem>>, vector<4096x64xf32>
    %dot_general3A = arith.constant dense<0.000000e+00> : vector<512x64xf32>
    %dot_general3A_5 = tpu.matmul %get3A_1, %get3A_4, %dot_general3A {dimension_numbers = #tpu.dot_dimension_numbers<[1], [0], [0], [1], [0, 0, 1, 1], [], []>, transpose_lhs_hint = false} : vector<512x4096xf32>, vector<4096x64xf32>, vector<512x64xf32> -> vector<512x64xf32>
    %get3A_6 = arith.constant 0 : index
    %get3A_7 = arith.constant 0 : index
    %get3A_8 = vector.load %arg3[%get3A_6, %get3A_7] : memref<1x64xf32, #tpu.memory_space<vmem>>, vector<1x64xf32>
    %add3A = vector.broadcast %get3A_8 : vector<1x64xf32> to vector<512x64xf32>
    %add3A_9 = arith.addf %dot_general3A_5, %add3A : vector<512x64xf32>
    %swap3A = arith.constant 0 : index
    %swap3A_10 = arith.constant 0 : index
    %swap3A_11 = vector.load %arg4[%swap3A, %swap3A_10] : memref<512x64xf32, #tpu.memory_space<vmem>>, vector<512x64xf32>
    tpu.vector_store %arg4[%swap3A, %swap3A_10], %add3A_9 {strides = array<i32>} : memref<512x64xf32, #tpu.memory_space<vmem>>, vector<512x64xf32>,
    return
  }
  func.func @transform_0(%arg0: i32) -> (i32, i32) {
    %add3A = arith.constant 60 : i32
    %add3A_0 = arith.addi %add3A, %arg0 : i32
    %c0_i32 = arith.constant 0 : i32
    %c0_i32_1 = arith.constant 0 : i32
    return %add3A_0, %c0_i32 : i32, i32
  }
  func.func @transform_1(%arg0: i32) -> (i32, i32) {
    %c0_i32 = arith.constant 0 : i32
    %c0_i32_0 = arith.constant 0 : i32
    %c0_i32_1 = arith.constant 0 : i32
    return %c0_i32, %c0_i32_0 : i32, i32
  }
  func.func @transform_2(%arg0: i32) -> (i32, i32) {
    %c0_i32 = arith.constant 0 : i32
    %c0_i32_0 = arith.constant 0 : i32
    %c0_i32_1 = arith.constant 0 : i32
    return %c0_i32, %c0_i32_0 : i32, i32
  }
  func.func @transform_3(%arg0: i32) -> (i32, i32) {
    %c0_i32 = arith.constant 0 : i32
    %c0_i32_0 = arith.constant 0 : i32
    return %arg0, %c0_i32 : i32, i32
  }
}

</mosaic_0001>

<sc_bundles>
// kernel: kernel.14.cloned.1.call-start
scs
__scs_entry_jumppad:
0x0: {  	(pc) =	sbr.rel $0x88, $3  }
0x1: {  	(tag) =	ssettag $0x0;
	lr =	simm.s32 $0x1  }
0x2: {  	[smem:$0x3F9E] =	sst lr;
	_ =	strace $0xD0000000  }
0x3: {  	_ = 	snop  }
0x4: {  	_ = 	snop  }
0x5: {  	_ = 	snop  }
0x6: {  	_ = 	snop  }
0x7: {  	_ = 	snop  }
__scs_overlays_trampoline_lowered:
0x8: {  	[smem:$0x3FAD] =	sst s0  }
0x9: {  	[smem:$0x3FAE] =	sst s1  }
0xa: {  	[smem:$0x3FAF] =	sst s2  }
0xb: {  	[smem:$0x3FB0] =	sst s3  }
0xc: {  	[smem:$0x3FB1] =	sst s4  }
0xd: {  	[smem:$0x3FB2] =	sst s5  }
0xe: {  	[smem:$0x3FB3] =	sst s6  }
0xf: {  	[smem:$0x3FB4] =	sst s7  }
0x10: {  	[smem:$0x3FB5] =	sst s8  }
0x11: {  	[smem:$0x3FB6] =	sst s9;
	s0 =	simm.s32 @!p0 $0x0  }
0x12: {  	s1 =	sld [smem:$0x3F9C];
	s0 =	simm.s32 @p0 $0x1  }
0x13: {  	[smem:$0x3FB7] =	sst s0;
	s0 =	simm.s32 @!p1 $0x0  }
0x14: {  	s2 =	sld [smem:$0x3F9B];
	s0 =	simm.s32 @p1 $0x1  }
0x15: {  	[smem:$0x3FB8] =	sst s0;
	s0 =	simm.s32 @!p2 $0x0  }
0x16: {  	s3 =	sld [smem:$0x3FDB];
	s0 =	simm.s32 @p2 $0x1  }
0x17: {  	s4 =	simm.s32 $0x1BF5;
	[smem:$0x3FBA] =	sst s0  }
0x18: {  	s0 =	sld [smem:$0x3F9D];
	_ =	swait.ge [sflag:s4], $0x0  }
0x19: {  	s7 =	sld [smem:$0x3F9E]  }
0x1a: {  	s8 =	sadd.s32 $0xFFFFE003, lr  }
0x1b: {  	s9 =	sadd.s32 $0xFFFFFEF7, lr;
	s5 =	simm.s32 $0xFFFFFFFF;
	p2 =	slt.u32 s8, $0xFFFFF086  }
0x1c: {  	p1 =	slt.u32 s9, $0xF7A;
	s5 =	simm.s32 @!p2 $0x0  }
0x1d: {  	s5 =	simm.s32 @p1 $0x1;
	p0 =	seq.s32 s7, s2  }
0x1e: {  	s7 =	smul.u32 @!p0 $0xF7A, s2;
	p2 =	seq.s32 @!p0 s5, $0x0  }
0x1f: {  	s9 =	smul.u32 $0xF7A, s1;
	s8 =	simm.s32 @!p0 $0x1BF5;
	p2 =	por !p2, p0  }
0x20: {  	[sflag:s8] =	ssyncset.s32 @!p0 $0xFFFFF086;
	s6 =	sadd.s32 @!p0 s3, s7;
	s7 =	simm.s32 @!p0 $0x108  }
0x21: {  	s3 =	sadd.s32 s3, s9;
	s6 =	sadd.s32 @!p0 $0x88, s6;
	s7 =	simm.s32 @p2 $0x1082  }
0x22: {  	[simem:s7], [sflag:s8] =	dma.local @!p0 [hbm:s6], $0xF7A  }
0x23: {  	s9 =	sor.u32 $0xD0000000, s2;
	s6 =	simm.s32 $0x108;
	_ =	swait.ge @!p0 [sflag:s8], $0x0  }
0x24: {  	s3 =	sadd.s32 $0x88, s3;
	s6 =	simm.s32 @!p1 $0x1082;
	[sflag:s4] =	ssyncset.s32 $0xFFFFF086  }
0x25: {  	[simem:s6], [sflag:s4] =	dma.local [hbm:s3], $0xF7A  }
0x26: {  	[smem:$0x3F9E] =	sst s1;
	(tag) =	ssettag s2;
	_ =	strace s9  }
0x27: {  	s1 =	sld [smem:$0x3FAE]  }
0x28: {  	s2 =	sld [smem:$0x3FAF]  }
0x29: {  	s4 =	sld [smem:$0x3FB1]  }
0x2a: {  	p0 =	seq.s32 s5, $0x0;
	s5 =	sld [smem:$0x3FB2]  }
0x2b: {  	s6 =	sld [smem:$0x3FB3]  }
0x2c: {  	s7 =	sld [smem:$0x3FB4]  }
0x2d: {  	s3 =	simm.s32 $0x108;
	s8 =	sld [smem:$0x3FB5]  }
0x2e: {  	s3 =	simm.s32 @!p0 $0x1082;
	s9 =	sld [smem:$0x3FB6]  }
0x2f: {  	lr =	sadd.s32 s0, s3;
	s0 =	sld [smem:$0x3FAD]  }
0x30: {  	s3 =	sld [smem:$0x3FB0]  }
0x31: {  	[smem:$0x3FB9] =	sst s10  }
0x32: {  	s10 =	sld [smem:$0x3FB7];
	_ =	sdelay $0x3  }
0x33: {  	p0 =	seq.s32 s10, $0x1;
	s10 =	sld [smem:$0x3FB9];
	_ =	sdelay $0x3  }
0x34: {  	[smem:$0x3FB9] =	sst s10  }
0x35: {  	s10 =	sld [smem:$0x3FB8];
	_ =	sdelay $0x3  }
0x36: {  	p1 =	seq.s32 s10, $0x1;
	s10 =	sld [smem:$0x3FB9];
	_ =	sdelay $0x3  }
0x37: {  	[smem:$0x3FB9] =	sst s10  }
0x38: {  	s10 =	sld [smem:$0x3FBA]  }
0x39: {  	_ = 	snop;
	(pc) =	sbr.ind lr, $3  }
0x3a: {  	_ = 	snop  }
0x3b: {  	_ = 	snop  }
0x3c: {  	p2 =	seq.s32 s10, $0x1;
	s10 =	sld [smem:$0x3FB9]  }
0x3d: {  	_ =	shalt  }
0x3e: {  	_ =	shalt  }
0x3f: {  	_ =	shalt  }
0x40: {  	_ =	shalt  }
0x41: {  	_ =	shalt  }
0x42: {  	_ =	shalt  }
0x43: {  	_ =	shalt  }
0x44: {  	_ =	shalt  }
0x45: {  	_ =	shalt  }
0x46: {  	_ =	shalt  }
0x47: {  	_ =	shalt  }
0x48: {  	_ =	shalt  }
0x49: {  	_ =	shalt  }
0x4a: {  	_ =	shalt  }
0x4b: {  	_ =	shalt  }
0x4c: {  	_ =	shalt  }
0x4d: {  	_ =	shalt  }
0x4e: {  	_ =	shalt  }
0x4f: {  	_ =	shalt  }
0x50: {  	_ =	shalt  }
0x51: {  	_ =	shalt  }
0x52: {  	_ =	shalt  }
0x53: {  	_ =	shalt  }
0x54: {  	_ =	shalt  }
0x55: {  	_ =	shalt  }
0x56: {  	_ =	shalt  }
0x57: {  	_ =	shalt  }
0x58: {  	_ =	shalt  }
0x59: {  	_ =	shalt  }
0x5a: {  	_ =	shalt  }
0x5b: {  	_ =	shalt  }
0x5c: {  	_ =	shalt  }
0x5d: {  	_ =	shalt  }
0x5e: {  	_ =	shalt  }
0x5f: {  	_ =	shalt  }
0x60: {  	_ =	shalt  }
0x61: {  	_ =	shalt  }
0x62: {  	_ =	shalt  }
0x63: {  	_ =	shalt  }
0x64: {  	_ =	shalt  }
0x65: {  	_ =	shalt  }
0x66: {  	_ =	shalt  }
0x67: {  	_ =	shalt  }
0x68: {  	_ =	shalt  }
0x69: {  	_ =	shalt  }
0x6a: {  	_ =	shalt  }
0x6b: {  	_ =	shalt  }
0x6c: {  	_ =	shalt  }
0x6d: {  	_ =	shalt  }
0x6e: {  	_ =	shalt  }
0x6f: {  	_ =	shalt  }
0x70: {  	_ =	shalt  }
0x71: {  	_ =	shalt  }
0x72: {  	_ =	shalt  }
0x73: {  	_ =	shalt  }
0x74: {  	_ =	shalt  }
0x75: {  	_ =	shalt  }
0x76: {  	_ =	shalt  }
0x77: {  	_ =	shalt  }
0x78: {  	_ =	shalt  }
0x79: {  	_ =	shalt  }
0x7a: {  	_ =	shalt  }
0x7b: {  	_ =	shalt  }
0x7c: {  	_ =	shalt  }
0x7d: {  	_ =	shalt  }
0x7e: {  	_ =	shalt  }
0x7f: {  	_ =	shalt  }
0x80: {  	_ =	shalt  }
0x81: {  	_ =	shalt  }
0x82: {  	_ =	shalt  }
0x83: {  	_ =	shalt  }
0x84: {  	_ =	shalt  }
0x85: {  	_ =	shalt  }
0x86: {  	_ =	shalt  }
0x87: {  	_ =	shalt  }
.Lfunc_end0:
.L_simem_size_0:
called_computation_lowered:
.L_overlay_start_0:
0x88: {  	s2 =	sld [smem:$0x3FD9]  }
0x89: {  	s3 =	sld [smem:$0x3FFE];
	_ =	sdelay $0x1  }
0x8a: {  	s1 =	srdreg.scid  }
0x8b: {  	s0 =	sand.u32 $0x1, s1  }
0x8c: {  	s14 =	sshll.u32 s0, $0xA;
	s2 =	sadd.s32 s3, s2  }
0x8d: {  	s2 =	sadd.s32 s2, s14  }
0x8e: {  	[smem:$0x3FC5] =	sst s2  }
0x8f: {  	_ = 	snop  }
0x90: {  	s2 =	sld [smem:$0x3FD0];
	_ =	sdelay $0x2  }
0x91: {  	s15 =	simm.s32 $0xA;
	s4 =	simm.s32 $0x10  }
0x92: {  	[smem:s4], [sflag:s15] =	dma.local [hbm:s2], $0x1  }
0x93: {  	_ =	swait.eq [sflag:s15], $0x1  }
0x94: {  	[sflag:s15] =	ssyncset.done $0x0  }
0x95: {  	[sflag:s15] =	ssyncadd.s32 $0xFFFFFFFF  }
0x96: {  	s16 =	sld [smem:$0x11];
	(tm) =	ssettm $0x1  }
0x97: {  	s17 =	sld [smem:$0x3FFB];
	_ =	sdelay $0x3  }
0x98: {  	_ =	strace s17  }
0x99: {  	s3 =	sld [smem:$0x3FFC];
	_ =	sdelay $0x3  }
0x9a: {  	_ =	strace s3  }
0x9b: {  	s3 =	sld [smem:$0x3FFD];
	_ =	sdelay $0x3  }
0x9c: {  	_ =	strace s3  }
0x9d: {  	_ =	strace $0x8FFFFFFF  }
0x9e: {  	s18 =	sld [smem:$0x3FDB];
	_ =	sdelay $0x1  }
0x9f: {  	s19 =	simm.s32 $_scs_section_size  }
0xa0: {  	s5 =	simm.s32 $_size__tile_overlayer_lowered;
	s6 =	simm.s32 $_tile_overlayer_lowered  }
0xa1: {  	s22 =	simm.s32 $0x1BFF;
	s21 =	sshll.u32 s6, $0x1;
	s3 =	sadd.s32 s19, s18  }
0xa2: {  	s7 =	simm.s32 $0x0;
	s20 =	sshll.u32 s5, $0x1;
	s5 =	sadd.s32 s21, s3  }
0xa3: {  	[timem:s7], [sflag:s22] =	dma.local [hbm:s5], s20  }
0xa4: {  	_ =	swait.ge [sflag:s22], s20  }
0xa5: {  	s4 =	ssub.s32 $0x0, s20;
	[sflag:s22] =	ssyncset.done $0x0  }
0xa6: {  	[sflag:s22] =	ssyncadd.s32 s4;
	_ =	sdelay $0x1  }
0xa7: {  	s23 =	simm.s32 $0x1B8B  }
0xa8: {  	_ =	swait.ge [sflag:s23], $0x1  }
0xa9: {  	[sflag:s23] =	ssyncset.done $0x0  }
0xaa: {  	s25 =	simm.s32 $0x1B8E;
	s24 =	sld [smem:$0x3FFE];
	[sflag:s23] =	ssyncadd.s32 $0xFFFFFFFF  }
0xab: {  	s26 =	simm.s32 $execute0_lowered;
	[smem:$0x3FD2] =	sst s25  }
0xac: {  	s5 =	sshll.u32 s26, $0x1;
	_ =	strace $0x80000046;
	[dreg:$0x1] =	wrdreg $0xFFFFFFFF  }
0xad: {  	s28 =	simm.s32 $_size_execute0_lowered;
	s3 =	sadd.s32 s3, s5;
	[dreg:$0x0] =	wrdreg $0x0  }
0xae: {  	s5 =	sshll.u32 s28, $0x1;
	[dreg:$0x2] =	wrdreg s3  }
0xaf: {  	[dreg:$0x3] =	wrdreg s5  }
0xb0: {  	[dreg:$0x4] =	wrdreg $0xC0  }
0xb1: {  	_ =	task [dreg:s7], $0x5FFFF  }
0xb2: {  	[dreg:$0x1] =	wrdreg $0xFFFFFFFF  }
0xb3: {  	[dreg:$0x0] =	wrdreg $0x60  }
0xb4: {  	[dreg:$0x2] =	wrdreg s16  }
0xb5: {  	[dreg:$0x3] =	wrdreg s24  }
0xb6: {  	[dreg:$0x4] =	wrdreg $0x9  }
0xb7: {  	_ =	task.clear_ibuf [dreg:s7], $0x5FFFF;
	_ =	strace $0x90000046  }
0xb8: {  	s29 =	simm.s32 $0x9;
	_ =	strace $0x80000048  }
0xb9: {  	_ =	swait.ge [sflag:s29], $0x1  }
0xba: {  	[sflag:s29] =	ssyncadd.s32 $0xFFFFFFFF  }
0xbb: {  	_ =	strace $0x90000048  }
0xbc: {  	_ =	sfence  }
0xbd: {  	s30 =	sld [smem:$0x0];
	_ =	sdelay $0x2  }
0xbe: {  	s31 =	sshll.u32 s1, $0xD;
	s1 =	sshrl.u32 s1, $0x2  }
0xbf: {  	s3 =	sand.u32 $0x4000, s31;
	s1 =	sadd.s32 s1, s30  }
0xc0: {  	s0 =	sor.u32 s3, s0;
	s1 =	sshll.u32 s1, $0x11  }
0xc1: {  	s0 =	sor.u32 s1, s0  }
0xc2: {  	s0 =	sadd.s32 $0x8F2B, s0  }
0xc3: {  	[sflag:s0] =	ssyncadd.remote.s32 $0x1  }
0xc4: {  	_ =	sfence.sel $0xFFFF  }
0xc5: {  	[dreg:$0x0] =	wrdreg $0xFFFFFFFF;
	(pc) =	sbr.abs _section_cstart, $3  }
0xc6: {  	[dreg:$0x1] =	wrdreg $0xFFFFFFFF  }
0xc7: {  	_ =	task.clear_ibuf [dreg:s7], $0x2FFFF;
	_ =	strace $0x9FFFFFFF  }
0xc8: {  	(tm) =	ssettm $0x7FFFFFFF  }
0xc9: {  	_ =	shalt  }
tec
execute0_lowered:
.L_overlay_start_1:
0x0: {  	(tag) =	ssettag $0x1  }
0x1: {  	s2 =	rddreg [dreg:$0x0]  }
0x2: {  	s6 =	rddreg [dreg:$0x1];
	s3 =	srdreg.scid  }
0x3: {  	s0 =	rddreg [dreg:$0x2];
	s1 =	stileid.u32  }
0x4: {  	s10 =	simm.s32 $0x1;
	s11 =	simm.s32 $0x10000;
	s12 =	simm.s32 $0x8000  }
0x5: {  	s13 =	simm.s32 $0x0;
	s5 =	sand.u32 $0x1, s3;
	s3 =	simm.s32 $0x0  }
0x6: {  	s4 =	sshll.u32 s1, $0x9;
	s7 =	sshll.u32 s5, $0x8;
	[smem:$0x7FF] =	sst s3  }
0x7: {  	s8 =	ssub.s32 $0x2, s5;
	s5 =	sadd.s32 $0x4000, s6;
	s4 =	sor.u32 s7, s4  }
0x8: {  	_ =	strace $0x80000047;
	s9 =	sshrl.u32 s8, $0x1;
	s7 =	sshll.u32 s4, $0x4  }
0x9: {  	v0 =	vlaneseq.u32;
	s8 =	ssub.s32 s8, s9;
	s9 =	simm.s32 $0x18000;
	s7 =	sadd.s32 s7, s6  }
0xa: {  	v0 =	vmul.u32 $0x80, v0;
	s6 =	sadd.s32 $0x84000, s6;
	s8 =	smax.u32 s8, $0x1;
	s7 =	sadd.s32 $0x104000, s7  }
.LBB2_1:
0xb: {  	[tilespmem:s9], [sflag:$0x1] =	stream.linear.gather [hbm4b:s2+s3], $0x80, $0x38;
	[tilespmem:$0x18080] =	vst v63  }
0xc: {  	_ =	swait.ge [sflag:s10], $0x80  }
0xd: {  	[sflag:s10] =	ssyncset.done $0x0  }
0xe: {  	[sflag:s10] =	ssyncadd.s32 $0xFFFFFF80  }
0xf: {  	v1 =	vld [tilespmem:$0x18000];
	[tilespmem:s3], [sflag:$0x1] =	stream.linear.gather [hbm4b:s7+s3], $0x8000, $0x38  }
0x10: {  	_ =	swait.ge [sflag:s10], $0x8000  }
0x11: {  	[sflag:s10] =	ssyncset.done $0x0  }
0x12: {  	s14 =	simm.s32 $0x0;
	[sflag:s10] =	ssyncadd.s32 $0xFFFF8000  }
.LBB2_2:
0x13: {  	s15 =	sshll.u32 s14, $0x4  }
0x14: {  	v2 =	vmov s15  }
0x15: {  	v2 =	vshll.u32 v2, $0x7  }
0x16: {  	v2 =	vor.u32 v0, v2;
	_ =	sdelay $0x4  }
0x17: {  	v19 =	vimm.f32 $-Inf;
	v18 =	vld.idx.msk [tilespmem:v2+s3+$0x0], $0xffff  }
0x18: {  	v9 =	vimm.s32 $0x0;
	v21 =	vimm.f32 $-Inf;
	v13 =	vimm.s32 $0x0  }
0x19: {  	v6 =	vimm.s32 $0x0;
	v20 =	vimm.f32 $-Inf;
	v12 =	vimm.s32 $0x0  }
0x1a: {  	v7 =	vimm.s32 $0x0;
	v5 =	vimm.s32 $0x0;
	v14 =	vimm.s32 $0x0  }
0x1b: {  	v25 =	vimm.f32 $-Inf;
	v24 =	vimm.f32 $-Inf;
	s15 =	simm.s32 $0x0;
	v4 =	vor.u32 $0x1, v2  }
0x1c: {  	v10 =	vimm.s32 $0x0;
	v27 =	vadd.s32 s15, v4;
	vm4 =	vgt.f32 v18, v19  }
0x1d: {  	vm1 =	vgt.f32 v18, v19;
	vm0 =	vgt.f32 v18, v19;
	v11 =	vsel vm4, s15, v9  }
0x1e: {  	v16 =	vsel vm4, v18, v19;
	v26 =	vsel vm4, v19, v18;
	v17 =	vnsel vm4, s15, v9  }
0x1f: {  	v15 =	vnsel vm0, s15, v9;
	v8 =	vnsel vm4, s15, v9;
	v3 =	vnsel vm0, s15, v9  }
0x20: {  	v28 =	vsel vm0, v19, v18;
	vm5 =	vmmov vm4;
	vm7 =	vmmov vm0  }
0x21: {  	vm6 =	vmmov vm0;
	vm3 =	vmmov vm0;
	vm2 =	vmmov vm4  }
0x22: {  	s16 =	simm.s32 $0x1;
	v23 =	vsel vm4, v26, v19;
	v22 =	vsel vm0, v26, v19;
	v3 =	vsel vm0, v3, v9  }
.LBB2_3:
0x23: {  	v29 =	vld.idx.msk [tilespmem:v27+s3+$0x0], $0xffff;
	p0 =	sne.s32 s16, $0x3F;
	v27 =	vnsel vm4, s15, v9;
	v30 =	vsel vm1, v19, v18;
	v31 =	vsel vm0, v21, v18;
	v9 =	vmovc v11;
	s17 =	smov.u32 s16;
	s16 =	sadd.s32 $0x1, s16  }
0x24: {  	v13 =	vsel vm5, v27, v13;
	v27 =	vnsel vm1, s15, v6;
	v20 =	vsel vm7, v31, v20  }
0x25: {  	v12 =	vsel vm6, v17, v12;
	v5 =	vsel vm2, v15, v5;
	v7 =	vsel vm3, v27, v7  }
0x26: {  	v15 =	vnsel vm6, s15, v14;
	v17 =	vsel vm3, v25, v18;
	v25 =	vsel vm3, v30, v25;
	v14 =	vmovc v12;
	s15 =	smov.u32 s17  }
0x27: {  	v21 =	vsel vm0, v26, v21;
	v6 =	vsel vm1, v15, v6;
	v24 =	vsel vm2, v17, v24  }
0x28: {  	v19 =	vsel vm1, v28, v19;
	v10 =	vsel vm0, v8, v10;
	v27 =	vadd.s32 s15, v4  }
0x29: {  	vm4 =	vgt.f32 v29, v16;
	vm5 =	vgt.f32 v29, v23;
	vm2 =	vgt.f32 v29, v24;
	v18 =	vmovc v29  }
0x2a: {  	vm1 =	vgt.f32 v18, v19;
	vm3 =	vgt.f32 v18, v25;
	v11 =	vsel vm4, s15, v11  }
.Ltmp0:
0x2b: {  	vm0 =	vgt.f32 v18, v21;
	v26 =	vsel vm4, v16, v18;
	v16 =	vsel vm4, v18, v16;
	(pc) =	sbr.rel @p0 .LBB2_3-.Ltmp0, $4  }
0x2c: {  	v29 =	vsel vm5, v23, v18;
	v17 =	vnsel vm5, s15, v13;
	v15 =	vnsel vm3, s15, v7  }
0x2d: {  	vm6 =	vgt.f32 v18, v22;
	v8 =	vnsel vm2, s15, v5;
	v30 =	vnsel vm0, s15, v10  }
0x2e: {  	vm7 =	vgt.f32 v18, v20;
	v23 =	vsel vm5, v26, v23;
	v28 =	vsel vm6, v22, v18  }
0x2f: {  	v22 =	vsel vm6, v29, v22;
	v26 =	vsel vm2, v24, v18;
	v3 =	vsel vm7, v30, v3  }
0x30: {  	v27 =	vsub.f32 v16, v16  }
0x31: {  	v23 =	vsub.f32 v23, v16  }
0x32: {  	v27 =	vmul.f32 $1.442695020e+00, v27  }
0x33: {  	v22 =	vsub.f32 v22, v16;
	v23 =	vmul.f32 $1.442695020e+00, v23  }
0x34: {  	v28 =	vsel vm1, v28, v19;
	v63 =	vsel vm1, v19, v18;
	(erf) = vpow2.f32 v27  }
0x35: {  	v28 =	vsub.f32 v28, v16;
	v22 =	vmul.f32 $1.442695020e+00, v22;
	(erf) = vpow2.f32 v23  }
0x36: {  	v29 =	vsel vm3, v25, v18;
	v19 =	vsel vm3, v63, v25  }
0x37: {  	v19 =	vsub.f32 v19, v16;
	v30 =	vmul.f32 $1.442695020e+00, v28;
	(erf) = vpow2.f32 v22  }
0x38: {  	v31 =	vsel vm2, v29, v24  }
0x39: {  	v32 =	vsub.f32 v31, v16;
	v19 =	vmul.f32 $1.442695020e+00, v19;
	(erf) = vpow2.f32 v30  }
0x3a: {  	v33 =	vsel vm0, v21, v18;
	v34 =	vsel vm0, v26, v21  }
0x3b: {  	v21 =	vsub.f32 v34, v16;
	v35 =	vmul.f32 $1.442695020e+00, v32;
	(erf) = vpow2.f32 v19  }
0x3c: {  	v18 =	vsel vm7, v33, v20  }
0x3d: {  	v38 =	vsub.f32 v18, v16;
	v37 =	vmul.f32 $1.442695020e+00, v21;
	v36 =	vpop (erf);
	(erf) = vpow2.f32 v35  }
0x3e: {  	v39 =	vpop (erf)  }
0x3f: {  	v16 =	vmul.f32 $1.442695020e+00, v38;
	(erf) = vpow2.f32 v37;
	v40 =	vadd.f32 v39, v36  }
0x40: {  	v41 =	vpop (erf)  }
0x41: {  	(erf) = vpow2.f32 v16;
	v42 =	vadd.f32 v41, v40  }
0x42: {  	v43 =	vpop (erf)  }
0x43: {  	v16 =	vadd.f32 v43, v42  }
0x44: {  	v44 =	vpop (erf)  }
0x45: {  	v16 =	vadd.f32 v44, v16  }
0x46: {  	v45 =	vpop (erf)  }
0x47: {  	v16 =	vadd.f32 v45, v16  }
0x48: {  	v46 =	vpop (erf)  }
0x49: {  	v16 =	vadd.f32 v46, v16  }
0x4a: {  	v47 =	vpop (erf)  }
0x4b: {  	v16 =	vadd.f32 v47, v16;
	_ =	sdelay $0x1  }
0x4c: {  	(erf) = vrcp.f32 v16;
	_ =	sdelay $0x8  }
0x4d: {  	v16 =	vpop (erf)  }
0x4e: {  	v20 =	vmul.f32 v16, v36  }
0x4f: {  	v48 =	vor.u32 $0x2, v2  }
0x50: {  	v18 =	vmul.f32 v16, v39;
	[tilespmem:v2+s11+$0x0] =	vst.idx.msk $0xffff, v20  }
0x51: {  	v9 =	vnsel vm4, s15, v9;
	v49 =	vor.u32 $0x3, v2;
	[tilespmem:v2+s12+$0x0] =	vst.idx.msk $0xffff, v11  }
0x52: {  	v9 =	vsel vm5, v9, v13;
	v50 =	vmul.f32 v16, v41;
	[tilespmem:v4+s11+$0x0] =	vst.idx.msk $0xffff, v18  }
0x53: {  	v51 =	vor.u32 $0x4, v2;
	[tilespmem:v4+s12+$0x0] =	vst.idx.msk $0xffff, v9  }
0x54: {  	v52 =	vsel vm6, v17, v12;
	v53 =	vmul.f32 v16, v43;
	[tilespmem:v48+s11+$0x0] =	vst.idx.msk $0xffff, v50  }
0x55: {  	v54 =	vnsel vm6, s15, v14;
	v55 =	vor.u32 $0x5, v2;
	[tilespmem:v48+s12+$0x0] =	vst.idx.msk $0xffff, v52  }
0x56: {  	v13 =	vsel vm1, v54, v6;
	v56 =	vmul.f32 v16, v44;
	[tilespmem:v49+s11+$0x0] =	vst.idx.msk $0xffff, v53  }
0x57: {  	v57 =	vnsel vm1, s15, v6;
	v58 =	vor.u32 $0x6, v2;
	[tilespmem:v49+s12+$0x0] =	vst.idx.msk $0xffff, v13  }
0x58: {  	v6 =	vsel vm3, v57, v7;
	v59 =	vmul.f32 v16, v45;
	[tilespmem:v51+s11+$0x0] =	vst.idx.msk $0xffff, v56  }
0x59: {  	s14 =	sadd.s32 $0x1, s14;
	v2 =	vor.u32 $0x7, v2;
	[tilespmem:v51+s12+$0x0] =	vst.idx.msk $0xffff, v6  }
0x5a: {  	v60 =	vsel vm2, v15, v5;
	p0 =	sne.s32 s14, $0x10;
	v61 =	vmul.f32 v16, v46;
	[tilespmem:v55+s11+$0x0] =	vst.idx.msk $0xffff, v59  }
.Ltmp1:
0x5b: {  	[tilespmem:v55+s12+$0x0] =	vst.idx.msk $0xffff, v60;
	(pc) =	sbr.rel @p0 .LBB2_2-.Ltmp1, $4  }
0x5c: {  	v62 =	vsel vm0, v8, v10;
	v63 =	vmul.f32 v16, v47;
	[tilespmem:v58+s11+$0x0] =	vst.idx.msk $0xffff, v61  }
0x5d: {  	[tilespmem:v58+s12+$0x0] =	vst.idx.msk $0xffff, v62  }
0x5e: {  	[tilespmem:v2+s11+$0x0] =	vst.idx.msk $0xffff, v63  }
0x5f: {  	[tilespmem:v2+s12+$0x0] =	vst.idx.msk $0xffff, v3  }
0x60: {  	v1 =	vxor.u32 $0x80000000, v1  }
0x61: {  	(xrf0) =	vmax.scan.msk.u32 $0xffff, v1;
	_ =	sdelay $0x5  }
0x62: {  	v1, _, _ =	vpop (xrf0)  }
0x63: {  	(v2sf) =	vpush v1, $0xF;
	_ =	sdelay $0xe  }
0x64: {  	s14 =	spop (v2sf)  }
0x65: {  	s14 =	sadd.s32 s4, s14  }
0x66: {  	s14 =	sshll.u32 s14, $0x4  }
0x67: {  	s15 =	sadd.s32 s5, s14  }
0x68: {  	[hbm4b:s15+s3] =	stream.linear.scatter [tilespmem:s12], [sflag:$0x1], $0x8000, $0x38;
	[tilespmem:$0x18080] =	vst v63  }
0x69: {  	s13 =	sadd.s32 $0x1, s13;
	_ =	swait.ge [sflag:s10], $0x8000  }
0x6a: {  	p0 =	sne.s32 s13, s8;
	[sflag:s10] =	ssyncset.done $0x0  }
.Ltmp2:
0x6b: {  	s14 =	sadd.s32 s6, s14;
	[sflag:s10] =	ssyncadd.s32 $0xFFFF8000;
	(pc) =	sbr.rel @p0 .LBB2_1-.Ltmp2, $4  }
0x6c: {  	[hbm4b:s14+s3] =	stream.linear.scatter [tilespmem:s11], [sflag:$0x1], $0x8000, $0x38;
	[tilespmem:$0x18080] =	vst v63  }
0x6d: {  	_ =	swait.ge [sflag:s10], $0x8000  }
0x6e: {  	[sflag:s10] =	ssyncset.done $0x0  }
0x6f: {  	[sflag:s10] =	ssyncadd.s32 $0xFFFF8000  }
0x70: {  	_ =	sfence.sel $0x180000  }
0x71: {  	[bflag:$0x0] =	sbarrier.arrive $0xFFFF  }
0x72: {  	p0 =	sne.s32 s1, $0x0;
	_ =	strace $0x90000047  }
0x73: {  	s0 =	sadd.s32 @!p0 $0x100000, s0;
	[bflag:$0x2] =	sbarrier.arrive $0xFFFF  }
0x74: {  	[sflag:s0] =	ssyncadd.tile.s32 @!p0 $0x1;
	_ =	shalt  }
.Lfunc_end2:
_tile_overlayer_lowered:
.L_overlay_start_2:
0x75: {  	(tag) =	ssettag $0x2  }
0x76: {  	s0 =	rddreg [dreg:$0x0];
	s2 =	stileid.u32  }
0x77: {  	s1 =	rddreg [dreg:$0x1];
	p0 =	sne.s32 s2, $0x0  }
0x78: {  	s3 =	rddreg [dreg:$0x2];
	[bflag:$0x3] =	sbarrier.arrive $0xFFFF;
	s2 =	simm.s32 @!p0 $0x1C01  }
0x79: {  	[timem:s3], [sflag:s2] =	dma.local @!p0 [hbm:s0], s1  }
0x7a: {  	s0 =	simm.s32 @!p0 $0x1  }
0x7b: {  	_ =	swait.ge @!p0 [sflag:s0], s1  }
0x7c: {  	s1 =	ssub.s32 @!p0 $0x0, s1;
	[sflag:s0] =	ssyncset.done @!p0 $0x0  }
0x7d: {  	[sflag:s0] =	ssyncadd.s32 @!p0 s1  }
0x7e: {  	[bflag:$0x3] =	sbarrier.arrive $0xFFFF  }
0x7f: {  	_ =	shalt  }

// kernel: kernel.17.cloned.1.call-start
scs
__scs_entry_jumppad:
0x0: {  	(pc) =	sbr.rel $0x88, $3  }
0x1: {  	(tag) =	ssettag $0x0;
	lr =	simm.s32 $0x1  }
0x2: {  	[smem:$0x3F9E] =	sst lr;
	_ =	strace $0xD0000000  }
0x3: {  	_ = 	snop  }
0x4: {  	_ = 	snop  }
0x5: {  	_ = 	snop  }
0x6: {  	_ = 	snop  }
0x7: {  	_ = 	snop  }
__scs_overlays_trampoline_lowered:
0x8: {  	[smem:$0x3FAD] =	sst s0  }
0x9: {  	[smem:$0x3FAE] =	sst s1  }
0xa: {  	[smem:$0x3FAF] =	sst s2  }
0xb: {  	[smem:$0x3FB0] =	sst s3  }
0xc: {  	[smem:$0x3FB1] =	sst s4  }
0xd: {  	[smem:$0x3FB2] =	sst s5  }
0xe: {  	[smem:$0x3FB3] =	sst s6  }
0xf: {  	[smem:$0x3FB4] =	sst s7  }
0x10: {  	[smem:$0x3FB5] =	sst s8  }
0x11: {  	[smem:$0x3FB6] =	sst s9;
	s0 =	simm.s32 @!p0 $0x0  }
0x12: {  	s1 =	sld [smem:$0x3F9C];
	s0 =	simm.s32 @p0 $0x1  }
0x13: {  	[smem:$0x3FB7] =	sst s0;
	s0 =	simm.s32 @!p1 $0x0  }
0x14: {  	s2 =	sld [smem:$0x3F9B];
	s0 =	simm.s32 @p1 $0x1  }
0x15: {  	[smem:$0x3FB8] =	sst s0;
	s0 =	simm.s32 @!p2 $0x0  }
0x16: {  	s3 =	sld [smem:$0x3FDB];
	s0 =	simm.s32 @p2 $0x1  }
0x17: {  	s4 =	simm.s32 $0x1BF5;
	[smem:$0x3FBA] =	sst s0  }
0x18: {  	s0 =	sld [smem:$0x3F9D];
	_ =	swait.ge [sflag:s4], $0x0  }
0x19: {  	s7 =	sld [smem:$0x3F9E]  }
0x1a: {  	s8 =	sadd.s32 $0xFFFFE003, lr  }
0x1b: {  	s9 =	sadd.s32 $0xFFFFFEF7, lr;
	s5 =	simm.s32 $0xFFFFFFFF;
	p2 =	slt.u32 s8, $0xFFFFF086  }
0x1c: {  	p1 =	slt.u32 s9, $0xF7A;
	s5 =	simm.s32 @!p2 $0x0  }
0x1d: {  	s5 =	simm.s32 @p1 $0x1;
	p0 =	seq.s32 s7, s2  }
0x1e: {  	s7 =	smul.u32 @!p0 $0xF7A, s2;
	p2 =	seq.s32 @!p0 s5, $0x0  }
0x1f: {  	s9 =	smul.u32 $0xF7A, s1;
	s8 =	simm.s32 @!p0 $0x1BF5;
	p2 =	por !p2, p0  }
0x20: {  	[sflag:s8] =	ssyncset.s32 @!p0 $0xFFFFF086;
	s6 =	sadd.s32 @!p0 s3, s7;
	s7 =	simm.s32 @!p0 $0x108  }
0x21: {  	s3 =	sadd.s32 s3, s9;
	s6 =	sadd.s32 @!p0 $0x88, s6;
	s7 =	simm.s32 @p2 $0x1082  }
0x22: {  	[simem:s7], [sflag:s8] =	dma.local @!p0 [hbm:s6], $0xF7A  }
0x23: {  	s9 =	sor.u32 $0xD0000000, s2;
	s6 =	simm.s32 $0x108;
	_ =	swait.ge @!p0 [sflag:s8], $0x0  }
0x24: {  	s3 =	sadd.s32 $0x88, s3;
	s6 =	simm.s32 @!p1 $0x1082;
	[sflag:s4] =	ssyncset.s32 $0xFFFFF086  }
0x25: {  	[simem:s6], [sflag:s4] =	dma.local [hbm:s3], $0xF7A  }
0x26: {  	[smem:$0x3F9E] =	sst s1;
	(tag) =	ssettag s2;
	_ =	strace s9  }
0x27: {  	s1 =	sld [smem:$0x3FAE]  }
0x28: {  	s2 =	sld [smem:$0x3FAF]  }
0x29: {  	s4 =	sld [smem:$0x3FB1]  }
0x2a: {  	p0 =	seq.s32 s5, $0x0;
	s5 =	sld [smem:$0x3FB2]  }
0x2b: {  	s6 =	sld [smem:$0x3FB3]  }
0x2c: {  	s7 =	sld [smem:$0x3FB4]  }
0x2d: {  	s3 =	simm.s32 $0x108;
	s8 =	sld [smem:$0x3FB5]  }
0x2e: {  	s3 =	simm.s32 @!p0 $0x1082;
	s9 =	sld [smem:$0x3FB6]  }
0x2f: {  	lr =	sadd.s32 s0, s3;
	s0 =	sld [smem:$0x3FAD]  }
0x30: {  	s3 =	sld [smem:$0x3FB0]  }
0x31: {  	[smem:$0x3FB9] =	sst s10  }
0x32: {  	s10 =	sld [smem:$0x3FB7];
	_ =	sdelay $0x3  }
0x33: {  	p0 =	seq.s32 s10, $0x1;
	s10 =	sld [smem:$0x3FB9];
	_ =	sdelay $0x3  }
0x34: {  	[smem:$0x3FB9] =	sst s10  }
0x35: {  	s10 =	sld [smem:$0x3FB8];
	_ =	sdelay $0x3  }
0x36: {  	p1 =	seq.s32 s10, $0x1;
	s10 =	sld [smem:$0x3FB9];
	_ =	sdelay $0x3  }
0x37: {  	[smem:$0x3FB9] =	sst s10  }
0x38: {  	s10 =	sld [smem:$0x3FBA]  }
0x39: {  	_ = 	snop;
	(pc) =	sbr.ind lr, $3  }
0x3a: {  	_ = 	snop  }
0x3b: {  	_ = 	snop  }
0x3c: {  	p2 =	seq.s32 s10, $0x1;
	s10 =	sld [smem:$0x3FB9]  }
0x3d: {  	_ =	shalt  }
0x3e: {  	_ =	shalt  }
0x3f: {  	_ =	shalt  }
0x40: {  	_ =	shalt  }
0x41: {  	_ =	shalt  }
0x42: {  	_ =	shalt  }
0x43: {  	_ =	shalt  }
0x44: {  	_ =	shalt  }
0x45: {  	_ =	shalt  }
0x46: {  	_ =	shalt  }
0x47: {  	_ =	shalt  }
0x48: {  	_ =	shalt  }
0x49: {  	_ =	shalt  }
0x4a: {  	_ =	shalt  }
0x4b: {  	_ =	shalt  }
0x4c: {  	_ =	shalt  }
0x4d: {  	_ =	shalt  }
0x4e: {  	_ =	shalt  }
0x4f: {  	_ =	shalt  }
0x50: {  	_ =	shalt  }
0x51: {  	_ =	shalt  }
0x52: {  	_ =	shalt  }
0x53: {  	_ =	shalt  }
0x54: {  	_ =	shalt  }
0x55: {  	_ =	shalt  }
0x56: {  	_ =	shalt  }
0x57: {  	_ =	shalt  }
0x58: {  	_ =	shalt  }
0x59: {  	_ =	shalt  }
0x5a: {  	_ =	shalt  }
0x5b: {  	_ =	shalt  }
0x5c: {  	_ =	shalt  }
0x5d: {  	_ =	shalt  }
0x5e: {  	_ =	shalt  }
0x5f: {  	_ =	shalt  }
0x60: {  	_ =	shalt  }
0x61: {  	_ =	shalt  }
0x62: {  	_ =	shalt  }
0x63: {  	_ =	shalt  }
0x64: {  	_ =	shalt  }
0x65: {  	_ =	shalt  }
0x66: {  	_ =	shalt  }
0x67: {  	_ =	shalt  }
0x68: {  	_ =	shalt  }
0x69: {  	_ =	shalt  }
0x6a: {  	_ =	shalt  }
0x6b: {  	_ =	shalt  }
0x6c: {  	_ =	shalt  }
0x6d: {  	_ =	shalt  }
0x6e: {  	_ =	shalt  }
0x6f: {  	_ =	shalt  }
0x70: {  	_ =	shalt  }
0x71: {  	_ =	shalt  }
0x72: {  	_ =	shalt  }
0x73: {  	_ =	shalt  }
0x74: {  	_ =	shalt  }
0x75: {  	_ =	shalt  }
0x76: {  	_ =	shalt  }
0x77: {  	_ =	shalt  }
0x78: {  	_ =	shalt  }
0x79: {  	_ =	shalt  }
0x7a: {  	_ =	shalt  }
0x7b: {  	_ =	shalt  }
0x7c: {  	_ =	shalt  }
0x7d: {  	_ =	shalt  }
0x7e: {  	_ =	shalt  }
0x7f: {  	_ =	shalt  }
0x80: {  	_ =	shalt  }
0x81: {  	_ =	shalt  }
0x82: {  	_ =	shalt  }
0x83: {  	_ =	shalt  }
0x84: {  	_ =	shalt  }
0x85: {  	_ =	shalt  }
0x86: {  	_ =	shalt  }
0x87: {  	_ =	shalt  }
.Lfunc_end0:
.L_simem_size_0:
called_computation.1_lowered:
.L_overlay_start_0:
0x88: {  	s2 =	sld [smem:$0x3FD9]  }
0x89: {  	s3 =	sld [smem:$0x3FFE];
	_ =	sdelay $0x1  }
0x8a: {  	s1 =	srdreg.scid  }
0x8b: {  	s0 =	sand.u32 $0x1, s1  }
0x8c: {  	s14 =	sshll.u32 s0, $0xA;
	s2 =	sadd.s32 s3, s2  }
0x8d: {  	s2 =	sadd.s32 s2, s14  }
0x8e: {  	[smem:$0x3FC5] =	sst s2  }
0x8f: {  	_ = 	snop  }
0x90: {  	s2 =	sld [smem:$0x3FD0];
	_ =	sdelay $0x2  }
0x91: {  	s15 =	simm.s32 $0xA;
	s4 =	simm.s32 $0x10  }
0x92: {  	[smem:s4], [sflag:s15] =	dma.local [hbm:s2], $0x1  }
0x93: {  	_ =	swait.eq [sflag:s15], $0x1  }
0x94: {  	[sflag:s15] =	ssyncset.done $0x0  }
0x95: {  	[sflag:s15] =	ssyncadd.s32 $0xFFFFFFFF  }
0x96: {  	s16 =	sld [smem:$0x11];
	(tm) =	ssettm $0x1  }
0x97: {  	s17 =	sld [smem:$0x3FFB];
	_ =	sdelay $0x3  }
0x98: {  	_ =	strace s17  }
0x99: {  	s3 =	sld [smem:$0x3FFC];
	_ =	sdelay $0x3  }
0x9a: {  	_ =	strace s3  }
0x9b: {  	s3 =	sld [smem:$0x3FFD];
	_ =	sdelay $0x3  }
0x9c: {  	_ =	strace s3  }
0x9d: {  	_ =	strace $0x8FFFFFFF  }
0x9e: {  	s18 =	sld [smem:$0x3FDB];
	_ =	sdelay $0x1  }
0x9f: {  	s19 =	simm.s32 $_scs_section_size  }
0xa0: {  	s5 =	simm.s32 $_size__tile_overlayer_lowered;
	s6 =	simm.s32 $_tile_overlayer_lowered  }
0xa1: {  	s22 =	simm.s32 $0x1BFF;
	s21 =	sshll.u32 s6, $0x1;
	s3 =	sadd.s32 s19, s18  }
0xa2: {  	s7 =	simm.s32 $0x0;
	s20 =	sshll.u32 s5, $0x1;
	s5 =	sadd.s32 s21, s3  }
0xa3: {  	[timem:s7], [sflag:s22] =	dma.local [hbm:s5], s20  }
0xa4: {  	_ =	swait.ge [sflag:s22], s20  }
0xa5: {  	s4 =	ssub.s32 $0x0, s20;
	[sflag:s22] =	ssyncset.done $0x0  }
0xa6: {  	[sflag:s22] =	ssyncadd.s32 s4;
	_ =	sdelay $0x1  }
0xa7: {  	s23 =	simm.s32 $0x1B8B  }
0xa8: {  	_ =	swait.ge [sflag:s23], $0x1  }
0xa9: {  	[sflag:s23] =	ssyncset.done $0x0  }
0xaa: {  	s25 =	simm.s32 $0x1B8E;
	s24 =	sld [smem:$0x3FFE];
	[sflag:s23] =	ssyncadd.s32 $0xFFFFFFFF  }
0xab: {  	s26 =	simm.s32 $execute0_lowered;
	[smem:$0x3FD2] =	sst s25  }
0xac: {  	s5 =	sshll.u32 s26, $0x1;
	_ =	strace $0x80000049;
	[dreg:$0x1] =	wrdreg $0xFFFFFFFF  }
0xad: {  	s28 =	simm.s32 $_size_execute0_lowered;
	s3 =	sadd.s32 s3, s5;
	[dreg:$0x0] =	wrdreg $0x0  }
0xae: {  	s5 =	sshll.u32 s28, $0x1;
	[dreg:$0x2] =	wrdreg s3  }
0xaf: {  	[dreg:$0x3] =	wrdreg s5  }
0xb0: {  	[dreg:$0x4] =	wrdreg $0xC0  }
0xb1: {  	_ =	task [dreg:s7], $0x5FFFF  }
0xb2: {  	[dreg:$0x1] =	wrdreg $0xFFFFFFFF  }
0xb3: {  	[dreg:$0x0] =	wrdreg $0x60  }
0xb4: {  	[dreg:$0x2] =	wrdreg s16  }
0xb5: {  	[dreg:$0x3] =	wrdreg s24  }
0xb6: {  	[dreg:$0x4] =	wrdreg $0x9  }
0xb7: {  	_ =	task.clear_ibuf [dreg:s7], $0x5FFFF;
	_ =	strace $0x90000049  }
0xb8: {  	s29 =	simm.s32 $0x9;
	_ =	strace $0x8000004B  }
0xb9: {  	_ =	swait.ge [sflag:s29], $0x1  }
0xba: {  	[sflag:s29] =	ssyncadd.s32 $0xFFFFFFFF  }
0xbb: {  	_ =	strace $0x9000004B  }
0xbc: {  	_ =	sfence  }
0xbd: {  	s30 =	sld [smem:$0x0];
	_ =	sdelay $0x2  }
0xbe: {  	s31 =	sshll.u32 s1, $0xD;
	s1 =	sshrl.u32 s1, $0x2  }
0xbf: {  	s3 =	sand.u32 $0x4000, s31;
	s1 =	sadd.s32 s1, s30  }
0xc0: {  	s0 =	sor.u32 s3, s0;
	s1 =	sshll.u32 s1, $0x11  }
0xc1: {  	s0 =	sor.u32 s1, s0  }
0xc2: {  	s0 =	sadd.s32 $0x8F2B, s0  }
0xc3: {  	[sflag:s0] =	ssyncadd.remote.s32 $0x1  }
0xc4: {  	_ =	sfence.sel $0xFFFF  }
0xc5: {  	[dreg:$0x0] =	wrdreg $0xFFFFFFFF;
	(pc) =	sbr.abs _section_cstart, $3  }
0xc6: {  	[dreg:$0x1] =	wrdreg $0xFFFFFFFF  }
0xc7: {  	_ =	task.clear_ibuf [dreg:s7], $0x2FFFF;
	_ =	strace $0x9FFFFFFF  }
0xc8: {  	(tm) =	ssettm $0x7FFFFFFF  }
0xc9: {  	_ =	shalt  }
tec
execute0_lowered:
.L_overlay_start_1:
0x0: {  	(tag) =	ssettag $0x1  }
0x1: {  	s2 =	rddreg [dreg:$0x0]  }
0x2: {  	s6 =	rddreg [dreg:$0x1];
	s3 =	srdreg.scid  }
0x3: {  	s0 =	rddreg [dreg:$0x2];
	s1 =	stileid.u32  }
0x4: {  	s10 =	simm.s32 $0x1;
	s11 =	simm.s32 $0x10000;
	s12 =	simm.s32 $0x8000  }
0x5: {  	s13 =	simm.s32 $0x0;
	s5 =	sand.u32 $0x1, s3;
	s3 =	simm.s32 $0x0  }
0x6: {  	s4 =	sshll.u32 s1, $0x9;
	s7 =	sshll.u32 s5, $0x8;
	[smem:$0x7FF] =	sst s3  }
0x7: {  	s8 =	ssub.s32 $0x2, s5;
	s5 =	sadd.s32 $0x4000, s6;
	s4 =	sor.u32 s7, s4  }
0x8: {  	_ =	strace $0x8000004A;
	s9 =	sshrl.u32 s8, $0x1;
	s7 =	sshll.u32 s4, $0x4  }
0x9: {  	v0 =	vlaneseq.u32;
	s8 =	ssub.s32 s8, s9;
	s9 =	simm.s32 $0x18000;
	s7 =	sadd.s32 s7, s6  }
0xa: {  	v0 =	vmul.u32 $0x80, v0;
	s6 =	sadd.s32 $0x84000, s6;
	s8 =	smax.u32 s8, $0x1;
	s7 =	sadd.s32 $0x124000, s7  }
.LBB2_1:
0xb: {  	[tilespmem:s9], [sflag:$0x1] =	stream.linear.gather [hbm4b:s2+s3], $0x80, $0x38;
	[tilespmem:$0x18080] =	vst v63  }
0xc: {  	_ =	swait.ge [sflag:s10], $0x80  }
0xd: {  	[sflag:s10] =	ssyncset.done $0x0  }
0xe: {  	[sflag:s10] =	ssyncadd.s32 $0xFFFFFF80  }
0xf: {  	v1 =	vld [tilespmem:$0x18000];
	[tilespmem:s3], [sflag:$0x1] =	stream.linear.gather [hbm4b:s7+s3], $0x8000, $0x38  }
0x10: {  	_ =	swait.ge [sflag:s10], $0x8000  }
0x11: {  	[sflag:s10] =	ssyncset.done $0x0  }
0x12: {  	s14 =	simm.s32 $0x0;
	[sflag:s10] =	ssyncadd.s32 $0xFFFF8000  }
.LBB2_2:
0x13: {  	s15 =	sshll.u32 s14, $0x4  }
0x14: {  	v2 =	vmov s15  }
0x15: {  	v2 =	vshll.u32 v2, $0x7  }
0x16: {  	v2 =	vor.u32 v0, v2;
	_ =	sdelay $0x4  }
0x17: {  	v19 =	vimm.f32 $-Inf;
	v18 =	vld.idx.msk [tilespmem:v2+s3+$0x0], $0xffff  }
0x18: {  	v9 =	vimm.s32 $0x0;
	v21 =	vimm.f32 $-Inf;
	v13 =	vimm.s32 $0x0  }
0x19: {  	v6 =	vimm.s32 $0x0;
	v20 =	vimm.f32 $-Inf;
	v12 =	vimm.s32 $0x0  }
0x1a: {  	v7 =	vimm.s32 $0x0;
	v5 =	vimm.s32 $0x0;
	v14 =	vimm.s32 $0x0  }
0x1b: {  	v25 =	vimm.f32 $-Inf;
	v24 =	vimm.f32 $-Inf;
	s15 =	simm.s32 $0x0;
	v4 =	vor.u32 $0x1, v2  }
0x1c: {  	v10 =	vimm.s32 $0x0;
	v27 =	vadd.s32 s15, v4;
	vm4 =	vgt.f32 v18, v19  }
0x1d: {  	vm1 =	vgt.f32 v18, v19;
	vm0 =	vgt.f32 v18, v19;
	v11 =	vsel vm4, s15, v9  }
0x1e: {  	v16 =	vsel vm4, v18, v19;
	v26 =	vsel vm4, v19, v18;
	v17 =	vnsel vm4, s15, v9  }
0x1f: {  	v15 =	vnsel vm0, s15, v9;
	v8 =	vnsel vm4, s15, v9;
	v3 =	vnsel vm0, s15, v9  }
0x20: {  	v28 =	vsel vm0, v19, v18;
	vm5 =	vmmov vm4;
	vm7 =	vmmov vm0  }
0x21: {  	vm6 =	vmmov vm0;
	vm3 =	vmmov vm0;
	vm2 =	vmmov vm4  }
0x22: {  	s16 =	simm.s32 $0x1;
	v23 =	vsel vm4, v26, v19;
	v22 =	vsel vm0, v26, v19;
	v3 =	vsel vm0, v3, v9  }
.LBB2_3:
0x23: {  	v29 =	vld.idx.msk [tilespmem:v27+s3+$0x0], $0xffff;
	p0 =	sne.s32 s16, $0x3F;
	v27 =	vnsel vm4, s15, v9;
	v30 =	vsel vm1, v19, v18;
	v31 =	vsel vm0, v21, v18;
	v9 =	vmovc v11;
	s17 =	smov.u32 s16;
	s16 =	sadd.s32 $0x1, s16  }
0x24: {  	v13 =	vsel vm5, v27, v13;
	v27 =	vnsel vm1, s15, v6;
	v20 =	vsel vm7, v31, v20  }
0x25: {  	v12 =	vsel vm6, v17, v12;
	v5 =	vsel vm2, v15, v5;
	v7 =	vsel vm3, v27, v7  }
0x26: {  	v15 =	vnsel vm6, s15, v14;
	v17 =	vsel vm3, v25, v18;
	v25 =	vsel vm3, v30, v25;
	v14 =	vmovc v12;
	s15 =	smov.u32 s17  }
0x27: {  	v21 =	vsel vm0, v26, v21;
	v6 =	vsel vm1, v15, v6;
	v24 =	vsel vm2, v17, v24  }
0x28: {  	v19 =	vsel vm1, v28, v19;
	v10 =	vsel vm0, v8, v10;
	v27 =	vadd.s32 s15, v4  }
0x29: {  	vm4 =	vgt.f32 v29, v16;
	vm5 =	vgt.f32 v29, v23;
	vm2 =	vgt.f32 v29, v24;
	v18 =	vmovc v29  }
0x2a: {  	vm1 =	vgt.f32 v18, v19;
	vm3 =	vgt.f32 v18, v25;
	v11 =	vsel vm4, s15, v11  }
.Ltmp0:
0x2b: {  	vm0 =	vgt.f32 v18, v21;
	v26 =	vsel vm4, v16, v18;
	v16 =	vsel vm4, v18, v16;
	(pc) =	sbr.rel @p0 .LBB2_3-.Ltmp0, $4  }
0x2c: {  	v29 =	vsel vm5, v23, v18;
	v17 =	vnsel vm5, s15, v13;
	v15 =	vnsel vm3, s15, v7  }
0x2d: {  	vm6 =	vgt.f32 v18, v22;
	v8 =	vnsel vm2, s15, v5;
	v30 =	vnsel vm0, s15, v10  }
0x2e: {  	vm7 =	vgt.f32 v18, v20;
	v23 =	vsel vm5, v26, v23;
	v28 =	vsel vm6, v22, v18  }
0x2f: {  	v22 =	vsel vm6, v29, v22;
	v26 =	vsel vm2, v24, v18;
	v3 =	vsel vm7, v30, v3  }
0x30: {  	v27 =	vsub.f32 v16, v16  }
0x31: {  	v23 =	vsub.f32 v23, v16  }
0x32: {  	v27 =	vmul.f32 $1.442695020e+00, v27  }
0x33: {  	v22 =	vsub.f32 v22, v16;
	v23 =	vmul.f32 $1.442695020e+00, v23  }
0x34: {  	v28 =	vsel vm1, v28, v19;
	v63 =	vsel vm1, v19, v18;
	(erf) = vpow2.f32 v27  }
0x35: {  	v28 =	vsub.f32 v28, v16;
	v22 =	vmul.f32 $1.442695020e+00, v22;
	(erf) = vpow2.f32 v23  }
0x36: {  	v29 =	vsel vm3, v25, v18;
	v19 =	vsel vm3, v63, v25  }
0x37: {  	v19 =	vsub.f32 v19, v16;
	v30 =	vmul.f32 $1.442695020e+00, v28;
	(erf) = vpow2.f32 v22  }
0x38: {  	v31 =	vsel vm2, v29, v24  }
0x39: {  	v32 =	vsub.f32 v31, v16;
	v19 =	vmul.f32 $1.442695020e+00, v19;
	(erf) = vpow2.f32 v30  }
0x3a: {  	v33 =	vsel vm0, v21, v18;
	v34 =	vsel vm0, v26, v21  }
0x3b: {  	v21 =	vsub.f32 v34, v16;
	v35 =	vmul.f32 $1.442695020e+00, v32;
	(erf) = vpow2.f32 v19  }
0x3c: {  	v18 =	vsel vm7, v33, v20  }
0x3d: {  	v38 =	vsub.f32 v18, v16;
	v37 =	vmul.f32 $1.442695020e+00, v21;
	v36 =	vpop (erf);
	(erf) = vpow2.f32 v35  }
0x3e: {  	v39 =	vpop (erf)  }
0x3f: {  	v16 =	vmul.f32 $1.442695020e+00, v38;
	(erf) = vpow2.f32 v37;
	v40 =	vadd.f32 v39, v36  }
0x40: {  	v41 =	vpop (erf)  }
0x41: {  	(erf) = vpow2.f32 v16;
	v42 =	vadd.f32 v41, v40  }
0x42: {  	v43 =	vpop (erf)  }
0x43: {  	v16 =	vadd.f32 v43, v42  }
0x44: {  	v44 =	vpop (erf)  }
0x45: {  	v16 =	vadd.f32 v44, v16  }
0x46: {  	v45 =	vpop (erf)  }
0x47: {  	v16 =	vadd.f32 v45, v16  }
0x48: {  	v46 =	vpop (erf)  }
0x49: {  	v16 =	vadd.f32 v46, v16  }
0x4a: {  	v47 =	vpop (erf)  }
0x4b: {  	v16 =	vadd.f32 v47, v16;
	_ =	sdelay $0x1  }
0x4c: {  	(erf) = vrcp.f32 v16;
	_ =	sdelay $0x8  }
0x4d: {  	v16 =	vpop (erf)  }
0x4e: {  	v20 =	vmul.f32 v16, v36  }
0x4f: {  	v48 =	vor.u32 $0x2, v2  }
0x50: {  	v18 =	vmul.f32 v16, v39;
	[tilespmem:v2+s11+$0x0] =	vst.idx.msk $0xffff, v20  }
0x51: {  	v9 =	vnsel vm4, s15, v9;
	v49 =	vor.u32 $0x3, v2;
	[tilespmem:v2+s12+$0x0] =	vst.idx.msk $0xffff, v11  }
0x52: {  	v9 =	vsel vm5, v9, v13;
	v50 =	vmul.f32 v16, v41;
	[tilespmem:v4+s11+$0x0] =	vst.idx.msk $0xffff, v18  }
0x53: {  	v51 =	vor.u32 $0x4, v2;
	[tilespmem:v4+s12+$0x0] =	vst.idx.msk $0xffff, v9  }
0x54: {  	v52 =	vsel vm6, v17, v12;
	v53 =	vmul.f32 v16, v43;
	[tilespmem:v48+s11+$0x0] =	vst.idx.msk $0xffff, v50  }
0x55: {  	v54 =	vnsel vm6, s15, v14;
	v55 =	vor.u32 $0x5, v2;
	[tilespmem:v48+s12+$0x0] =	vst.idx.msk $0xffff, v52  }
0x56: {  	v13 =	vsel vm1, v54, v6;
	v56 =	vmul.f32 v16, v44;
	[tilespmem:v49+s11+$0x0] =	vst.idx.msk $0xffff, v53  }
0x57: {  	v57 =	vnsel vm1, s15, v6;
	v58 =	vor.u32 $0x6, v2;
	[tilespmem:v49+s12+$0x0] =	vst.idx.msk $0xffff, v13  }
0x58: {  	v6 =	vsel vm3, v57, v7;
	v59 =	vmul.f32 v16, v45;
	[tilespmem:v51+s11+$0x0] =	vst.idx.msk $0xffff, v56  }
0x59: {  	s14 =	sadd.s32 $0x1, s14;
	v2 =	vor.u32 $0x7, v2;
	[tilespmem:v51+s12+$0x0] =	vst.idx.msk $0xffff, v6  }
0x5a: {  	v60 =	vsel vm2, v15, v5;
	p0 =	sne.s32 s14, $0x10;
	v61 =	vmul.f32 v16, v46;
	[tilespmem:v55+s11+$0x0] =	vst.idx.msk $0xffff, v59  }
.Ltmp1:
0x5b: {  	[tilespmem:v55+s12+$0x0] =	vst.idx.msk $0xffff, v60;
	(pc) =	sbr.rel @p0 .LBB2_2-.Ltmp1, $4  }
0x5c: {  	v62 =	vsel vm0, v8, v10;
	v63 =	vmul.f32 v16, v47;
	[tilespmem:v58+s11+$0x0] =	vst.idx.msk $0xffff, v61  }
0x5d: {  	[tilespmem:v58+s12+$0x0] =	vst.idx.msk $0xffff, v62  }
0x5e: {  	[tilespmem:v2+s11+$0x0] =	vst.idx.msk $0xffff, v63  }
0x5f: {  	[tilespmem:v2+s12+$0x0] =	vst.idx.msk $0xffff, v3  }
0x60: {  	v1 =	vxor.u32 $0x80000000, v1  }
0x61: {  	(xrf0) =	vmax.scan.msk.u32 $0xffff, v1;
	_ =	sdelay $0x5  }
0x62: {  	v1, _, _ =	vpop (xrf0)  }
0x63: {  	(v2sf) =	vpush v1, $0xF;
	_ =	sdelay $0xe  }
0x64: {  	s14 =	spop (v2sf)  }
0x65: {  	s14 =	sadd.s32 s4, s14  }
0x66: {  	s14 =	sshll.u32 s14, $0x4  }
0x67: {  	s15 =	sadd.s32 s5, s14  }
0x68: {  	[hbm4b:s15+s3] =	stream.linear.scatter [tilespmem:s12], [sflag:$0x1], $0x8000, $0x38;
	[tilespmem:$0x18080] =	vst v63  }
0x69: {  	s13 =	sadd.s32 $0x1, s13;
	_ =	swait.ge [sflag:s10], $0x8000  }
0x6a: {  	p0 =	sne.s32 s13, s8;
	[sflag:s10] =	ssyncset.done $0x0  }
.Ltmp2:
0x6b: {  	s14 =	sadd.s32 s6, s14;
	[sflag:s10] =	ssyncadd.s32 $0xFFFF8000;
	(pc) =	sbr.rel @p0 .LBB2_1-.Ltmp2, $4  }
0x6c: {  	[hbm4b:s14+s3] =	stream.linear.scatter [tilespmem:s11], [sflag:$0x1], $0x8000, $0x38;
	[tilespmem:$0x18080] =	vst v63  }
0x6d: {  	_ =	swait.ge [sflag:s10], $0x8000  }
0x6e: {  	[sflag:s10] =	ssyncset.done $0x0  }
0x6f: {  	[sflag:s10] =	ssyncadd.s32 $0xFFFF8000  }
0x70: {  	_ =	sfence.sel $0x180000  }
0x71: {  	[bflag:$0x0] =	sbarrier.arrive $0xFFFF  }
0x72: {  	p0 =	sne.s32 s1, $0x0;
	_ =	strace $0x9000004A  }
0x73: {  	s0 =	sadd.s32 @!p0 $0x100000, s0;
	[bflag:$0x2] =	sbarrier.arrive $0xFFFF  }
0x74: {  	[sflag:s0] =	ssyncadd.tile.s32 @!p0 $0x1;
	_ =	shalt  }
.Lfunc_end2:
_tile_overlayer_lowered:
.L_overlay_start_2:
0x75: {  	(tag) =	ssettag $0x2  }
0x76: {  	s0 =	rddreg [dreg:$0x0];
	s2 =	stileid.u32  }
0x77: {  	s1 =	rddreg [dreg:$0x1];
	p0 =	sne.s32 s2, $0x0  }
0x78: {  	s3 =	rddreg [dreg:$0x2];
	[bflag:$0x3] =	sbarrier.arrive $0xFFFF;
	s2 =	simm.s32 @!p0 $0x1C01  }
0x79: {  	[timem:s3], [sflag:s2] =	dma.local @!p0 [hbm:s0], s1  }
0x7a: {  	s0 =	simm.s32 @!p0 $0x1  }
0x7b: {  	_ =	swait.ge @!p0 [sflag:s0], s1  }
0x7c: {  	s1 =	ssub.s32 @!p0 $0x0, s1;
	[sflag:s0] =	ssyncset.done @!p0 $0x0  }
0x7d: {  	[sflag:s0] =	ssyncadd.s32 @!p0 s1  }
0x7e: {  	[bflag:$0x3] =	sbarrier.arrive $0xFFFF  }
0x7f: {  	_ =	shalt  }

// kernel: kernel.20.cloned.1.call-start
scs
__scs_entry_jumppad:
0x0: {  	(pc) =	sbr.rel $0x88, $3  }
0x1: {  	(tag) =	ssettag $0x0;
	lr =	simm.s32 $0x1  }
0x2: {  	[smem:$0x3F9E] =	sst lr;
	_ =	strace $0xD0000000  }
0x3: {  	_ = 	snop  }
0x4: {  	_ = 	snop  }
0x5: {  	_ = 	snop  }
0x6: {  	_ = 	snop  }
0x7: {  	_ = 	snop  }
__scs_overlays_trampoline_lowered:
0x8: {  	[smem:$0x3FAD] =	sst s0  }
0x9: {  	[smem:$0x3FAE] =	sst s1  }
0xa: {  	[smem:$0x3FAF] =	sst s2  }
0xb: {  	[smem:$0x3FB0] =	sst s3  }
0xc: {  	[smem:$0x3FB1] =	sst s4  }
0xd: {  	[smem:$0x3FB2] =	sst s5  }
0xe: {  	[smem:$0x3FB3] =	sst s6  }
0xf: {  	[smem:$0x3FB4] =	sst s7  }
0x10: {  	[smem:$0x3FB5] =	sst s8  }
0x11: {  	[smem:$0x3FB6] =	sst s9;
	s0 =	simm.s32 @!p0 $0x0  }
0x12: {  	s1 =	sld [smem:$0x3F9C];
	s0 =	simm.s32 @p0 $0x1  }
0x13: {  	[smem:$0x3FB7] =	sst s0;
	s0 =	simm.s32 @!p1 $0x0  }
0x14: {  	s2 =	sld [smem:$0x3F9B];
	s0 =	simm.s32 @p1 $0x1  }
0x15: {  	[smem:$0x3FB8] =	sst s0;
	s0 =	simm.s32 @!p2 $0x0  }
0x16: {  	s3 =	sld [smem:$0x3FDB];
	s0 =	simm.s32 @p2 $0x1  }
0x17: {  	s4 =	simm.s32 $0x1BF5;
	[smem:$0x3FBA] =	sst s0  }
0x18: {  	s0 =	sld [smem:$0x3F9D];
	_ =	swait.ge [sflag:s4], $0x0  }
0x19: {  	s7 =	sld [smem:$0x3F9E]  }
0x1a: {  	s8 =	sadd.s32 $0xFFFFE003, lr  }
0x1b: {  	s9 =	sadd.s32 $0xFFFFFEF7, lr;
	s5 =	simm.s32 $0xFFFFFFFF;
	p2 =	slt.u32 s8, $0xFFFFF086  }
0x1c: {  	p1 =	slt.u32 s9, $0xF7A;
	s5 =	simm.s32 @!p2 $0x0  }
0x1d: {  	s5 =	simm.s32 @p1 $0x1;
	p0 =	seq.s32 s7, s2  }
0x1e: {  	s7 =	smul.u32 @!p0 $0xF7A, s2;
	p2 =	seq.s32 @!p0 s5, $0x0  }
0x1f: {  	s9 =	smul.u32 $0xF7A, s1;
	s8 =	simm.s32 @!p0 $0x1BF5;
	p2 =	por !p2, p0  }
0x20: {  	[sflag:s8] =	ssyncset.s32 @!p0 $0xFFFFF086;
	s6 =	sadd.s32 @!p0 s3, s7;
	s7 =	simm.s32 @!p0 $0x108  }
0x21: {  	s3 =	sadd.s32 s3, s9;
	s6 =	sadd.s32 @!p0 $0x88, s6;
	s7 =	simm.s32 @p2 $0x1082  }
0x22: {  	[simem:s7], [sflag:s8] =	dma.local @!p0 [hbm:s6], $0xF7A  }
0x23: {  	s9 =	sor.u32 $0xD0000000, s2;
	s6 =	simm.s32 $0x108;
	_ =	swait.ge @!p0 [sflag:s8], $0x0  }
0x24: {  	s3 =	sadd.s32 $0x88, s3;
	s6 =	simm.s32 @!p1 $0x1082;
	[sflag:s4] =	ssyncset.s32 $0xFFFFF086  }
0x25: {  	[simem:s6], [sflag:s4] =	dma.local [hbm:s3], $0xF7A  }
0x26: {  	[smem:$0x3F9E] =	sst s1;
	(tag) =	ssettag s2;
	_ =	strace s9  }
0x27: {  	s1 =	sld [smem:$0x3FAE]  }
0x28: {  	s2 =	sld [smem:$0x3FAF]  }
0x29: {  	s4 =	sld [smem:$0x3FB1]  }
0x2a: {  	p0 =	seq.s32 s5, $0x0;
	s5 =	sld [smem:$0x3FB2]  }
0x2b: {  	s6 =	sld [smem:$0x3FB3]  }
0x2c: {  	s7 =	sld [smem:$0x3FB4]  }
0x2d: {  	s3 =	simm.s32 $0x108;
	s8 =	sld [smem:$0x3FB5]  }
0x2e: {  	s3 =	simm.s32 @!p0 $0x1082;
	s9 =	sld [smem:$0x3FB6]  }
0x2f: {  	lr =	sadd.s32 s0, s3;
	s0 =	sld [smem:$0x3FAD]  }
0x30: {  	s3 =	sld [smem:$0x3FB0]  }
0x31: {  	[smem:$0x3FB9] =	sst s10  }
0x32: {  	s10 =	sld [smem:$0x3FB7];
	_ =	sdelay $0x3  }
0x33: {  	p0 =	seq.s32 s10, $0x1;
	s10 =	sld [smem:$0x3FB9];
	_ =	sdelay $0x3  }
0x34: {  	[smem:$0x3FB9] =	sst s10  }
0x35: {  	s10 =	sld [smem:$0x3FB8];
	_ =	sdelay $0x3  }
0x36: {  	p1 =	seq.s32 s10, $0x1;
	s10 =	sld [smem:$0x3FB9];
	_ =	sdelay $0x3  }
0x37: {  	[smem:$0x3FB9] =	sst s10  }
0x38: {  	s10 =	sld [smem:$0x3FBA]  }
0x39: {  	_ = 	snop;
	(pc) =	sbr.ind lr, $3  }
0x3a: {  	_ = 	snop  }
0x3b: {  	_ = 	snop  }
0x3c: {  	p2 =	seq.s32 s10, $0x1;
	s10 =	sld [smem:$0x3FB9]  }
0x3d: {  	_ =	shalt  }
0x3e: {  	_ =	shalt  }
0x3f: {  	_ =	shalt  }
0x40: {  	_ =	shalt  }
0x41: {  	_ =	shalt  }
0x42: {  	_ =	shalt  }
0x43: {  	_ =	shalt  }
0x44: {  	_ =	shalt  }
0x45: {  	_ =	shalt  }
0x46: {  	_ =	shalt  }
0x47: {  	_ =	shalt  }
0x48: {  	_ =	shalt  }
0x49: {  	_ =	shalt  }
0x4a: {  	_ =	shalt  }
0x4b: {  	_ =	shalt  }
0x4c: {  	_ =	shalt  }
0x4d: {  	_ =	shalt  }
0x4e: {  	_ =	shalt  }
0x4f: {  	_ =	shalt  }
0x50: {  	_ =	shalt  }
0x51: {  	_ =	shalt  }
0x52: {  	_ =	shalt  }
0x53: {  	_ =	shalt  }
0x54: {  	_ =	shalt  }
0x55: {  	_ =	shalt  }
0x56: {  	_ =	shalt  }
0x57: {  	_ =	shalt  }
0x58: {  	_ =	shalt  }
0x59: {  	_ =	shalt  }
0x5a: {  	_ =	shalt  }
0x5b: {  	_ =	shalt  }
0x5c: {  	_ =	shalt  }
0x5d: {  	_ =	shalt  }
0x5e: {  	_ =	shalt  }
0x5f: {  	_ =	shalt  }
0x60: {  	_ =	shalt  }
0x61: {  	_ =	shalt  }
0x62: {  	_ =	shalt  }
0x63: {  	_ =	shalt  }
0x64: {  	_ =	shalt  }
0x65: {  	_ =	shalt  }
0x66: {  	_ =	shalt  }
0x67: {  	_ =	shalt  }
0x68: {  	_ =	shalt  }
0x69: {  	_ =	shalt  }
0x6a: {  	_ =	shalt  }
0x6b: {  	_ =	shalt  }
0x6c: {  	_ =	shalt  }
0x6d: {  	_ =	shalt  }
0x6e: {  	_ =	shalt  }
0x6f: {  	_ =	shalt  }
0x70: {  	_ =	shalt  }
0x71: {  	_ =	shalt  }
0x72: {  	_ =	shalt  }
0x73: {  	_ =	shalt  }
0x74: {  	_ =	shalt  }
0x75: {  	_ =	shalt  }
0x76: {  	_ =	shalt  }
0x77: {  	_ =	shalt  }
0x78: {  	_ =	shalt  }
0x79: {  	_ =	shalt  }
0x7a: {  	_ =	shalt  }
0x7b: {  	_ =	shalt  }
0x7c: {  	_ =	shalt  }
0x7d: {  	_ =	shalt  }
0x7e: {  	_ =	shalt  }
0x7f: {  	_ =	shalt  }
0x80: {  	_ =	shalt  }
0x81: {  	_ =	shalt  }
0x82: {  	_ =	shalt  }
0x83: {  	_ =	shalt  }
0x84: {  	_ =	shalt  }
0x85: {  	_ =	shalt  }
0x86: {  	_ =	shalt  }
0x87: {  	_ =	shalt  }
.Lfunc_end0:
.L_simem_size_0:
called_computation.2_lowered:
.L_overlay_start_0:
0x88: {  	s2 =	sld [smem:$0x3FD9]  }
0x89: {  	s3 =	sld [smem:$0x3FFE];
	_ =	sdelay $0x1  }
0x8a: {  	s1 =	srdreg.scid  }
0x8b: {  	s0 =	sand.u32 $0x1, s1  }
0x8c: {  	s14 =	sshll.u32 s0, $0xA;
	s2 =	sadd.s32 s3, s2  }
0x8d: {  	s2 =	sadd.s32 s2, s14  }
0x8e: {  	[smem:$0x3FC5] =	sst s2  }
0x8f: {  	_ = 	snop  }
0x90: {  	s2 =	sld [smem:$0x3FD0];
	_ =	sdelay $0x2  }
0x91: {  	s15 =	simm.s32 $0xA;
	s4 =	simm.s32 $0x10  }
0x92: {  	[smem:s4], [sflag:s15] =	dma.local [hbm:s2], $0x1  }
0x93: {  	_ =	swait.eq [sflag:s15], $0x1  }
0x94: {  	[sflag:s15] =	ssyncset.done $0x0  }
0x95: {  	[sflag:s15] =	ssyncadd.s32 $0xFFFFFFFF  }
0x96: {  	s16 =	sld [smem:$0x11];
	(tm) =	ssettm $0x1  }
0x97: {  	s17 =	sld [smem:$0x3FFB];
	_ =	sdelay $0x3  }
0x98: {  	_ =	strace s17  }
0x99: {  	s3 =	sld [smem:$0x3FFC];
	_ =	sdelay $0x3  }
0x9a: {  	_ =	strace s3  }
0x9b: {  	s3 =	sld [smem:$0x3FFD];
	_ =	sdelay $0x3  }
0x9c: {  	_ =	strace s3  }
0x9d: {  	_ =	strace $0x8FFFFFFF  }
0x9e: {  	s18 =	sld [smem:$0x3FDB];
	_ =	sdelay $0x1  }
0x9f: {  	s19 =	simm.s32 $_scs_section_size  }
0xa0: {  	s5 =	simm.s32 $_size__tile_overlayer_lowered;
	s6 =	simm.s32 $_tile_overlayer_lowered  }
0xa1: {  	s22 =	simm.s32 $0x1BFF;
	s21 =	sshll.u32 s6, $0x1;
	s3 =	sadd.s32 s19, s18  }
0xa2: {  	s7 =	simm.s32 $0x0;
	s20 =	sshll.u32 s5, $0x1;
	s5 =	sadd.s32 s21, s3  }
0xa3: {  	[timem:s7], [sflag:s22] =	dma.local [hbm:s5], s20  }
0xa4: {  	_ =	swait.ge [sflag:s22], s20  }
0xa5: {  	s4 =	ssub.s32 $0x0, s20;
	[sflag:s22] =	ssyncset.done $0x0  }
0xa6: {  	[sflag:s22] =	ssyncadd.s32 s4;
	_ =	sdelay $0x1  }
0xa7: {  	s23 =	simm.s32 $0x1B8B  }
0xa8: {  	_ =	swait.ge [sflag:s23], $0x1  }
0xa9: {  	[sflag:s23] =	ssyncset.done $0x0  }
0xaa: {  	s25 =	simm.s32 $0x1B8E;
	s24 =	sld [smem:$0x3FFE];
	[sflag:s23] =	ssyncadd.s32 $0xFFFFFFFF  }
0xab: {  	s26 =	simm.s32 $execute0_lowered;
	[smem:$0x3FD2] =	sst s25  }
0xac: {  	s5 =	sshll.u32 s26, $0x1;
	_ =	strace $0x8000004C;
	[dreg:$0x1] =	wrdreg $0xFFFFFFFF  }
0xad: {  	s28 =	simm.s32 $_size_execute0_lowered;
	s3 =	sadd.s32 s3, s5;
	[dreg:$0x0] =	wrdreg $0x0  }
0xae: {  	s5 =	sshll.u32 s28, $0x1;
	[dreg:$0x2] =	wrdreg s3  }
0xaf: {  	[dreg:$0x3] =	wrdreg s5  }
0xb0: {  	[dreg:$0x4] =	wrdreg $0xC0  }
0xb1: {  	_ =	task [dreg:s7], $0x5FFFF  }
0xb2: {  	[dreg:$0x1] =	wrdreg $0xFFFFFFFF  }
0xb3: {  	[dreg:$0x0] =	wrdreg $0x60  }
0xb4: {  	[dreg:$0x2] =	wrdreg s16  }
0xb5: {  	[dreg:$0x3] =	wrdreg s24  }
0xb6: {  	[dreg:$0x4] =	wrdreg $0x9  }
0xb7: {  	_ =	task.clear_ibuf [dreg:s7], $0x5FFFF;
	_ =	strace $0x9000004C  }
0xb8: {  	s29 =	simm.s32 $0x9;
	_ =	strace $0x8000004E  }
0xb9: {  	_ =	swait.ge [sflag:s29], $0x1  }
0xba: {  	[sflag:s29] =	ssyncadd.s32 $0xFFFFFFFF  }
0xbb: {  	_ =	strace $0x9000004E  }
0xbc: {  	_ =	sfence  }
0xbd: {  	s30 =	sld [smem:$0x0];
	_ =	sdelay $0x2  }
0xbe: {  	s31 =	sshll.u32 s1, $0xD;
	s1 =	sshrl.u32 s1, $0x2  }
0xbf: {  	s3 =	sand.u32 $0x4000, s31;
	s1 =	sadd.s32 s1, s30  }
0xc0: {  	s0 =	sor.u32 s3, s0;
	s1 =	sshll.u32 s1, $0x11  }
0xc1: {  	s0 =	sor.u32 s1, s0  }
0xc2: {  	s0 =	sadd.s32 $0x8F2B, s0  }
0xc3: {  	[sflag:s0] =	ssyncadd.remote.s32 $0x1  }
0xc4: {  	_ =	sfence.sel $0xFFFF  }
0xc5: {  	[dreg:$0x0] =	wrdreg $0xFFFFFFFF;
	(pc) =	sbr.abs _section_cstart, $3  }
0xc6: {  	[dreg:$0x1] =	wrdreg $0xFFFFFFFF  }
0xc7: {  	_ =	task.clear_ibuf [dreg:s7], $0x2FFFF;
	_ =	strace $0x9FFFFFFF  }
0xc8: {  	(tm) =	ssettm $0x7FFFFFFF  }
0xc9: {  	_ =	shalt  }
tec
execute0_lowered:
.L_overlay_start_1:
0x0: {  	(tag) =	ssettag $0x1  }
0x1: {  	s2 =	rddreg [dreg:$0x0]  }
0x2: {  	s6 =	rddreg [dreg:$0x1];
	s3 =	srdreg.scid  }
0x3: {  	s0 =	rddreg [dreg:$0x2];
	s1 =	stileid.u32  }
0x4: {  	s10 =	simm.s32 $0x1;
	s11 =	simm.s32 $0x10000;
	s12 =	simm.s32 $0x8000  }
0x5: {  	s13 =	simm.s32 $0x0;
	s5 =	sand.u32 $0x1, s3;
	s3 =	simm.s32 $0x0  }
0x6: {  	s4 =	sshll.u32 s1, $0x9;
	s7 =	sshll.u32 s5, $0x8;
	[smem:$0x7FF] =	sst s3  }
0x7: {  	s8 =	ssub.s32 $0x2, s5;
	s5 =	sadd.s32 $0x4000, s6;
	s4 =	sor.u32 s7, s4  }
0x8: {  	_ =	strace $0x8000004D;
	s9 =	sshrl.u32 s8, $0x1;
	s7 =	sshll.u32 s4, $0x4  }
0x9: {  	v0 =	vlaneseq.u32;
	s8 =	ssub.s32 s8, s9;
	s9 =	simm.s32 $0x18000;
	s7 =	sadd.s32 s7, s6  }
0xa: {  	v0 =	vmul.u32 $0x80, v0;
	s6 =	sadd.s32 $0x84000, s6;
	s8 =	smax.u32 s8, $0x1;
	s7 =	sadd.s32 $0x104000, s7  }
.LBB2_1:
0xb: {  	[tilespmem:s9], [sflag:$0x1] =	stream.linear.gather [hbm4b:s2+s3], $0x80, $0x38;
	[tilespmem:$0x18080] =	vst v63  }
0xc: {  	_ =	swait.ge [sflag:s10], $0x80  }
0xd: {  	[sflag:s10] =	ssyncset.done $0x0  }
0xe: {  	[sflag:s10] =	ssyncadd.s32 $0xFFFFFF80  }
0xf: {  	v1 =	vld [tilespmem:$0x18000];
	[tilespmem:s3], [sflag:$0x1] =	stream.linear.gather [hbm4b:s7+s3], $0x8000, $0x38  }
0x10: {  	_ =	swait.ge [sflag:s10], $0x8000  }
0x11: {  	[sflag:s10] =	ssyncset.done $0x0  }
0x12: {  	s14 =	simm.s32 $0x0;
	[sflag:s10] =	ssyncadd.s32 $0xFFFF8000  }
.LBB2_2:
0x13: {  	s15 =	sshll.u32 s14, $0x4  }
0x14: {  	v2 =	vmov s15  }
0x15: {  	v2 =	vshll.u32 v2, $0x7  }
0x16: {  	v2 =	vor.u32 v0, v2;
	_ =	sdelay $0x4  }
0x17: {  	v19 =	vimm.f32 $-Inf;
	v18 =	vld.idx.msk [tilespmem:v2+s3+$0x0], $0xffff  }
0x18: {  	v9 =	vimm.s32 $0x0;
	v21 =	vimm.f32 $-Inf;
	v13 =	vimm.s32 $0x0  }
0x19: {  	v6 =	vimm.s32 $0x0;
	v20 =	vimm.f32 $-Inf;
	v12 =	vimm.s32 $0x0  }
0x1a: {  	v7 =	vimm.s32 $0x0;
	v5 =	vimm.s32 $0x0;
	v14 =	vimm.s32 $0x0  }
0x1b: {  	v25 =	vimm.f32 $-Inf;
	v24 =	vimm.f32 $-Inf;
	s15 =	simm.s32 $0x0;
	v4 =	vor.u32 $0x1, v2  }
0x1c: {  	v10 =	vimm.s32 $0x0;
	v27 =	vadd.s32 s15, v4;
	vm4 =	vgt.f32 v18, v19  }
0x1d: {  	vm1 =	vgt.f32 v18, v19;
	vm0 =	vgt.f32 v18, v19;
	v11 =	vsel vm4, s15, v9  }
0x1e: {  	v16 =	vsel vm4, v18, v19;
	v26 =	vsel vm4, v19, v18;
	v17 =	vnsel vm4, s15, v9  }
0x1f: {  	v15 =	vnsel vm0, s15, v9;
	v8 =	vnsel vm4, s15, v9;
	v3 =	vnsel vm0, s15, v9  }
0x20: {  	v28 =	vsel vm0, v19, v18;
	vm5 =	vmmov vm4;
	vm7 =	vmmov vm0  }
0x21: {  	vm6 =	vmmov vm0;
	vm3 =	vmmov vm0;
	vm2 =	vmmov vm4  }
0x22: {  	s16 =	simm.s32 $0x1;
	v23 =	vsel vm4, v26, v19;
	v22 =	vsel vm0, v26, v19;
	v3 =	vsel vm0, v3, v9  }
.LBB2_3:
0x23: {  	v29 =	vld.idx.msk [tilespmem:v27+s3+$0x0], $0xffff;
	p0 =	sne.s32 s16, $0x3F;
	v27 =	vnsel vm4, s15, v9;
	v30 =	vsel vm1, v19, v18;
	v31 =	vsel vm0, v21, v18;
	v9 =	vmovc v11;
	s17 =	smov.u32 s16;
	s16 =	sadd.s32 $0x1, s16  }
0x24: {  	v13 =	vsel vm5, v27, v13;
	v27 =	vnsel vm1, s15, v6;
	v20 =	vsel vm7, v31, v20  }
0x25: {  	v12 =	vsel vm6, v17, v12;
	v5 =	vsel vm2, v15, v5;
	v7 =	vsel vm3, v27, v7  }
0x26: {  	v15 =	vnsel vm6, s15, v14;
	v17 =	vsel vm3, v25, v18;
	v25 =	vsel vm3, v30, v25;
	v14 =	vmovc v12;
	s15 =	smov.u32 s17  }
0x27: {  	v21 =	vsel vm0, v26, v21;
	v6 =	vsel vm1, v15, v6;
	v24 =	vsel vm2, v17, v24  }
0x28: {  	v19 =	vsel vm1, v28, v19;
	v10 =	vsel vm0, v8, v10;
	v27 =	vadd.s32 s15, v4  }
0x29: {  	vm4 =	vgt.f32 v29, v16;
	vm5 =	vgt.f32 v29, v23;
	vm2 =	vgt.f32 v29, v24;
	v18 =	vmovc v29  }
0x2a: {  	vm1 =	vgt.f32 v18, v19;
	vm3 =	vgt.f32 v18, v25;
	v11 =	vsel vm4, s15, v11  }
.Ltmp0:
0x2b: {  	vm0 =	vgt.f32 v18, v21;
	v26 =	vsel vm4, v16, v18;
	v16 =	vsel vm4, v18, v16;
	(pc) =	sbr.rel @p0 .LBB2_3-.Ltmp0, $4  }
0x2c: {  	v29 =	vsel vm5, v23, v18;
	v17 =	vnsel vm5, s15, v13;
	v15 =	vnsel vm3, s15, v7  }
0x2d: {  	vm6 =	vgt.f32 v18, v22;
	v8 =	vnsel vm2, s15, v5;
	v30 =	vnsel vm0, s15, v10  }
0x2e: {  	vm7 =	vgt.f32 v18, v20;
	v23 =	vsel vm5, v26, v23;
	v28 =	vsel vm6, v22, v18  }
0x2f: {  	v22 =	vsel vm6, v29, v22;
	v26 =	vsel vm2, v24, v18;
	v3 =	vsel vm7, v30, v3  }
0x30: {  	v27 =	vsub.f32 v16, v16  }
0x31: {  	v23 =	vsub.f32 v23, v16  }
0x32: {  	v27 =	vmul.f32 $1.442695020e+00, v27  }
0x33: {  	v22 =	vsub.f32 v22, v16;
	v23 =	vmul.f32 $1.442695020e+00, v23  }
0x34: {  	v28 =	vsel vm1, v28, v19;
	v63 =	vsel vm1, v19, v18;
	(erf) = vpow2.f32 v27  }
0x35: {  	v28 =	vsub.f32 v28, v16;
	v22 =	vmul.f32 $1.442695020e+00, v22;
	(erf) = vpow2.f32 v23  }
0x36: {  	v29 =	vsel vm3, v25, v18;
	v19 =	vsel vm3, v63, v25  }
0x37: {  	v19 =	vsub.f32 v19, v16;
	v30 =	vmul.f32 $1.442695020e+00, v28;
	(erf) = vpow2.f32 v22  }
0x38: {  	v31 =	vsel vm2, v29, v24  }
0x39: {  	v32 =	vsub.f32 v31, v16;
	v19 =	vmul.f32 $1.442695020e+00, v19;
	(erf) = vpow2.f32 v30  }
0x3a: {  	v33 =	vsel vm0, v21, v18;
	v34 =	vsel vm0, v26, v21  }
0x3b: {  	v21 =	vsub.f32 v34, v16;
	v35 =	vmul.f32 $1.442695020e+00, v32;
	(erf) = vpow2.f32 v19  }
0x3c: {  	v18 =	vsel vm7, v33, v20  }
0x3d: {  	v38 =	vsub.f32 v18, v16;
	v37 =	vmul.f32 $1.442695020e+00, v21;
	v36 =	vpop (erf);
	(erf) = vpow2.f32 v35  }
0x3e: {  	v39 =	vpop (erf)  }
0x3f: {  	v16 =	vmul.f32 $1.442695020e+00, v38;
	(erf) = vpow2.f32 v37;
	v40 =	vadd.f32 v39, v36  }
0x40: {  	v41 =	vpop (erf)  }
0x41: {  	(erf) = vpow2.f32 v16;
	v42 =	vadd.f32 v41, v40  }
0x42: {  	v43 =	vpop (erf)  }
0x43: {  	v16 =	vadd.f32 v43, v42  }
0x44: {  	v44 =	vpop (erf)  }
0x45: {  	v16 =	vadd.f32 v44, v16  }
0x46: {  	v45 =	vpop (erf)  }
0x47: {  	v16 =	vadd.f32 v45, v16  }
0x48: {  	v46 =	vpop (erf)  }
0x49: {  	v16 =	vadd.f32 v46, v16  }
0x4a: {  	v47 =	vpop (erf)  }
0x4b: {  	v16 =	vadd.f32 v47, v16;
	_ =	sdelay $0x1  }
0x4c: {  	(erf) = vrcp.f32 v16;
	_ =	sdelay $0x8  }
0x4d: {  	v16 =	vpop (erf)  }
0x4e: {  	v20 =	vmul.f32 v16, v36  }
0x4f: {  	v48 =	vor.u32 $0x2, v2  }
0x50: {  	v18 =	vmul.f32 v16, v39;
	[tilespmem:v2+s11+$0x0] =	vst.idx.msk $0xffff, v20  }
0x51: {  	v9 =	vnsel vm4, s15, v9;
	v49 =	vor.u32 $0x3, v2;
	[tilespmem:v2+s12+$0x0] =	vst.idx.msk $0xffff, v11  }
0x52: {  	v9 =	vsel vm5, v9, v13;
	v50 =	vmul.f32 v16, v41;
	[tilespmem:v4+s11+$0x0] =	vst.idx.msk $0xffff, v18  }
0x53: {  	v51 =	vor.u32 $0x4, v2;
	[tilespmem:v4+s12+$0x0] =	vst.idx.msk $0xffff, v9  }
0x54: {  	v52 =	vsel vm6, v17, v12;
	v53 =	vmul.f32 v16, v43;
	[tilespmem:v48+s11+$0x0] =	vst.idx.msk $0xffff, v50  }
0x55: {  	v54 =	vnsel vm6, s15, v14;
	v55 =	vor.u32 $0x5, v2;
	[tilespmem:v48+s12+$0x0] =	vst.idx.msk $0xffff, v52  }
0x56: {  	v13 =	vsel vm1, v54, v6;
	v56 =	vmul.f32 v16, v44;
	[tilespmem:v49+s11+$0x0] =	vst.idx.msk $0xffff, v53  }
0x57: {  	v57 =	vnsel vm1, s15, v6;
	v58 =	vor.u32 $0x6, v2;
	[tilespmem:v49+s12+$0x0] =	vst.idx.msk $0xffff, v13  }
0x58: {  	v6 =	vsel vm3, v57, v7;
	v59 =	vmul.f32 v16, v45;
	[tilespmem:v51+s11+$0x0] =	vst.idx.msk $0xffff, v56  }
0x59: {  	s14 =	sadd.s32 $0x1, s14;
	v2 =	vor.u32 $0x7, v2;
	[tilespmem:v51+s12+$0x0] =	vst.idx.msk $0xffff, v6  }
0x5a: {  	v60 =	vsel vm2, v15, v5;
	p0 =	sne.s32 s14, $0x10;
	v61 =	vmul.f32 v16, v46;
	[tilespmem:v55+s11+$0x0] =	vst.idx.msk $0xffff, v59  }
.Ltmp1:
0x5b: {  	[tilespmem:v55+s12+$0x0] =	vst.idx.msk $0xffff, v60;
	(pc) =	sbr.rel @p0 .LBB2_2-.Ltmp1, $4  }
0x5c: {  	v62 =	vsel vm0, v8, v10;
	v63 =	vmul.f32 v16, v47;
	[tilespmem:v58+s11+$0x0] =	vst.idx.msk $0xffff, v61  }
0x5d: {  	[tilespmem:v58+s12+$0x0] =	vst.idx.msk $0xffff, v62  }
0x5e: {  	[tilespmem:v2+s11+$0x0] =	vst.idx.msk $0xffff, v63  }
0x5f: {  	[tilespmem:v2+s12+$0x0] =	vst.idx.msk $0xffff, v3  }
0x60: {  	v1 =	vxor.u32 $0x80000000, v1  }
0x61: {  	(xrf0) =	vmax.scan.msk.u32 $0xffff, v1;
	_ =	sdelay $0x5  }
0x62: {  	v1, _, _ =	vpop (xrf0)  }
0x63: {  	(v2sf) =	vpush v1, $0xF;
	_ =	sdelay $0xe  }
0x64: {  	s14 =	spop (v2sf)  }
0x65: {  	s14 =	sadd.s32 s4, s14  }
0x66: {  	s14 =	sshll.u32 s14, $0x4  }
0x67: {  	s15 =	sadd.s32 s5, s14  }
0x68: {  	[hbm4b:s15+s3] =	stream.linear.scatter [tilespmem:s12], [sflag:$0x1], $0x8000, $0x38;
	[tilespmem:$0x18080] =	vst v63  }
0x69: {  	s13 =	sadd.s32 $0x1, s13;
	_ =	swait.ge [sflag:s10], $0x8000  }
0x6a: {  	p0 =	sne.s32 s13, s8;
	[sflag:s10] =	ssyncset.done $0x0  }
.Ltmp2:
0x6b: {  	s14 =	sadd.s32 s6, s14;
	[sflag:s10] =	ssyncadd.s32 $0xFFFF8000;
	(pc) =	sbr.rel @p0 .LBB2_1-.Ltmp2, $4  }
0x6c: {  	[hbm4b:s14+s3] =	stream.linear.scatter [tilespmem:s11], [sflag:$0x1], $0x8000, $0x38;
	[tilespmem:$0x18080] =	vst v63  }
0x6d: {  	_ =	swait.ge [sflag:s10], $0x8000  }
0x6e: {  	[sflag:s10] =	ssyncset.done $0x0  }
0x6f: {  	[sflag:s10] =	ssyncadd.s32 $0xFFFF8000  }
0x70: {  	_ =	sfence.sel $0x180000  }
0x71: {  	[bflag:$0x0] =	sbarrier.arrive $0xFFFF  }
0x72: {  	p0 =	sne.s32 s1, $0x0;
	_ =	strace $0x9000004D  }
0x73: {  	s0 =	sadd.s32 @!p0 $0x100000, s0;
	[bflag:$0x2] =	sbarrier.arrive $0xFFFF  }
0x74: {  	[sflag:s0] =	ssyncadd.tile.s32 @!p0 $0x1;
	_ =	shalt  }
.Lfunc_end2:
_tile_overlayer_lowered:
.L_overlay_start_2:
0x75: {  	(tag) =	ssettag $0x2  }
0x76: {  	s0 =	rddreg [dreg:$0x0];
	s2 =	stileid.u32  }
0x77: {  	s1 =	rddreg [dreg:$0x1];
	p0 =	sne.s32 s2, $0x0  }
0x78: {  	s3 =	rddreg [dreg:$0x2];
	[bflag:$0x3] =	sbarrier.arrive $0xFFFF;
	s2 =	simm.s32 @!p0 $0x1C01  }
0x79: {  	[timem:s3], [sflag:s2] =	dma.local @!p0 [hbm:s0], s1  }
0x7a: {  	s0 =	simm.s32 @!p0 $0x1  }
0x7b: {  	_ =	swait.ge @!p0 [sflag:s0], s1  }
0x7c: {  	s1 =	ssub.s32 @!p0 $0x0, s1;
	[sflag:s0] =	ssyncset.done @!p0 $0x0  }
0x7d: {  	[sflag:s0] =	ssyncadd.s32 @!p0 s1  }
0x7e: {  	[bflag:$0x3] =	sbarrier.arrive $0xFFFF  }
0x7f: {  	_ =	shalt  }

// kernel: kernel.23.cloned.1.call-start
scs
__scs_entry_jumppad:
0x0: {  	(pc) =	sbr.rel $0x88, $3  }
0x1: {  	(tag) =	ssettag $0x0;
	lr =	simm.s32 $0x1  }
0x2: {  	[smem:$0x3F9E] =	sst lr;
	_ =	strace $0xD0000000  }
0x3: {  	_ = 	snop  }
0x4: {  	_ = 	snop  }
0x5: {  	_ = 	snop  }
0x6: {  	_ = 	snop  }
0x7: {  	_ = 	snop  }
__scs_overlays_trampoline_lowered:
0x8: {  	[smem:$0x3FAD] =	sst s0  }
0x9: {  	[smem:$0x3FAE] =	sst s1  }
0xa: {  	[smem:$0x3FAF] =	sst s2  }
0xb: {  	[smem:$0x3FB0] =	sst s3  }
0xc: {  	[smem:$0x3FB1] =	sst s4  }
0xd: {  	[smem:$0x3FB2] =	sst s5  }
0xe: {  	[smem:$0x3FB3] =	sst s6  }
0xf: {  	[smem:$0x3FB4] =	sst s7  }
0x10: {  	[smem:$0x3FB5] =	sst s8  }
0x11: {  	[smem:$0x3FB6] =	sst s9;
	s0 =	simm.s32 @!p0 $0x0  }
0x12: {  	s1 =	sld [smem:$0x3F9C];
	s0 =	simm.s32 @p0 $0x1  }
0x13: {  	[smem:$0x3FB7] =	sst s0;
	s0 =	simm.s32 @!p1 $0x0  }
0x14: {  	s2 =	sld [smem:$0x3F9B];
	s0 =	simm.s32 @p1 $0x1  }
0x15: {  	[smem:$0x3FB8] =	sst s0;
	s0 =	simm.s32 @!p2 $0x0  }
0x16: {  	s3 =	sld [smem:$0x3FDB];
	s0 =	simm.s32 @p2 $0x1  }
0x17: {  	s4 =	simm.s32 $0x1BF5;
	[smem:$0x3FBA] =	sst s0  }
0x18: {  	s0 =	sld [smem:$0x3F9D];
	_ =	swait.ge [sflag:s4], $0x0  }
0x19: {  	s7 =	sld [smem:$0x3F9E]  }
0x1a: {  	s8 =	sadd.s32 $0xFFFFE003, lr  }
0x1b: {  	s9 =	sadd.s32 $0xFFFFFEF7, lr;
	s5 =	simm.s32 $0xFFFFFFFF;
	p2 =	slt.u32 s8, $0xFFFFF086  }
0x1c: {  	p1 =	slt.u32 s9, $0xF7A;
	s5 =	simm.s32 @!p2 $0x0  }
0x1d: {  	s5 =	simm.s32 @p1 $0x1;
	p0 =	seq.s32 s7, s2  }
0x1e: {  	s7 =	smul.u32 @!p0 $0xF7A, s2;
	p2 =	seq.s32 @!p0 s5, $0x0  }
0x1f: {  	s9 =	smul.u32 $0xF7A, s1;
	s8 =	simm.s32 @!p0 $0x1BF5;
	p2 =	por !p2, p0  }
0x20: {  	[sflag:s8] =	ssyncset.s32 @!p0 $0xFFFFF086;
	s6 =	sadd.s32 @!p0 s3, s7;
	s7 =	simm.s32 @!p0 $0x108  }
0x21: {  	s3 =	sadd.s32 s3, s9;
	s6 =	sadd.s32 @!p0 $0x88, s6;
	s7 =	simm.s32 @p2 $0x1082  }
0x22: {  	[simem:s7], [sflag:s8] =	dma.local @!p0 [hbm:s6], $0xF7A  }
0x23: {  	s9 =	sor.u32 $0xD0000000, s2;
	s6 =	simm.s32 $0x108;
	_ =	swait.ge @!p0 [sflag:s8], $0x0  }
0x24: {  	s3 =	sadd.s32 $0x88, s3;
	s6 =	simm.s32 @!p1 $0x1082;
	[sflag:s4] =	ssyncset.s32 $0xFFFFF086  }
0x25: {  	[simem:s6], [sflag:s4] =	dma.local [hbm:s3], $0xF7A  }
0x26: {  	[smem:$0x3F9E] =	sst s1;
	(tag) =	ssettag s2;
	_ =	strace s9  }
0x27: {  	s1 =	sld [smem:$0x3FAE]  }
0x28: {  	s2 =	sld [smem:$0x3FAF]  }
0x29: {  	s4 =	sld [smem:$0x3FB1]  }
0x2a: {  	p0 =	seq.s32 s5, $0x0;
	s5 =	sld [smem:$0x3FB2]  }
0x2b: {  	s6 =	sld [smem:$0x3FB3]  }
0x2c: {  	s7 =	sld [smem:$0x3FB4]  }
0x2d: {  	s3 =	simm.s32 $0x108;
	s8 =	sld [smem:$0x3FB5]  }
0x2e: {  	s3 =	simm.s32 @!p0 $0x1082;
	s9 =	sld [smem:$0x3FB6]  }
0x2f: {  	lr =	sadd.s32 s0, s3;
	s0 =	sld [smem:$0x3FAD]  }
0x30: {  	s3 =	sld [smem:$0x3FB0]  }
0x31: {  	[smem:$0x3FB9] =	sst s10  }
0x32: {  	s10 =	sld [smem:$0x3FB7];
	_ =	sdelay $0x3  }
0x33: {  	p0 =	seq.s32 s10, $0x1;
	s10 =	sld [smem:$0x3FB9];
	_ =	sdelay $0x3  }
0x34: {  	[smem:$0x3FB9] =	sst s10  }
0x35: {  	s10 =	sld [smem:$0x3FB8];
	_ =	sdelay $0x3  }
0x36: {  	p1 =	seq.s32 s10, $0x1;
	s10 =	sld [smem:$0x3FB9];
	_ =	sdelay $0x3  }
0x37: {  	[smem:$0x3FB9] =	sst s10  }
0x38: {  	s10 =	sld [smem:$0x3FBA]  }
0x39: {  	_ = 	snop;
	(pc) =	sbr.ind lr, $3  }
0x3a: {  	_ = 	snop  }
0x3b: {  	_ = 	snop  }
0x3c: {  	p2 =	seq.s32 s10, $0x1;
	s10 =	sld [smem:$0x3FB9]  }
0x3d: {  	_ =	shalt  }
0x3e: {  	_ =	shalt  }
0x3f: {  	_ =	shalt  }
0x40: {  	_ =	shalt  }
0x41: {  	_ =	shalt  }
0x42: {  	_ =	shalt  }
0x43: {  	_ =	shalt  }
0x44: {  	_ =	shalt  }
0x45: {  	_ =	shalt  }
0x46: {  	_ =	shalt  }
0x47: {  	_ =	shalt  }
0x48: {  	_ =	shalt  }
0x49: {  	_ =	shalt  }
0x4a: {  	_ =	shalt  }
0x4b: {  	_ =	shalt  }
0x4c: {  	_ =	shalt  }
0x4d: {  	_ =	shalt  }
0x4e: {  	_ =	shalt  }
0x4f: {  	_ =	shalt  }
0x50: {  	_ =	shalt  }
0x51: {  	_ =	shalt  }
0x52: {  	_ =	shalt  }
0x53: {  	_ =	shalt  }
0x54: {  	_ =	shalt  }
0x55: {  	_ =	shalt  }
0x56: {  	_ =	shalt  }
0x57: {  	_ =	shalt  }
0x58: {  	_ =	shalt  }
0x59: {  	_ =	shalt  }
0x5a: {  	_ =	shalt  }
0x5b: {  	_ =	shalt  }
0x5c: {  	_ =	shalt  }
0x5d: {  	_ =	shalt  }
0x5e: {  	_ =	shalt  }
0x5f: {  	_ =	shalt  }
0x60: {  	_ =	shalt  }
0x61: {  	_ =	shalt  }
0x62: {  	_ =	shalt  }
0x63: {  	_ =	shalt  }
0x64: {  	_ =	shalt  }
0x65: {  	_ =	shalt  }
0x66: {  	_ =	shalt  }
0x67: {  	_ =	shalt  }
0x68: {  	_ =	shalt  }
0x69: {  	_ =	shalt  }
0x6a: {  	_ =	shalt  }
0x6b: {  	_ =	shalt  }
0x6c: {  	_ =	shalt  }
0x6d: {  	_ =	shalt  }
0x6e: {  	_ =	shalt  }
0x6f: {  	_ =	shalt  }
0x70: {  	_ =	shalt  }
0x71: {  	_ =	shalt  }
0x72: {  	_ =	shalt  }
0x73: {  	_ =	shalt  }
0x74: {  	_ =	shalt  }
0x75: {  	_ =	shalt  }
0x76: {  	_ =	shalt  }
0x77: {  	_ =	shalt  }
0x78: {  	_ =	shalt  }
0x79: {  	_ =	shalt  }
0x7a: {  	_ =	shalt  }
0x7b: {  	_ =	shalt  }
0x7c: {  	_ =	shalt  }
0x7d: {  	_ =	shalt  }
0x7e: {  	_ =	shalt  }
0x7f: {  	_ =	shalt  }
0x80: {  	_ =	shalt  }
0x81: {  	_ =	shalt  }
0x82: {  	_ =	shalt  }
0x83: {  	_ =	shalt  }
0x84: {  	_ =	shalt  }
0x85: {  	_ =	shalt  }
0x86: {  	_ =	shalt  }
0x87: {  	_ =	shalt  }
.Lfunc_end0:
.L_simem_size_0:
called_computation.3_lowered:
.L_overlay_start_0:
0x88: {  	s2 =	sld [smem:$0x3FD9]  }
0x89: {  	s3 =	sld [smem:$0x3FFE];
	_ =	sdelay $0x1  }
0x8a: {  	s1 =	srdreg.scid  }
0x8b: {  	s0 =	sand.u32 $0x1, s1  }
0x8c: {  	s14 =	sshll.u32 s0, $0xA;
	s2 =	sadd.s32 s3, s2  }
0x8d: {  	s2 =	sadd.s32 s2, s14  }
0x8e: {  	[smem:$0x3FC5] =	sst s2  }
0x8f: {  	_ = 	snop  }
0x90: {  	s2 =	sld [smem:$0x3FD0];
	_ =	sdelay $0x2  }
0x91: {  	s15 =	simm.s32 $0xA;
	s4 =	simm.s32 $0x10  }
0x92: {  	[smem:s4], [sflag:s15] =	dma.local [hbm:s2], $0x1  }
0x93: {  	_ =	swait.eq [sflag:s15], $0x1  }
0x94: {  	[sflag:s15] =	ssyncset.done $0x0  }
0x95: {  	[sflag:s15] =	ssyncadd.s32 $0xFFFFFFFF  }
0x96: {  	s16 =	sld [smem:$0x11];
	(tm) =	ssettm $0x1  }
0x97: {  	s17 =	sld [smem:$0x3FFB];
	_ =	sdelay $0x3  }
0x98: {  	_ =	strace s17  }
0x99: {  	s3 =	sld [smem:$0x3FFC];
	_ =	sdelay $0x3  }
0x9a: {  	_ =	strace s3  }
0x9b: {  	s3 =	sld [smem:$0x3FFD];
	_ =	sdelay $0x3  }
0x9c: {  	_ =	strace s3  }
0x9d: {  	_ =	strace $0x8FFFFFFF  }
0x9e: {  	s18 =	sld [smem:$0x3FDB];
	_ =	sdelay $0x1  }
0x9f: {  	s19 =	simm.s32 $_scs_section_size  }
0xa0: {  	s5 =	simm.s32 $_size__tile_overlayer_lowered;
	s6 =	simm.s32 $_tile_overlayer_lowered  }
0xa1: {  	s22 =	simm.s32 $0x1BFF;
	s21 =	sshll.u32 s6, $0x1;
	s3 =	sadd.s32 s19, s18  }
0xa2: {  	s7 =	simm.s32 $0x0;
	s20 =	sshll.u32 s5, $0x1;
	s5 =	sadd.s32 s21, s3  }
0xa3: {  	[timem:s7], [sflag:s22] =	dma.local [hbm:s5], s20  }
0xa4: {  	_ =	swait.ge [sflag:s22], s20  }
0xa5: {  	s4 =	ssub.s32 $0x0, s20;
	[sflag:s22] =	ssyncset.done $0x0  }
0xa6: {  	[sflag:s22] =	ssyncadd.s32 s4;
	_ =	sdelay $0x1  }
0xa7: {  	s23 =	simm.s32 $0x1B8B  }
0xa8: {  	_ =	swait.ge [sflag:s23], $0x1  }
0xa9: {  	[sflag:s23] =	ssyncset.done $0x0  }
0xaa: {  	s25 =	simm.s32 $0x1B8E;
	s24 =	sld [smem:$0x3FFE];
	[sflag:s23] =	ssyncadd.s32 $0xFFFFFFFF  }
0xab: {  	s26 =	simm.s32 $execute0_lowered;
	[smem:$0x3FD2] =	sst s25  }
0xac: {  	s5 =	sshll.u32 s26, $0x1;
	_ =	strace $0x8000004F;
	[dreg:$0x1] =	wrdreg $0xFFFFFFFF  }
0xad: {  	s28 =	simm.s32 $_size_execute0_lowered;
	s3 =	sadd.s32 s3, s5;
	[dreg:$0x0] =	wrdreg $0x0  }
0xae: {  	s5 =	sshll.u32 s28, $0x1;
	[dreg:$0x2] =	wrdreg s3  }
0xaf: {  	[dreg:$0x3] =	wrdreg s5  }
0xb0: {  	[dreg:$0x4] =	wrdreg $0xC0  }
0xb1: {  	_ =	task [dreg:s7], $0x5FFFF  }
0xb2: {  	[dreg:$0x1] =	wrdreg $0xFFFFFFFF  }
0xb3: {  	[dreg:$0x0] =	wrdreg $0x60  }
0xb4: {  	[dreg:$0x2] =	wrdreg s16  }
0xb5: {  	[dreg:$0x3] =	wrdreg s24  }
0xb6: {  	[dreg:$0x4] =	wrdreg $0x9  }
0xb7: {  	_ =	task.clear_ibuf [dreg:s7], $0x5FFFF;
	_ =	strace $0x9000004F  }
0xb8: {  	s29 =	simm.s32 $0x9;
	_ =	strace $0x80000051  }
0xb9: {  	_ =	swait.ge [sflag:s29], $0x1  }
0xba: {  	[sflag:s29] =	ssyncadd.s32 $0xFFFFFFFF  }
0xbb: {  	_ =	strace $0x90000051  }
0xbc: {  	_ =	sfence  }
0xbd: {  	s30 =	sld [smem:$0x0];
	_ =	sdelay $0x2  }
0xbe: {  	s31 =	sshll.u32 s1, $0xD;
	s1 =	sshrl.u32 s1, $0x2  }
0xbf: {  	s3 =	sand.u32 $0x4000, s31;
	s1 =	sadd.s32 s1, s30  }
0xc0: {  	s0 =	sor.u32 s3, s0;
	s1 =	sshll.u32 s1, $0x11  }
0xc1: {  	s0 =	sor.u32 s1, s0  }
0xc2: {  	s0 =	sadd.s32 $0x8F2B, s0  }
0xc3: {  	[sflag:s0] =	ssyncadd.remote.s32 $0x1  }
0xc4: {  	_ =	sfence.sel $0xFFFF  }
0xc5: {  	[dreg:$0x0] =	wrdreg $0xFFFFFFFF;
	(pc) =	sbr.abs _section_cstart, $3  }
0xc6: {  	[dreg:$0x1] =	wrdreg $0xFFFFFFFF  }
0xc7: {  	_ =	task.clear_ibuf [dreg:s7], $0x2FFFF;
	_ =	strace $0x9FFFFFFF  }
0xc8: {  	(tm) =	ssettm $0x7FFFFFFF  }
0xc9: {  	_ =	shalt  }
tec
execute0_lowered:
.L_overlay_start_1:
0x0: {  	(tag) =	ssettag $0x1  }
0x1: {  	s2 =	rddreg [dreg:$0x0]  }
0x2: {  	s6 =	rddreg [dreg:$0x1];
	s3 =	srdreg.scid  }
0x3: {  	s0 =	rddreg [dreg:$0x2];
	s1 =	stileid.u32  }
0x4: {  	s10 =	simm.s32 $0x1;
	s11 =	simm.s32 $0x8000;
	s12 =	simm.s32 $0x4000  }
0x5: {  	s13 =	simm.s32 $0x0;
	s5 =	sand.u32 $0x1, s3;
	s3 =	simm.s32 $0x0  }
0x6: {  	s4 =	sshll.u32 s1, $0x8;
	s7 =	sshll.u32 s5, $0x7;
	[smem:$0x7FF] =	sst s3  }
0x7: {  	s8 =	ssub.s32 $0x2, s5;
	s5 =	sadd.s32 $0x4000, s6;
	s4 =	sor.u32 s7, s4  }
0x8: {  	_ =	strace $0x80000050;
	s9 =	sshrl.u32 s8, $0x1;
	s7 =	sshll.u32 s4, $0x4  }
0x9: {  	v0 =	vlaneseq.u32;
	s8 =	ssub.s32 s8, s9;
	s9 =	simm.s32 $0xC000;
	s7 =	sadd.s32 s7, s6  }
0xa: {  	v0 =	vmul.u32 $0x80, v0;
	s6 =	sadd.s32 $0x84000, s6;
	s8 =	smax.u32 s8, $0x1;
	s7 =	sadd.s32 $0x124000, s7  }
.LBB2_1:
0xb: {  	[tilespmem:s9], [sflag:$0x1] =	stream.linear.gather [hbm4b:s2+s3], $0x80, $0x38;
	[tilespmem:$0xC080] =	vst v63  }
0xc: {  	_ =	swait.ge [sflag:s10], $0x80  }
0xd: {  	[sflag:s10] =	ssyncset.done $0x0  }
0xe: {  	[sflag:s10] =	ssyncadd.s32 $0xFFFFFF80  }
0xf: {  	v1 =	vld [tilespmem:$0xC000];
	[tilespmem:s3], [sflag:$0x1] =	stream.linear.gather [hbm4b:s7+s3], $0x4000, $0x38  }
0x10: {  	_ =	swait.ge [sflag:s10], $0x4000  }
0x11: {  	[sflag:s10] =	ssyncset.done $0x0  }
0x12: {  	s14 =	simm.s32 $0x0;
	[sflag:s10] =	ssyncadd.s32 $0xFFFFC000  }
.LBB2_2:
0x13: {  	s15 =	sshll.u32 s14, $0x4  }
0x14: {  	v2 =	vmov s15  }
0x15: {  	v2 =	vshll.u32 v2, $0x7  }
0x16: {  	v2 =	vor.u32 v0, v2;
	_ =	sdelay $0x4  }
0x17: {  	v19 =	vimm.f32 $-Inf;
	v18 =	vld.idx.msk [tilespmem:v2+s3+$0x0], $0xffff  }
0x18: {  	v9 =	vimm.s32 $0x0;
	v21 =	vimm.f32 $-Inf;
	v13 =	vimm.s32 $0x0  }
0x19: {  	v6 =	vimm.s32 $0x0;
	v20 =	vimm.f32 $-Inf;
	v12 =	vimm.s32 $0x0  }
0x1a: {  	v7 =	vimm.s32 $0x0;
	v5 =	vimm.s32 $0x0;
	v14 =	vimm.s32 $0x0  }
0x1b: {  	v25 =	vimm.f32 $-Inf;
	v24 =	vimm.f32 $-Inf;
	s15 =	simm.s32 $0x0;
	v4 =	vor.u32 $0x1, v2  }
0x1c: {  	v10 =	vimm.s32 $0x0;
	v27 =	vadd.s32 s15, v4;
	vm4 =	vgt.f32 v18, v19  }
0x1d: {  	vm1 =	vgt.f32 v18, v19;
	vm0 =	vgt.f32 v18, v19;
	v11 =	vsel vm4, s15, v9  }
0x1e: {  	v16 =	vsel vm4, v18, v19;
	v26 =	vsel vm4, v19, v18;
	v17 =	vnsel vm4, s15, v9  }
0x1f: {  	v15 =	vnsel vm0, s15, v9;
	v8 =	vnsel vm4, s15, v9;
	v3 =	vnsel vm0, s15, v9  }
0x20: {  	v28 =	vsel vm0, v19, v18;
	vm5 =	vmmov vm4;
	vm7 =	vmmov vm0  }
0x21: {  	vm6 =	vmmov vm0;
	vm3 =	vmmov vm0;
	vm2 =	vmmov vm4  }
0x22: {  	s16 =	simm.s32 $0x1;
	v23 =	vsel vm4, v26, v19;
	v22 =	vsel vm0, v26, v19;
	v3 =	vsel vm0, v3, v9  }
.LBB2_3:
0x23: {  	v29 =	vld.idx.msk [tilespmem:v27+s3+$0x0], $0xffff;
	p0 =	sne.s32 s16, $0x3F;
	v27 =	vnsel vm4, s15, v9;
	v30 =	vsel vm1, v19, v18;
	v31 =	vsel vm0, v21, v18;
	v9 =	vmovc v11;
	s17 =	smov.u32 s16;
	s16 =	sadd.s32 $0x1, s16  }
0x24: {  	v13 =	vsel vm5, v27, v13;
	v27 =	vnsel vm1, s15, v6;
	v20 =	vsel vm7, v31, v20  }
0x25: {  	v12 =	vsel vm6, v17, v12;
	v5 =	vsel vm2, v15, v5;
	v7 =	vsel vm3, v27, v7  }
0x26: {  	v15 =	vnsel vm6, s15, v14;
	v17 =	vsel vm3, v25, v18;
	v25 =	vsel vm3, v30, v25;
	v14 =	vmovc v12;
	s15 =	smov.u32 s17  }
0x27: {  	v21 =	vsel vm0, v26, v21;
	v6 =	vsel vm1, v15, v6;
	v24 =	vsel vm2, v17, v24  }
0x28: {  	v19 =	vsel vm1, v28, v19;
	v10 =	vsel vm0, v8, v10;
	v27 =	vadd.s32 s15, v4  }
0x29: {  	vm4 =	vgt.f32 v29, v16;
	vm5 =	vgt.f32 v29, v23;
	vm2 =	vgt.f32 v29, v24;
	v18 =	vmovc v29  }
0x2a: {  	vm1 =	vgt.f32 v18, v19;
	vm3 =	vgt.f32 v18, v25;
	v11 =	vsel vm4, s15, v11  }
.Ltmp0:
0x2b: {  	vm0 =	vgt.f32 v18, v21;
	v26 =	vsel vm4, v16, v18;
	v16 =	vsel vm4, v18, v16;
	(pc) =	sbr.rel @p0 .LBB2_3-.Ltmp0, $4  }
0x2c: {  	v29 =	vsel vm5, v23, v18;
	v17 =	vnsel vm5, s15, v13;
	v15 =	vnsel vm3, s15, v7  }
0x2d: {  	vm6 =	vgt.f32 v18, v22;
	v8 =	vnsel vm2, s15, v5;
	v30 =	vnsel vm0, s15, v10  }
0x2e: {  	vm7 =	vgt.f32 v18, v20;
	v23 =	vsel vm5, v26, v23;
	v28 =	vsel vm6, v22, v18  }
0x2f: {  	v22 =	vsel vm6, v29, v22;
	v26 =	vsel vm2, v24, v18;
	v3 =	vsel vm7, v30, v3  }
0x30: {  	v27 =	vsub.f32 v16, v16  }
0x31: {  	v23 =	vsub.f32 v23, v16  }
0x32: {  	v27 =	vmul.f32 $1.442695020e+00, v27  }
0x33: {  	v22 =	vsub.f32 v22, v16;
	v23 =	vmul.f32 $1.442695020e+00, v23  }
0x34: {  	v28 =	vsel vm1, v28, v19;
	v63 =	vsel vm1, v19, v18;
	(erf) = vpow2.f32 v27  }
0x35: {  	v28 =	vsub.f32 v28, v16;
	v22 =	vmul.f32 $1.442695020e+00, v22;
	(erf) = vpow2.f32 v23  }
0x36: {  	v29 =	vsel vm3, v25, v18;
	v19 =	vsel vm3, v63, v25  }
0x37: {  	v19 =	vsub.f32 v19, v16;
	v30 =	vmul.f32 $1.442695020e+00, v28;
	(erf) = vpow2.f32 v22  }
0x38: {  	v31 =	vsel vm2, v29, v24  }
0x39: {  	v32 =	vsub.f32 v31, v16;
	v19 =	vmul.f32 $1.442695020e+00, v19;
	(erf) = vpow2.f32 v30  }
0x3a: {  	v33 =	vsel vm0, v21, v18;
	v34 =	vsel vm0, v26, v21  }
0x3b: {  	v21 =	vsub.f32 v34, v16;
	v35 =	vmul.f32 $1.442695020e+00, v32;
	(erf) = vpow2.f32 v19  }
0x3c: {  	v18 =	vsel vm7, v33, v20  }
0x3d: {  	v38 =	vsub.f32 v18, v16;
	v37 =	vmul.f32 $1.442695020e+00, v21;
	v36 =	vpop (erf);
	(erf) = vpow2.f32 v35  }
0x3e: {  	v39 =	vpop (erf)  }
0x3f: {  	v16 =	vmul.f32 $1.442695020e+00, v38;
	(erf) = vpow2.f32 v37;
	v40 =	vadd.f32 v39, v36  }
0x40: {  	v41 =	vpop (erf)  }
0x41: {  	(erf) = vpow2.f32 v16;
	v42 =	vadd.f32 v41, v40  }
0x42: {  	v43 =	vpop (erf)  }
0x43: {  	v16 =	vadd.f32 v43, v42  }
0x44: {  	v44 =	vpop (erf)  }
0x45: {  	v16 =	vadd.f32 v44, v16  }
0x46: {  	v45 =	vpop (erf)  }
0x47: {  	v16 =	vadd.f32 v45, v16  }
0x48: {  	v46 =	vpop (erf)  }
0x49: {  	v16 =	vadd.f32 v46, v16  }
0x4a: {  	v47 =	vpop (erf)  }
0x4b: {  	v16 =	vadd.f32 v47, v16;
	_ =	sdelay $0x1  }
0x4c: {  	(erf) = vrcp.f32 v16;
	_ =	sdelay $0x8  }
0x4d: {  	v16 =	vpop (erf)  }
0x4e: {  	v20 =	vmul.f32 v16, v36  }
0x4f: {  	v48 =	vor.u32 $0x2, v2  }
0x50: {  	v18 =	vmul.f32 v16, v39;
	[tilespmem:v2+s11+$0x0] =	vst.idx.msk $0xffff, v20  }
0x51: {  	v9 =	vnsel vm4, s15, v9;
	v49 =	vor.u32 $0x3, v2;
	[tilespmem:v2+s12+$0x0] =	vst.idx.msk $0xffff, v11  }
0x52: {  	v9 =	vsel vm5, v9, v13;
	v50 =	vmul.f32 v16, v41;
	[tilespmem:v4+s11+$0x0] =	vst.idx.msk $0xffff, v18  }
0x53: {  	v51 =	vor.u32 $0x4, v2;
	[tilespmem:v4+s12+$0x0] =	vst.idx.msk $0xffff, v9  }
0x54: {  	v52 =	vsel vm6, v17, v12;
	v53 =	vmul.f32 v16, v43;
	[tilespmem:v48+s11+$0x0] =	vst.idx.msk $0xffff, v50  }
0x55: {  	v54 =	vnsel vm6, s15, v14;
	v55 =	vor.u32 $0x5, v2;
	[tilespmem:v48+s12+$0x0] =	vst.idx.msk $0xffff, v52  }
0x56: {  	v13 =	vsel vm1, v54, v6;
	v56 =	vmul.f32 v16, v44;
	[tilespmem:v49+s11+$0x0] =	vst.idx.msk $0xffff, v53  }
0x57: {  	v57 =	vnsel vm1, s15, v6;
	v58 =	vor.u32 $0x6, v2;
	[tilespmem:v49+s12+$0x0] =	vst.idx.msk $0xffff, v13  }
0x58: {  	v6 =	vsel vm3, v57, v7;
	v59 =	vmul.f32 v16, v45;
	[tilespmem:v51+s11+$0x0] =	vst.idx.msk $0xffff, v56  }
0x59: {  	s14 =	sadd.s32 $0x1, s14;
	v2 =	vor.u32 $0x7, v2;
	[tilespmem:v51+s12+$0x0] =	vst.idx.msk $0xffff, v6  }
0x5a: {  	v60 =	vsel vm2, v15, v5;
	p0 =	sne.s32 s14, $0x8;
	v61 =	vmul.f32 v16, v46;
	[tilespmem:v55+s11+$0x0] =	vst.idx.msk $0xffff, v59  }
.Ltmp1:
0x5b: {  	[tilespmem:v55+s12+$0x0] =	vst.idx.msk $0xffff, v60;
	(pc) =	sbr.rel @p0 .LBB2_2-.Ltmp1, $4  }
0x5c: {  	v62 =	vsel vm0, v8, v10;
	v63 =	vmul.f32 v16, v47;
	[tilespmem:v58+s11+$0x0] =	vst.idx.msk $0xffff, v61  }
0x5d: {  	[tilespmem:v58+s12+$0x0] =	vst.idx.msk $0xffff, v62  }
0x5e: {  	[tilespmem:v2+s11+$0x0] =	vst.idx.msk $0xffff, v63  }
0x5f: {  	[tilespmem:v2+s12+$0x0] =	vst.idx.msk $0xffff, v3  }
0x60: {  	v1 =	vxor.u32 $0x80000000, v1  }
0x61: {  	(xrf0) =	vmax.scan.msk.u32 $0xffff, v1;
	_ =	sdelay $0x5  }
0x62: {  	v1, _, _ =	vpop (xrf0)  }
0x63: {  	(v2sf) =	vpush v1, $0xF;
	_ =	sdelay $0xe  }
0x64: {  	s14 =	spop (v2sf)  }
0x65: {  	s14 =	sadd.s32 s4, s14  }
0x66: {  	s14 =	sshll.u32 s14, $0x4  }
0x67: {  	s15 =	sadd.s32 s5, s14  }
0x68: {  	[hbm4b:s15+s3] =	stream.linear.scatter [tilespmem:s12], [sflag:$0x1], $0x4000, $0x38;
	[tilespmem:$0xC080] =	vst v63  }
0x69: {  	s13 =	sadd.s32 $0x1, s13;
	_ =	swait.ge [sflag:s10], $0x4000  }
0x6a: {  	p0 =	sne.s32 s13, s8;
	[sflag:s10] =	ssyncset.done $0x0  }
.Ltmp2:
0x6b: {  	s14 =	sadd.s32 s6, s14;
	[sflag:s10] =	ssyncadd.s32 $0xFFFFC000;
	(pc) =	sbr.rel @p0 .LBB2_1-.Ltmp2, $4  }
0x6c: {  	[hbm4b:s14+s3] =	stream.linear.scatter [tilespmem:s11], [sflag:$0x1], $0x4000, $0x38;
	[tilespmem:$0xC080] =	vst v63  }
0x6d: {  	_ =	swait.ge [sflag:s10], $0x4000  }
0x6e: {  	[sflag:s10] =	ssyncset.done $0x0  }
0x6f: {  	[sflag:s10] =	ssyncadd.s32 $0xFFFFC000  }
0x70: {  	_ =	sfence.sel $0x180000  }
0x71: {  	[bflag:$0x0] =	sbarrier.arrive $0xFFFF  }
0x72: {  	p0 =	sne.s32 s1, $0x0;
	_ =	strace $0x90000050  }
0x73: {  	s0 =	sadd.s32 @!p0 $0x100000, s0;
	[bflag:$0x2] =	sbarrier.arrive $0xFFFF  }
0x74: {  	[sflag:s0] =	ssyncadd.tile.s32 @!p0 $0x1;
	_ =	shalt  }
.Lfunc_end2:
_tile_overlayer_lowered:
.L_overlay_start_2:
0x75: {  	(tag) =	ssettag $0x2  }
0x76: {  	s0 =	rddreg [dreg:$0x0];
	s2 =	stileid.u32  }
0x77: {  	s1 =	rddreg [dreg:$0x1];
	p0 =	sne.s32 s2, $0x0  }
0x78: {  	s3 =	rddreg [dreg:$0x2];
	[bflag:$0x3] =	sbarrier.arrive $0xFFFF;
	s2 =	simm.s32 @!p0 $0x1C01  }
0x79: {  	[timem:s3], [sflag:s2] =	dma.local @!p0 [hbm:s0], s1  }
0x7a: {  	s0 =	simm.s32 @!p0 $0x1  }
0x7b: {  	_ =	swait.ge @!p0 [sflag:s0], s1  }
0x7c: {  	s1 =	ssub.s32 @!p0 $0x0, s1;
	[sflag:s0] =	ssyncset.done @!p0 $0x0  }
0x7d: {  	[sflag:s0] =	ssyncadd.s32 @!p0 s1  }
0x7e: {  	[bflag:$0x3] =	sbarrier.arrive $0xFFFF  }
0x7f: {  	_ =	shalt  }

// kernel: kernel.26.cloned.1.call-start
scs
__scs_entry_jumppad:
0x0: {  	(pc) =	sbr.rel $0x88, $3  }
0x1: {  	(tag) =	ssettag $0x0;
	lr =	simm.s32 $0x1  }
0x2: {  	[smem:$0x3F9E] =	sst lr;
	_ =	strace $0xD0000000  }
0x3: {  	_ = 	snop  }
0x4: {  	_ = 	snop  }
0x5: {  	_ = 	snop  }
0x6: {  	_ = 	snop  }
0x7: {  	_ = 	snop  }
__scs_overlays_trampoline_lowered:
0x8: {  	[smem:$0x3FAD] =	sst s0  }
0x9: {  	[smem:$0x3FAE] =	sst s1  }
0xa: {  	[smem:$0x3FAF] =	sst s2  }
0xb: {  	[smem:$0x3FB0] =	sst s3  }
0xc: {  	[smem:$0x3FB1] =	sst s4  }
0xd: {  	[smem:$0x3FB2] =	sst s5  }
0xe: {  	[smem:$0x3FB3] =	sst s6  }
0xf: {  	[smem:$0x3FB4] =	sst s7  }
0x10: {  	[smem:$0x3FB5] =	sst s8  }
0x11: {  	[smem:$0x3FB6] =	sst s9;
	s0 =	simm.s32 @!p0 $0x0  }
0x12: {  	s1 =	sld [smem:$0x3F9C];
	s0 =	simm.s32 @p0 $0x1  }
0x13: {  	[smem:$0x3FB7] =	sst s0;
	s0 =	simm.s32 @!p1 $0x0  }
0x14: {  	s2 =	sld [smem:$0x3F9B];
	s0 =	simm.s32 @p1 $0x1  }
0x15: {  	[smem:$0x3FB8] =	sst s0;
	s0 =	simm.s32 @!p2 $0x0  }
0x16: {  	s3 =	sld [smem:$0x3FDB];
	s0 =	simm.s32 @p2 $0x1  }
0x17: {  	s4 =	simm.s32 $0x1BF5;
	[smem:$0x3FBA] =	sst s0  }
0x18: {  	s0 =	sld [smem:$0x3F9D];
	_ =	swait.ge [sflag:s4], $0x0  }
0x19: {  	s7 =	sld [smem:$0x3F9E]  }
0x1a: {  	s8 =	sadd.s32 $0xFFFFE003, lr  }
0x1b: {  	s9 =	sadd.s32 $0xFFFFFEF7, lr;
	s5 =	simm.s32 $0xFFFFFFFF;
	p2 =	slt.u32 s8, $0xFFFFF086  }
0x1c: {  	p1 =	slt.u32 s9, $0xF7A;
	s5 =	simm.s32 @!p2 $0x0  }
0x1d: {  	s5 =	simm.s32 @p1 $0x1;
	p0 =	seq.s32 s7, s2  }
0x1e: {  	s7 =	smul.u32 @!p0 $0xF7A, s2;
	p2 =	seq.s32 @!p0 s5, $0x0  }
0x1f: {  	s9 =	smul.u32 $0xF7A, s1;
	s8 =	simm.s32 @!p0 $0x1BF5;
	p2 =	por !p2, p0  }
0x20: {  	[sflag:s8] =	ssyncset.s32 @!p0 $0xFFFFF086;
	s6 =	sadd.s32 @!p0 s3, s7;
	s7 =	simm.s32 @!p0 $0x108  }
0x21: {  	s3 =	sadd.s32 s3, s9;
	s6 =	sadd.s32 @!p0 $0x88, s6;
	s7 =	simm.s32 @p2 $0x1082  }
0x22: {  	[simem:s7], [sflag:s8] =	dma.local @!p0 [hbm:s6], $0xF7A  }
0x23: {  	s9 =	sor.u32 $0xD0000000, s2;
	s6 =	simm.s32 $0x108;
	_ =	swait.ge @!p0 [sflag:s8], $0x0  }
0x24: {  	s3 =	sadd.s32 $0x88, s3;
	s6 =	simm.s32 @!p1 $0x1082;
	[sflag:s4] =	ssyncset.s32 $0xFFFFF086  }
0x25: {  	[simem:s6], [sflag:s4] =	dma.local [hbm:s3], $0xF7A  }
0x26: {  	[smem:$0x3F9E] =	sst s1;
	(tag) =	ssettag s2;
	_ =	strace s9  }
0x27: {  	s1 =	sld [smem:$0x3FAE]  }
0x28: {  	s2 =	sld [smem:$0x3FAF]  }
0x29: {  	s4 =	sld [smem:$0x3FB1]  }
0x2a: {  	p0 =	seq.s32 s5, $0x0;
	s5 =	sld [smem:$0x3FB2]  }
0x2b: {  	s6 =	sld [smem:$0x3FB3]  }
0x2c: {  	s7 =	sld [smem:$0x3FB4]  }
0x2d: {  	s3 =	simm.s32 $0x108;
	s8 =	sld [smem:$0x3FB5]  }
0x2e: {  	s3 =	simm.s32 @!p0 $0x1082;
	s9 =	sld [smem:$0x3FB6]  }
0x2f: {  	lr =	sadd.s32 s0, s3;
	s0 =	sld [smem:$0x3FAD]  }
0x30: {  	s3 =	sld [smem:$0x3FB0]  }
0x31: {  	[smem:$0x3FB9] =	sst s10  }
0x32: {  	s10 =	sld [smem:$0x3FB7];
	_ =	sdelay $0x3  }
0x33: {  	p0 =	seq.s32 s10, $0x1;
	s10 =	sld [smem:$0x3FB9];
	_ =	sdelay $0x3  }
0x34: {  	[smem:$0x3FB9] =	sst s10  }
0x35: {  	s10 =	sld [smem:$0x3FB8];
	_ =	sdelay $0x3  }
0x36: {  	p1 =	seq.s32 s10, $0x1;
	s10 =	sld [smem:$0x3FB9];
	_ =	sdelay $0x3  }
0x37: {  	[smem:$0x3FB9] =	sst s10  }
0x38: {  	s10 =	sld [smem:$0x3FBA]  }
0x39: {  	_ = 	snop;
	(pc) =	sbr.ind lr, $3  }
0x3a: {  	_ = 	snop  }
0x3b: {  	_ = 	snop  }
0x3c: {  	p2 =	seq.s32 s10, $0x1;
	s10 =	sld [smem:$0x3FB9]  }
0x3d: {  	_ =	shalt  }
0x3e: {  	_ =	shalt  }
0x3f: {  	_ =	shalt  }
0x40: {  	_ =	shalt  }
0x41: {  	_ =	shalt  }
0x42: {  	_ =	shalt  }
0x43: {  	_ =	shalt  }
0x44: {  	_ =	shalt  }
0x45: {  	_ =	shalt  }
0x46: {  	_ =	shalt  }
0x47: {  	_ =	shalt  }
0x48: {  	_ =	shalt  }
0x49: {  	_ =	shalt  }
0x4a: {  	_ =	shalt  }
0x4b: {  	_ =	shalt  }
0x4c: {  	_ =	shalt  }
0x4d: {  	_ =	shalt  }
0x4e: {  	_ =	shalt  }
0x4f: {  	_ =	shalt  }
0x50: {  	_ =	shalt  }
0x51: {  	_ =	shalt  }
0x52: {  	_ =	shalt  }
0x53: {  	_ =	shalt  }
0x54: {  	_ =	shalt  }
0x55: {  	_ =	shalt  }
0x56: {  	_ =	shalt  }
0x57: {  	_ =	shalt  }
0x58: {  	_ =	shalt  }
0x59: {  	_ =	shalt  }
0x5a: {  	_ =	shalt  }
0x5b: {  	_ =	shalt  }
0x5c: {  	_ =	shalt  }
0x5d: {  	_ =	shalt  }
0x5e: {  	_ =	shalt  }
0x5f: {  	_ =	shalt  }
0x60: {  	_ =	shalt  }
0x61: {  	_ =	shalt  }
0x62: {  	_ =	shalt  }
0x63: {  	_ =	shalt  }
0x64: {  	_ =	shalt  }
0x65: {  	_ =	shalt  }
0x66: {  	_ =	shalt  }
0x67: {  	_ =	shalt  }
0x68: {  	_ =	shalt  }
0x69: {  	_ =	shalt  }
0x6a: {  	_ =	shalt  }
0x6b: {  	_ =	shalt  }
0x6c: {  	_ =	shalt  }
0x6d: {  	_ =	shalt  }
0x6e: {  	_ =	shalt  }
0x6f: {  	_ =	shalt  }
0x70: {  	_ =	shalt  }
0x71: {  	_ =	shalt  }
0x72: {  	_ =	shalt  }
0x73: {  	_ =	shalt  }
0x74: {  	_ =	shalt  }
0x75: {  	_ =	shalt  }
0x76: {  	_ =	shalt  }
0x77: {  	_ =	shalt  }
0x78: {  	_ =	shalt  }
0x79: {  	_ =	shalt  }
0x7a: {  	_ =	shalt  }
0x7b: {  	_ =	shalt  }
0x7c: {  	_ =	shalt  }
0x7d: {  	_ =	shalt  }
0x7e: {  	_ =	shalt  }
0x7f: {  	_ =	shalt  }
0x80: {  	_ =	shalt  }
0x81: {  	_ =	shalt  }
0x82: {  	_ =	shalt  }
0x83: {  	_ =	shalt  }
0x84: {  	_ =	shalt  }
0x85: {  	_ =	shalt  }
0x86: {  	_ =	shalt  }
0x87: {  	_ =	shalt  }
.Lfunc_end0:
.L_simem_size_0:
called_computation.4_lowered:
.L_overlay_start_0:
0x88: {  	s2 =	sld [smem:$0x3FD9]  }
0x89: {  	s3 =	sld [smem:$0x3FFE];
	_ =	sdelay $0x1  }
0x8a: {  	s1 =	srdreg.scid  }
0x8b: {  	s0 =	sand.u32 $0x1, s1  }
0x8c: {  	s14 =	sshll.u32 s0, $0xA;
	s2 =	sadd.s32 s3, s2  }
0x8d: {  	s2 =	sadd.s32 s2, s14  }
0x8e: {  	[smem:$0x3FC5] =	sst s2  }
0x8f: {  	_ = 	snop  }
0x90: {  	s2 =	sld [smem:$0x3FD0];
	_ =	sdelay $0x2  }
0x91: {  	s15 =	simm.s32 $0xA;
	s4 =	simm.s32 $0x10  }
0x92: {  	[smem:s4], [sflag:s15] =	dma.local [hbm:s2], $0x1  }
0x93: {  	_ =	swait.eq [sflag:s15], $0x1  }
0x94: {  	[sflag:s15] =	ssyncset.done $0x0  }
0x95: {  	[sflag:s15] =	ssyncadd.s32 $0xFFFFFFFF  }
0x96: {  	s16 =	sld [smem:$0x10];
	(tm) =	ssettm $0x1  }
0x97: {  	s17 =	sld [smem:$0x3FFB];
	_ =	sdelay $0x3  }
0x98: {  	_ =	strace s17  }
0x99: {  	s3 =	sld [smem:$0x3FFC];
	_ =	sdelay $0x3  }
0x9a: {  	_ =	strace s3  }
0x9b: {  	s3 =	sld [smem:$0x3FFD];
	_ =	sdelay $0x3  }
0x9c: {  	_ =	strace s3  }
0x9d: {  	_ =	strace $0x8FFFFFFF  }
0x9e: {  	s18 =	sld [smem:$0x3FDB];
	_ =	sdelay $0x1  }
0x9f: {  	s19 =	simm.s32 $_scs_section_size  }
0xa0: {  	s5 =	simm.s32 $_size__tile_overlayer_lowered;
	s6 =	simm.s32 $_tile_overlayer_lowered  }
0xa1: {  	s22 =	simm.s32 $0x1BFF;
	s21 =	sshll.u32 s6, $0x1;
	s3 =	sadd.s32 s19, s18  }
0xa2: {  	s7 =	simm.s32 $0x0;
	s20 =	sshll.u32 s5, $0x1;
	s5 =	sadd.s32 s21, s3  }
0xa3: {  	[timem:s7], [sflag:s22] =	dma.local [hbm:s5], s20  }
0xa4: {  	_ =	swait.ge [sflag:s22], s20  }
0xa5: {  	s4 =	ssub.s32 $0x0, s20;
	[sflag:s22] =	ssyncset.done $0x0  }
0xa6: {  	[sflag:s22] =	ssyncadd.s32 s4;
	_ =	sdelay $0x1  }
0xa7: {  	s23 =	simm.s32 $0x1B8B  }
0xa8: {  	_ =	swait.ge [sflag:s23], $0x1  }
0xa9: {  	[sflag:s23] =	ssyncset.done $0x0  }
0xaa: {  	s25 =	simm.s32 $0x1B8E;
	s24 =	sld [smem:$0x3FFE];
	[sflag:s23] =	ssyncadd.s32 $0xFFFFFFFF  }
0xab: {  	s26 =	simm.s32 $execute0_lowered;
	[smem:$0x3FD2] =	sst s25  }
0xac: {  	s5 =	sshll.u32 s26, $0x1;
	_ =	strace $0x80000052;
	[dreg:$0x1] =	wrdreg $0xFFFFFFFF  }
0xad: {  	s28 =	simm.s32 $_size_execute0_lowered;
	s3 =	sadd.s32 s3, s5;
	[dreg:$0x0] =	wrdreg $0x0  }
0xae: {  	s5 =	sshll.u32 s28, $0x1;
	[dreg:$0x2] =	wrdreg s3  }
0xaf: {  	[dreg:$0x3] =	wrdreg s5  }
0xb0: {  	[dreg:$0x4] =	wrdreg $0xC0  }
0xb1: {  	_ =	task [dreg:s7], $0x5FFFF  }
0xb2: {  	[dreg:$0x1] =	wrdreg $0xFFFFFFFF  }
0xb3: {  	[dreg:$0x0] =	wrdreg $0x60  }
0xb4: {  	[dreg:$0x2] =	wrdreg s24  }
0xb5: {  	[dreg:$0x3] =	wrdreg s16  }
0xb6: {  	[dreg:$0x4] =	wrdreg $0x9  }
0xb7: {  	_ =	task.clear_ibuf [dreg:s7], $0x5FFFF;
	_ =	strace $0x90000052  }
0xb8: {  	s29 =	simm.s32 $0x9;
	_ =	strace $0x80000054  }
0xb9: {  	_ =	swait.ge [sflag:s29], $0x1  }
0xba: {  	[sflag:s29] =	ssyncadd.s32 $0xFFFFFFFF  }
0xbb: {  	_ =	strace $0x90000054  }
0xbc: {  	_ =	sfence  }
0xbd: {  	s30 =	sld [smem:$0x0];
	_ =	sdelay $0x2  }
0xbe: {  	s31 =	sshll.u32 s1, $0xD;
	s1 =	sshrl.u32 s1, $0x2  }
0xbf: {  	s3 =	sand.u32 $0x4000, s31;
	s1 =	sadd.s32 s1, s30  }
0xc0: {  	s0 =	sor.u32 s3, s0;
	s1 =	sshll.u32 s1, $0x11  }
0xc1: {  	s0 =	sor.u32 s1, s0  }
0xc2: {  	s0 =	sadd.s32 $0x8F2B, s0  }
0xc3: {  	[sflag:s0] =	ssyncadd.remote.s32 $0x1  }
0xc4: {  	_ =	sfence.sel $0xFFFF  }
0xc5: {  	[dreg:$0x0] =	wrdreg $0xFFFFFFFF;
	(pc) =	sbr.abs _section_cstart, $3  }
0xc6: {  	[dreg:$0x1] =	wrdreg $0xFFFFFFFF  }
0xc7: {  	_ =	task.clear_ibuf [dreg:s7], $0x2FFFF;
	_ =	strace $0x9FFFFFFF  }
0xc8: {  	(tm) =	ssettm $0x7FFFFFFF  }
0xc9: {  	_ =	shalt  }
tec
execute0_lowered:
.L_overlay_start_1:
0x0: {  	(tag) =	ssettag $0x1  }
0x1: {  	s6 =	rddreg [dreg:$0x0]  }
0x2: {  	s7 =	rddreg [dreg:$0x1]  }
0x3: {  	s0 =	rddreg [dreg:$0x2];
	s2 =	simm.s32 $0x0;
	s3 =	srdreg.scid  }
0x4: {  	s1 =	stileid.u32;
	s11 =	simm.s32 $0x4000;
	s12 =	simm.s32 $0x2000  }
0x5: {  	s13 =	simm.s32 $0x0;
	[smem:$0x7FF] =	sst s2;
	s4 =	sand.u32 $0x1, s3  }
0x6: {  	s5 =	sshll.u32 s1, $0x7;
	s3 =	sadd.s32 $0x104000, s6;
	s8 =	sshll.u32 s4, $0x6  }
0x7: {  	_ =	strace $0x80000053;
	s9 =	ssub.s32 $0x2, s4;
	s4 =	sor.u32 s8, s5  }
0x8: {  	s5 =	sadd.s32 $0x4000, s6;
	s31 =	sshrl.u32 s9, $0x1;
	s6 =	sadd.s32 $0x84000, s6  }
0x9: {  	v0 =	vlaneseq.u32;
	s10 =	sshll.u32 s4, $0x4;
	s8 =	ssub.s32 s9, s31;
	s9 =	simm.s32 $0x6000  }
0xa: {  	v0 =	vmul.u32 $0x80, v0;
	s7 =	sadd.s32 s7, s10;
	s8 =	smax.u32 s8, $0x1;
	s10 =	simm.s32 $0x1  }
.LBB2_1:
0xb: {  	[tilespmem:s9], [sflag:$0x1] =	stream.linear.gather [hbm4b:s3+s2], $0x80, $0x38;
	[tilespmem:$0x6080] =	vst v63  }
0xc: {  	_ =	swait.ge [sflag:s10], $0x80  }
0xd: {  	[sflag:s10] =	ssyncset.done $0x0  }
0xe: {  	[sflag:s10] =	ssyncadd.s32 $0xFFFFFF80  }
0xf: {  	v1 =	vld [tilespmem:$0x6000];
	[tilespmem:s2], [sflag:$0x1] =	stream.linear.gather [hbm4b:s7+s2], $0x2000, $0x38  }
0x10: {  	_ =	swait.ge [sflag:s10], $0x2000  }
0x11: {  	[sflag:s10] =	ssyncset.done $0x0  }
0x12: {  	s14 =	simm.s32 $0x0;
	[sflag:s10] =	ssyncadd.s32 $0xFFFFE000  }
.LBB2_2:
0x13: {  	s15 =	sshll.u32 s14, $0x4  }
0x14: {  	v2 =	vmov s15  }
0x15: {  	v2 =	vshll.u32 v2, $0x7  }
0x16: {  	v2 =	vor.u32 v0, v2;
	_ =	sdelay $0x4  }
0x17: {  	v19 =	vimm.f32 $-Inf;
	v18 =	vld.idx.msk [tilespmem:v2+s2+$0x0], $0xffff  }
0x18: {  	v9 =	vimm.s32 $0x0;
	v21 =	vimm.f32 $-Inf;
	v13 =	vimm.s32 $0x0  }
0x19: {  	v6 =	vimm.s32 $0x0;
	v20 =	vimm.f32 $-Inf;
	v12 =	vimm.s32 $0x0  }
0x1a: {  	v7 =	vimm.s32 $0x0;
	v5 =	vimm.s32 $0x0;
	v14 =	vimm.s32 $0x0  }
0x1b: {  	v25 =	vimm.f32 $-Inf;
	v24 =	vimm.f32 $-Inf;
	s15 =	simm.s32 $0x0;
	v4 =	vor.u32 $0x1, v2  }
0x1c: {  	v10 =	vimm.s32 $0x0;
	v27 =	vadd.s32 s15, v4;
	vm4 =	vgt.f32 v18, v19  }
0x1d: {  	vm1 =	vgt.f32 v18, v19;
	vm0 =	vgt.f32 v18, v19;
	v11 =	vsel vm4, s15, v9  }
0x1e: {  	v16 =	vsel vm4, v18, v19;
	v26 =	vsel vm4, v19, v18;
	v17 =	vnsel vm4, s15, v9  }
0x1f: {  	v15 =	vnsel vm0, s15, v9;
	v8 =	vnsel vm4, s15, v9;
	v3 =	vnsel vm0, s15, v9  }
0x20: {  	v28 =	vsel vm0, v19, v18;
	vm5 =	vmmov vm4;
	vm7 =	vmmov vm0  }
0x21: {  	vm6 =	vmmov vm0;
	vm3 =	vmmov vm0;
	vm2 =	vmmov vm4  }
0x22: {  	s16 =	simm.s32 $0x1;
	v23 =	vsel vm4, v26, v19;
	v22 =	vsel vm0, v26, v19;
	v3 =	vsel vm0, v3, v9  }
.LBB2_3:
0x23: {  	v29 =	vld.idx.msk [tilespmem:v27+s2+$0x0], $0xffff;
	p0 =	sne.s32 s16, $0x3F;
	v27 =	vnsel vm4, s15, v9;
	v30 =	vsel vm1, v19, v18;
	v31 =	vsel vm0, v21, v18;
	v9 =	vmovc v11;
	s17 =	smov.u32 s16;
	s16 =	sadd.s32 $0x1, s16  }
0x24: {  	v13 =	vsel vm5, v27, v13;
	v27 =	vnsel vm1, s15, v6;
	v20 =	vsel vm7, v31, v20  }
0x25: {  	v12 =	vsel vm6, v17, v12;
	v5 =	vsel vm2, v15, v5;
	v7 =	vsel vm3, v27, v7  }
0x26: {  	v15 =	vnsel vm6, s15, v14;
	v17 =	vsel vm3, v25, v18;
	v25 =	vsel vm3, v30, v25;
	v14 =	vmovc v12;
	s15 =	smov.u32 s17  }
0x27: {  	v21 =	vsel vm0, v26, v21;
	v6 =	vsel vm1, v15, v6;
	v24 =	vsel vm2, v17, v24  }
0x28: {  	v19 =	vsel vm1, v28, v19;
	v10 =	vsel vm0, v8, v10;
	v27 =	vadd.s32 s15, v4  }
0x29: {  	vm4 =	vgt.f32 v29, v16;
	vm5 =	vgt.f32 v29, v23;
	vm2 =	vgt.f32 v29, v24;
	v18 =	vmovc v29  }
0x2a: {  	vm1 =	vgt.f32 v18, v19;
	vm3 =	vgt.f32 v18, v25;
	v11 =	vsel vm4, s15, v11  }
.Ltmp0:
0x2b: {  	vm0 =	vgt.f32 v18, v21;
	v26 =	vsel vm4, v16, v18;
	v16 =	vsel vm4, v18, v16;
	(pc) =	sbr.rel @p0 .LBB2_3-.Ltmp0, $4  }
0x2c: {  	v29 =	vsel vm5, v23, v18;
	v17 =	vnsel vm5, s15, v13;
	v15 =	vnsel vm3, s15, v7  }
0x2d: {  	vm6 =	vgt.f32 v18, v22;
	v8 =	vnsel vm2, s15, v5;
	v30 =	vnsel vm0, s15, v10  }
0x2e: {  	vm7 =	vgt.f32 v18, v20;
	v23 =	vsel vm5, v26, v23;
	v28 =	vsel vm6, v22, v18  }
0x2f: {  	v22 =	vsel vm6, v29, v22;
	v26 =	vsel vm2, v24, v18;
	v3 =	vsel vm7, v30, v3  }
0x30: {  	v27 =	vsub.f32 v16, v16  }
0x31: {  	v23 =	vsub.f32 v23, v16  }
0x32: {  	v27 =	vmul.f32 $1.442695020e+00, v27  }
0x33: {  	v22 =	vsub.f32 v22, v16;
	v23 =	vmul.f32 $1.442695020e+00, v23  }
0x34: {  	v28 =	vsel vm1, v28, v19;
	v63 =	vsel vm1, v19, v18;
	(erf) = vpow2.f32 v27  }
0x35: {  	v28 =	vsub.f32 v28, v16;
	v22 =	vmul.f32 $1.442695020e+00, v22;
	(erf) = vpow2.f32 v23  }
0x36: {  	v29 =	vsel vm3, v25, v18;
	v19 =	vsel vm3, v63, v25  }
0x37: {  	v19 =	vsub.f32 v19, v16;
	v30 =	vmul.f32 $1.442695020e+00, v28;
	(erf) = vpow2.f32 v22  }
0x38: {  	v31 =	vsel vm2, v29, v24  }
0x39: {  	v32 =	vsub.f32 v31, v16;
	v19 =	vmul.f32 $1.442695020e+00, v19;
	(erf) = vpow2.f32 v30  }
0x3a: {  	v33 =	vsel vm0, v21, v18;
	v34 =	vsel vm0, v26, v21  }
0x3b: {  	v21 =	vsub.f32 v34, v16;
	v35 =	vmul.f32 $1.442695020e+00, v32;
	(erf) = vpow2.f32 v19  }
0x3c: {  	v18 =	vsel vm7, v33, v20  }
0x3d: {  	v38 =	vsub.f32 v18, v16;
	v37 =	vmul.f32 $1.442695020e+00, v21;
	v36 =	vpop (erf);
	(erf) = vpow2.f32 v35  }
0x3e: {  	v39 =	vpop (erf)  }
0x3f: {  	v16 =	vmul.f32 $1.442695020e+00, v38;
	(erf) = vpow2.f32 v37;
	v40 =	vadd.f32 v39, v36  }
0x40: {  	v41 =	vpop (erf)  }
0x41: {  	(erf) = vpow2.f32 v16;
	v42 =	vadd.f32 v41, v40  }
0x42: {  	v43 =	vpop (erf)  }
0x43: {  	v16 =	vadd.f32 v43, v42  }
0x44: {  	v44 =	vpop (erf)  }
0x45: {  	v16 =	vadd.f32 v44, v16  }
0x46: {  	v45 =	vpop (erf)  }
0x47: {  	v16 =	vadd.f32 v45, v16  }
0x48: {  	v46 =	vpop (erf)  }
0x49: {  	v16 =	vadd.f32 v46, v16  }
0x4a: {  	v47 =	vpop (erf)  }
0x4b: {  	v16 =	vadd.f32 v47, v16;
	_ =	sdelay $0x1  }
0x4c: {  	(erf) = vrcp.f32 v16;
	_ =	sdelay $0x8  }
0x4d: {  	v16 =	vpop (erf)  }
0x4e: {  	v20 =	vmul.f32 v16, v36  }
0x4f: {  	v48 =	vor.u32 $0x2, v2  }
0x50: {  	v18 =	vmul.f32 v16, v39;
	[tilespmem:v2+s11+$0x0] =	vst.idx.msk $0xffff, v20  }
0x51: {  	v9 =	vnsel vm4, s15, v9;
	v49 =	vor.u32 $0x3, v2;
	[tilespmem:v2+s12+$0x0] =	vst.idx.msk $0xffff, v11  }
0x52: {  	v9 =	vsel vm5, v9, v13;
	v50 =	vmul.f32 v16, v41;
	[tilespmem:v4+s11+$0x0] =	vst.idx.msk $0xffff, v18  }
0x53: {  	v51 =	vor.u32 $0x4, v2;
	[tilespmem:v4+s12+$0x0] =	vst.idx.msk $0xffff, v9  }
0x54: {  	v52 =	vsel vm6, v17, v12;
	v53 =	vmul.f32 v16, v43;
	[tilespmem:v48+s11+$0x0] =	vst.idx.msk $0xffff, v50  }
0x55: {  	v54 =	vnsel vm6, s15, v14;
	v55 =	vor.u32 $0x5, v2;
	[tilespmem:v48+s12+$0x0] =	vst.idx.msk $0xffff, v52  }
0x56: {  	v13 =	vsel vm1, v54, v6;
	v56 =	vmul.f32 v16, v44;
	[tilespmem:v49+s11+$0x0] =	vst.idx.msk $0xffff, v53  }
0x57: {  	v57 =	vnsel vm1, s15, v6;
	v58 =	vor.u32 $0x6, v2;
	[tilespmem:v49+s12+$0x0] =	vst.idx.msk $0xffff, v13  }
0x58: {  	v6 =	vsel vm3, v57, v7;
	v59 =	vmul.f32 v16, v45;
	[tilespmem:v51+s11+$0x0] =	vst.idx.msk $0xffff, v56  }
0x59: {  	s14 =	sadd.s32 $0x1, s14;
	v2 =	vor.u32 $0x7, v2;
	[tilespmem:v51+s12+$0x0] =	vst.idx.msk $0xffff, v6  }
0x5a: {  	v60 =	vsel vm2, v15, v5;
	p0 =	sne.s32 s14, $0x4;
	v61 =	vmul.f32 v16, v46;
	[tilespmem:v55+s11+$0x0] =	vst.idx.msk $0xffff, v59  }
.Ltmp1:
0x5b: {  	[tilespmem:v55+s12+$0x0] =	vst.idx.msk $0xffff, v60;
	(pc) =	sbr.rel @p0 .LBB2_2-.Ltmp1, $4  }
0x5c: {  	v62 =	vsel vm0, v8, v10;
	v63 =	vmul.f32 v16, v47;
	[tilespmem:v58+s11+$0x0] =	vst.idx.msk $0xffff, v61  }
0x5d: {  	[tilespmem:v58+s12+$0x0] =	vst.idx.msk $0xffff, v62  }
0x5e: {  	[tilespmem:v2+s11+$0x0] =	vst.idx.msk $0xffff, v63  }
0x5f: {  	[tilespmem:v2+s12+$0x0] =	vst.idx.msk $0xffff, v3  }
0x60: {  	v1 =	vxor.u32 $0x80000000, v1  }
0x61: {  	(xrf0) =	vmax.scan.msk.u32 $0xffff, v1;
	_ =	sdelay $0x5  }
0x62: {  	v1, _, _ =	vpop (xrf0)  }
0x63: {  	(v2sf) =	vpush v1, $0xF;
	_ =	sdelay $0xe  }
0x64: {  	s14 =	spop (v2sf)  }
0x65: {  	s14 =	sadd.s32 s4, s14  }
0x66: {  	s14 =	sshll.u32 s14, $0x4  }
0x67: {  	s15 =	sadd.s32 s5, s14  }
0x68: {  	[hbm4b:s15+s2] =	stream.linear.scatter [tilespmem:s12], [sflag:$0x1], $0x2000, $0x38;
	[tilespmem:$0x6080] =	vst v63  }
0x69: {  	s13 =	sadd.s32 $0x1, s13;
	_ =	swait.ge [sflag:s10], $0x2000  }
0x6a: {  	p0 =	sne.s32 s13, s8;
	[sflag:s10] =	ssyncset.done $0x0  }
.Ltmp2:
0x6b: {  	s14 =	sadd.s32 s6, s14;
	[sflag:s10] =	ssyncadd.s32 $0xFFFFE000;
	(pc) =	sbr.rel @p0 .LBB2_1-.Ltmp2, $4  }
0x6c: {  	[hbm4b:s14+s2] =	stream.linear.scatter [tilespmem:s11], [sflag:$0x1], $0x2000, $0x38;
	[tilespmem:$0x6080] =	vst v63  }
0x6d: {  	_ =	swait.ge [sflag:s10], $0x2000  }
0x6e: {  	[sflag:s10] =	ssyncset.done $0x0  }
0x6f: {  	[sflag:s10] =	ssyncadd.s32 $0xFFFFE000  }
0x70: {  	_ =	sfence.sel $0x180000  }
0x71: {  	[bflag:$0x0] =	sbarrier.arrive $0xFFFF  }
0x72: {  	p0 =	sne.s32 s1, $0x0;
	_ =	strace $0x90000053  }
0x73: {  	s0 =	sadd.s32 @!p0 $0x100000, s0;
	[bflag:$0x2] =	sbarrier.arrive $0xFFFF  }
0x74: {  	[sflag:s0] =	ssyncadd.tile.s32 @!p0 $0x1;
	_ =	shalt  }
.Lfunc_end2:
_tile_overlayer_lowered:
.L_overlay_start_2:
0x75: {  	(tag) =	ssettag $0x2  }
0x76: {  	s0 =	rddreg [dreg:$0x0];
	s2 =	stileid.u32  }
0x77: {  	s1 =	rddreg [dreg:$0x1];
	p0 =	sne.s32 s2, $0x0  }
0x78: {  	s3 =	rddreg [dreg:$0x2];
	[bflag:$0x3] =	sbarrier.arrive $0xFFFF;
	s2 =	simm.s32 @!p0 $0x1C01  }
0x79: {  	[timem:s3], [sflag:s2] =	dma.local @!p0 [hbm:s0], s1  }
0x7a: {  	s0 =	simm.s32 @!p0 $0x1  }
0x7b: {  	_ =	swait.ge @!p0 [sflag:s0], s1  }
0x7c: {  	s1 =	ssub.s32 @!p0 $0x0, s1;
	[sflag:s0] =	ssyncset.done @!p0 $0x0  }
0x7d: {  	[sflag:s0] =	ssyncadd.s32 @!p0 s1  }
0x7e: {  	[bflag:$0x3] =	sbarrier.arrive $0xFFFF  }
0x7f: {  	_ =	shalt  }

// kernel: kernel.29.cloned.1.call-start
scs
__scs_entry_jumppad:
0x0: {  	(pc) =	sbr.rel $0x88, $3  }
0x1: {  	(tag) =	ssettag $0x0;
	lr =	simm.s32 $0x1  }
0x2: {  	[smem:$0x3F9E] =	sst lr;
	_ =	strace $0xD0000000  }
0x3: {  	_ = 	snop  }
0x4: {  	_ = 	snop  }
0x5: {  	_ = 	snop  }
0x6: {  	_ = 	snop  }
0x7: {  	_ = 	snop  }
__scs_overlays_trampoline_lowered:
0x8: {  	[smem:$0x3FAD] =	sst s0  }
0x9: {  	[smem:$0x3FAE] =	sst s1  }
0xa: {  	[smem:$0x3FAF] =	sst s2  }
0xb: {  	[smem:$0x3FB0] =	sst s3  }
0xc: {  	[smem:$0x3FB1] =	sst s4  }
0xd: {  	[smem:$0x3FB2] =	sst s5  }
0xe: {  	[smem:$0x3FB3] =	sst s6  }
0xf: {  	[smem:$0x3FB4] =	sst s7  }
0x10: {  	[smem:$0x3FB5] =	sst s8  }
0x11: {  	[smem:$0x3FB6] =	sst s9;
	s0 =	simm.s32 @!p0 $0x0  }
0x12: {  	s1 =	sld [smem:$0x3F9C];
	s0 =	simm.s32 @p0 $0x1  }
0x13: {  	[smem:$0x3FB7] =	sst s0;
	s0 =	simm.s32 @!p1 $0x0  }
0x14: {  	s2 =	sld [smem:$0x3F9B];
	s0 =	simm.s32 @p1 $0x1  }
0x15: {  	[smem:$0x3FB8] =	sst s0;
	s0 =	simm.s32 @!p2 $0x0  }
0x16: {  	s3 =	sld [smem:$0x3FDB];
	s0 =	simm.s32 @p2 $0x1  }
0x17: {  	s4 =	simm.s32 $0x1BF5;
	[smem:$0x3FBA] =	sst s0  }
0x18: {  	s0 =	sld [smem:$0x3F9D];
	_ =	swait.ge [sflag:s4], $0x0  }
0x19: {  	s7 =	sld [smem:$0x3F9E]  }
0x1a: {  	s8 =	sadd.s32 $0xFFFFE003, lr  }
0x1b: {  	s9 =	sadd.s32 $0xFFFFFEF7, lr;
	s5 =	simm.s32 $0xFFFFFFFF;
	p2 =	slt.u32 s8, $0xFFFFF086  }
0x1c: {  	p1 =	slt.u32 s9, $0xF7A;
	s5 =	simm.s32 @!p2 $0x0  }
0x1d: {  	s5 =	simm.s32 @p1 $0x1;
	p0 =	seq.s32 s7, s2  }
0x1e: {  	s7 =	smul.u32 @!p0 $0xF7A, s2;
	p2 =	seq.s32 @!p0 s5, $0x0  }
0x1f: {  	s9 =	smul.u32 $0xF7A, s1;
	s8 =	simm.s32 @!p0 $0x1BF5;
	p2 =	por !p2, p0  }
0x20: {  	[sflag:s8] =	ssyncset.s32 @!p0 $0xFFFFF086;
	s6 =	sadd.s32 @!p0 s3, s7;
	s7 =	simm.s32 @!p0 $0x108  }
0x21: {  	s3 =	sadd.s32 s3, s9;
	s6 =	sadd.s32 @!p0 $0x88, s6;
	s7 =	simm.s32 @p2 $0x1082  }
0x22: {  	[simem:s7], [sflag:s8] =	dma.local @!p0 [hbm:s6], $0xF7A  }
0x23: {  	s9 =	sor.u32 $0xD0000000, s2;
	s6 =	simm.s32 $0x108;
	_ =	swait.ge @!p0 [sflag:s8], $0x0  }
0x24: {  	s3 =	sadd.s32 $0x88, s3;
	s6 =	simm.s32 @!p1 $0x1082;
	[sflag:s4] =	ssyncset.s32 $0xFFFFF086  }
0x25: {  	[simem:s6], [sflag:s4] =	dma.local [hbm:s3], $0xF7A  }
0x26: {  	[smem:$0x3F9E] =	sst s1;
	(tag) =	ssettag s2;
	_ =	strace s9  }
0x27: {  	s1 =	sld [smem:$0x3FAE]  }
0x28: {  	s2 =	sld [smem:$0x3FAF]  }
0x29: {  	s4 =	sld [smem:$0x3FB1]  }
0x2a: {  	p0 =	seq.s32 s5, $0x0;
	s5 =	sld [smem:$0x3FB2]  }
0x2b: {  	s6 =	sld [smem:$0x3FB3]  }
0x2c: {  	s7 =	sld [smem:$0x3FB4]  }
0x2d: {  	s3 =	simm.s32 $0x108;
	s8 =	sld [smem:$0x3FB5]  }
0x2e: {  	s3 =	simm.s32 @!p0 $0x1082;
	s9 =	sld [smem:$0x3FB6]  }
0x2f: {  	lr =	sadd.s32 s0, s3;
	s0 =	sld [smem:$0x3FAD]  }
0x30: {  	s3 =	sld [smem:$0x3FB0]  }
0x31: {  	[smem:$0x3FB9] =	sst s10  }
0x32: {  	s10 =	sld [smem:$0x3FB7];
	_ =	sdelay $0x3  }
0x33: {  	p0 =	seq.s32 s10, $0x1;
	s10 =	sld [smem:$0x3FB9];
	_ =	sdelay $0x3  }
0x34: {  	[smem:$0x3FB9] =	sst s10  }
0x35: {  	s10 =	sld [smem:$0x3FB8];
	_ =	sdelay $0x3  }
0x36: {  	p1 =	seq.s32 s10, $0x1;
	s10 =	sld [smem:$0x3FB9];
	_ =	sdelay $0x3  }
0x37: {  	[smem:$0x3FB9] =	sst s10  }
0x38: {  	s10 =	sld [smem:$0x3FBA]  }
0x39: {  	_ = 	snop;
	(pc) =	sbr.ind lr, $3  }
0x3a: {  	_ = 	snop  }
0x3b: {  	_ = 	snop  }
0x3c: {  	p2 =	seq.s32 s10, $0x1;
	s10 =	sld [smem:$0x3FB9]  }
0x3d: {  	_ =	shalt  }
0x3e: {  	_ =	shalt  }
0x3f: {  	_ =	shalt  }
0x40: {  	_ =	shalt  }
0x41: {  	_ =	shalt  }
0x42: {  	_ =	shalt  }
0x43: {  	_ =	shalt  }
0x44: {  	_ =	shalt  }
0x45: {  	_ =	shalt  }
0x46: {  	_ =	shalt  }
0x47: {  	_ =	shalt  }
0x48: {  	_ =	shalt  }
0x49: {  	_ =	shalt  }
0x4a: {  	_ =	shalt  }
0x4b: {  	_ =	shalt  }
0x4c: {  	_ =	shalt  }
0x4d: {  	_ =	shalt  }
0x4e: {  	_ =	shalt  }
0x4f: {  	_ =	shalt  }
0x50: {  	_ =	shalt  }
0x51: {  	_ =	shalt  }
0x52: {  	_ =	shalt  }
0x53: {  	_ =	shalt  }
0x54: {  	_ =	shalt  }
0x55: {  	_ =	shalt  }
0x56: {  	_ =	shalt  }
0x57: {  	_ =	shalt  }
0x58: {  	_ =	shalt  }
0x59: {  	_ =	shalt  }
0x5a: {  	_ =	shalt  }
0x5b: {  	_ =	shalt  }
0x5c: {  	_ =	shalt  }
0x5d: {  	_ =	shalt  }
0x5e: {  	_ =	shalt  }
0x5f: {  	_ =	shalt  }
0x60: {  	_ =	shalt  }
0x61: {  	_ =	shalt  }
0x62: {  	_ =	shalt  }
0x63: {  	_ =	shalt  }
0x64: {  	_ =	shalt  }
0x65: {  	_ =	shalt  }
0x66: {  	_ =	shalt  }
0x67: {  	_ =	shalt  }
0x68: {  	_ =	shalt  }
0x69: {  	_ =	shalt  }
0x6a: {  	_ =	shalt  }
0x6b: {  	_ =	shalt  }
0x6c: {  	_ =	shalt  }
0x6d: {  	_ =	shalt  }
0x6e: {  	_ =	shalt  }
0x6f: {  	_ =	shalt  }
0x70: {  	_ =	shalt  }
0x71: {  	_ =	shalt  }
0x72: {  	_ =	shalt  }
0x73: {  	_ =	shalt  }
0x74: {  	_ =	shalt  }
0x75: {  	_ =	shalt  }
0x76: {  	_ =	shalt  }
0x77: {  	_ =	shalt  }
0x78: {  	_ =	shalt  }
0x79: {  	_ =	shalt  }
0x7a: {  	_ =	shalt  }
0x7b: {  	_ =	shalt  }
0x7c: {  	_ =	shalt  }
0x7d: {  	_ =	shalt  }
0x7e: {  	_ =	shalt  }
0x7f: {  	_ =	shalt  }
0x80: {  	_ =	shalt  }
0x81: {  	_ =	shalt  }
0x82: {  	_ =	shalt  }
0x83: {  	_ =	shalt  }
0x84: {  	_ =	shalt  }
0x85: {  	_ =	shalt  }
0x86: {  	_ =	shalt  }
0x87: {  	_ =	shalt  }
.Lfunc_end0:
.L_simem_size_0:
called_computation.5_lowered:
.L_overlay_start_0:
0x88: {  	s2 =	sld [smem:$0x3FD9]  }
0x89: {  	s3 =	sld [smem:$0x3FFE];
	_ =	sdelay $0x1  }
0x8a: {  	s1 =	srdreg.scid  }
0x8b: {  	s0 =	sand.u32 $0x1, s1  }
0x8c: {  	s14 =	sshll.u32 s0, $0xA;
	s2 =	sadd.s32 s3, s2  }
0x8d: {  	s2 =	sadd.s32 s2, s14  }
0x8e: {  	[smem:$0x3FC5] =	sst s2  }
0x8f: {  	_ = 	snop  }
0x90: {  	s2 =	sld [smem:$0x3FD0];
	_ =	sdelay $0x2  }
0x91: {  	s15 =	simm.s32 $0xA;
	s4 =	simm.s32 $0x10  }
0x92: {  	[smem:s4], [sflag:s15] =	dma.local [hbm:s2], $0x1  }
0x93: {  	_ =	swait.eq [sflag:s15], $0x1  }
0x94: {  	[sflag:s15] =	ssyncset.done $0x0  }
0x95: {  	s16 =	sld [smem:$0x10];
	[sflag:s15] =	ssyncadd.s32 $0xFFFFFFFF  }
0x96: {  	s17 =	sld [smem:$0x11];
	(tm) =	ssettm $0x1  }
0x97: {  	s18 =	sld [smem:$0x3FFB];
	_ =	sdelay $0x3  }
0x98: {  	_ =	strace s18  }
0x99: {  	s4 =	sld [smem:$0x3FFC];
	_ =	sdelay $0x3  }
0x9a: {  	_ =	strace s4  }
0x9b: {  	s4 =	sld [smem:$0x3FFD];
	_ =	sdelay $0x3  }
0x9c: {  	_ =	strace s4  }
0x9d: {  	_ =	strace $0x8FFFFFFF  }
0x9e: {  	s19 =	sld [smem:$0x3FDB];
	_ =	sdelay $0x1  }
0x9f: {  	s5 =	simm.s32 $_scs_section_size  }
0xa0: {  	s6 =	simm.s32 $_size__tile_overlayer_lowered;
	s7 =	simm.s32 $_tile_overlayer_lowered  }
0xa1: {  	s22 =	simm.s32 $0x1BFF;
	s21 =	sshll.u32 s7, $0x1;
	s4 =	sadd.s32 s5, s19  }
0xa2: {  	s8 =	simm.s32 $0x0;
	s20 =	sshll.u32 s6, $0x1;
	s6 =	sadd.s32 s21, s4  }
0xa3: {  	[timem:s8], [sflag:s22] =	dma.local [hbm:s6], s20  }
0xa4: {  	_ =	swait.ge [sflag:s22], s20  }
0xa5: {  	s5 =	ssub.s32 $0x0, s20;
	[sflag:s22] =	ssyncset.done $0x0  }
0xa6: {  	[sflag:s22] =	ssyncadd.s32 s5;
	_ =	sdelay $0x1  }
0xa7: {  	s23 =	simm.s32 $0x1B8B  }
0xa8: {  	_ =	swait.ge [sflag:s23], $0x1  }
0xa9: {  	[sflag:s23] =	ssyncset.done $0x0  }
0xaa: {  	s25 =	simm.s32 $0x1B8E;
	s24 =	sld [smem:$0x3FFE];
	[sflag:s23] =	ssyncadd.s32 $0xFFFFFFFF  }
0xab: {  	s26 =	simm.s32 $execute0_lowered;
	[smem:$0x3FD2] =	sst s25  }
0xac: {  	s6 =	sshll.u32 s26, $0x1;
	_ =	strace $0x80000055;
	[dreg:$0x1] =	wrdreg $0xFFFFFFFF  }
0xad: {  	s28 =	simm.s32 $_size_execute0_lowered;
	s4 =	sadd.s32 s4, s6;
	[dreg:$0x0] =	wrdreg $0x0  }
0xae: {  	s6 =	sshll.u32 s28, $0x1;
	[dreg:$0x2] =	wrdreg s4  }
0xaf: {  	[dreg:$0x3] =	wrdreg s6  }
0xb0: {  	[dreg:$0x4] =	wrdreg $0xC0  }
0xb1: {  	_ =	task [dreg:s8], $0x5FFFF  }
0xb2: {  	[dreg:$0x1] =	wrdreg $0xFFFFFFFF  }
0xb3: {  	[dreg:$0x0] =	wrdreg $0x60  }
0xb4: {  	[dreg:$0x2] =	wrdreg s16  }
0xb5: {  	[dreg:$0x3] =	wrdreg s17  }
0xb6: {  	[dreg:$0x4] =	wrdreg s24  }
0xb7: {  	[dreg:$0x5] =	wrdreg $0x9  }
0xb8: {  	_ =	task.clear_ibuf [dreg:s8], $0x6FFFF;
	_ =	strace $0x90000055  }
0xb9: {  	s29 =	simm.s32 $0x9;
	_ =	strace $0x80000057  }
0xba: {  	_ =	swait.ge [sflag:s29], $0x1  }
0xbb: {  	[sflag:s29] =	ssyncadd.s32 $0xFFFFFFFF  }
0xbc: {  	_ =	strace $0x90000057  }
0xbd: {  	_ =	sfence  }
0xbe: {  	s30 =	sld [smem:$0x0];
	_ =	sdelay $0x2  }
0xbf: {  	s31 =	sshll.u32 s1, $0xD;
	s1 =	sshrl.u32 s1, $0x2  }
0xc0: {  	s3 =	sand.u32 $0x4000, s31;
	s1 =	sadd.s32 s1, s30  }
0xc1: {  	s0 =	sor.u32 s3, s0;
	s1 =	sshll.u32 s1, $0x11  }
0xc2: {  	s0 =	sor.u32 s1, s0  }
0xc3: {  	s0 =	sadd.s32 $0x8F2B, s0  }
0xc4: {  	[sflag:s0] =	ssyncadd.remote.s32 $0x1  }
0xc5: {  	_ =	sfence.sel $0xFFFF  }
0xc6: {  	[dreg:$0x0] =	wrdreg $0xFFFFFFFF;
	(pc) =	sbr.abs _section_cstart, $3  }
0xc7: {  	[dreg:$0x1] =	wrdreg $0xFFFFFFFF  }
0xc8: {  	_ =	task.clear_ibuf [dreg:s8], $0x2FFFF;
	_ =	strace $0x9FFFFFFF  }
0xc9: {  	(tm) =	ssettm $0x7FFFFFFF  }
tec
execute0_lowered:
.L_overlay_start_1:
0x0: {  	(tag) =	ssettag $0x1  }
0x1: {  	s1 =	rddreg [dreg:$0x0]  }
0x2: {  	s7 =	rddreg [dreg:$0x1]  }
0x3: {  	s6 =	rddreg [dreg:$0x2]  }
0x4: {  	s0 =	rddreg [dreg:$0x3];
	s4 =	srdreg.scid  }
0x5: {  	s3 =	simm.s32 $0x0;
	s2 =	stileid.u32;
	s11 =	simm.s32 $0x4000  }
0x6: {  	s12 =	simm.s32 $0x2000;
	s13 =	simm.s32 $0x0;
	s4 =	sand.u32 $0x1, s4  }
0x7: {  	[smem:$0x7FF] =	sst s3;
	s5 =	sshll.u32 s2, $0x7;
	s8 =	sshll.u32 s4, $0x6  }
0x8: {  	_ =	strace $0x80000056;
	s9 =	ssub.s32 $0x2, s4;
	s4 =	sor.u32 s8, s5  }
0x9: {  	s5 =	sadd.s32 $0x4000, s6;
	s31 =	sshrl.u32 s9, $0x1;
	s6 =	sadd.s32 $0x84000, s6  }
0xa: {  	v0 =	vlaneseq.u32;
	s10 =	sshll.u32 s4, $0x4;
	s8 =	ssub.s32 s9, s31;
	s9 =	simm.s32 $0x6000  }
0xb: {  	v0 =	vmul.u32 $0x80, v0;
	s7 =	sadd.s32 s7, s10;
	s8 =	smax.u32 s8, $0x1;
	s10 =	simm.s32 $0x1  }
.LBB2_1:
0xc: {  	[tilespmem:s9], [sflag:$0x1] =	stream.linear.gather [hbm4b:s1+s3], $0x80, $0x38;
	[tilespmem:$0x6080] =	vst v63  }
0xd: {  	_ =	swait.ge [sflag:s10], $0x80  }
0xe: {  	[sflag:s10] =	ssyncset.done $0x0  }
0xf: {  	[sflag:s10] =	ssyncadd.s32 $0xFFFFFF80  }
0x10: {  	v1 =	vld [tilespmem:$0x6000];
	[tilespmem:s3], [sflag:$0x1] =	stream.linear.gather [hbm4b:s7+s3], $0x2000, $0x38  }
0x11: {  	_ =	swait.ge [sflag:s10], $0x2000  }
0x12: {  	[sflag:s10] =	ssyncset.done $0x0  }
0x13: {  	s14 =	simm.s32 $0x0;
	[sflag:s10] =	ssyncadd.s32 $0xFFFFE000  }
.LBB2_2:
0x14: {  	s15 =	sshll.u32 s14, $0x4  }
0x15: {  	v2 =	vmov s15  }
0x16: {  	v2 =	vshll.u32 v2, $0x7  }
0x17: {  	v2 =	vor.u32 v0, v2;
	_ =	sdelay $0x4  }
0x18: {  	v19 =	vimm.f32 $-Inf;
	v18 =	vld.idx.msk [tilespmem:v2+s3+$0x0], $0xffff  }
0x19: {  	v9 =	vimm.s32 $0x0;
	v21 =	vimm.f32 $-Inf;
	v13 =	vimm.s32 $0x0  }
0x1a: {  	v6 =	vimm.s32 $0x0;
	v20 =	vimm.f32 $-Inf;
	v12 =	vimm.s32 $0x0  }
0x1b: {  	v7 =	vimm.s32 $0x0;
	v5 =	vimm.s32 $0x0;
	v14 =	vimm.s32 $0x0  }
0x1c: {  	v25 =	vimm.f32 $-Inf;
	v24 =	vimm.f32 $-Inf;
	s15 =	simm.s32 $0x0;
	v4 =	vor.u32 $0x1, v2  }
0x1d: {  	v10 =	vimm.s32 $0x0;
	v27 =	vadd.s32 s15, v4;
	vm4 =	vgt.f32 v18, v19  }
0x1e: {  	vm1 =	vgt.f32 v18, v19;
	vm0 =	vgt.f32 v18, v19;
	v11 =	vsel vm4, s15, v9  }
0x1f: {  	v16 =	vsel vm4, v18, v19;
	v26 =	vsel vm4, v19, v18;
	v17 =	vnsel vm4, s15, v9  }
0x20: {  	v15 =	vnsel vm0, s15, v9;
	v8 =	vnsel vm4, s15, v9;
	v3 =	vnsel vm0, s15, v9  }
0x21: {  	v28 =	vsel vm0, v19, v18;
	vm5 =	vmmov vm4;
	vm7 =	vmmov vm0  }
0x22: {  	vm6 =	vmmov vm0;
	vm3 =	vmmov vm0;
	vm2 =	vmmov vm4  }
0x23: {  	s16 =	simm.s32 $0x1;
	v23 =	vsel vm4, v26, v19;
	v22 =	vsel vm0, v26, v19;
	v3 =	vsel vm0, v3, v9  }
.LBB2_3:
0x24: {  	v29 =	vld.idx.msk [tilespmem:v27+s3+$0x0], $0xffff;
	p0 =	sne.s32 s16, $0x3F;
	v27 =	vnsel vm4, s15, v9;
	v30 =	vsel vm1, v19, v18;
	v31 =	vsel vm0, v21, v18;
	v9 =	vmovc v11;
	s17 =	smov.u32 s16;
	s16 =	sadd.s32 $0x1, s16  }
0x25: {  	v13 =	vsel vm5, v27, v13;
	v27 =	vnsel vm1, s15, v6;
	v20 =	vsel vm7, v31, v20  }
0x26: {  	v12 =	vsel vm6, v17, v12;
	v5 =	vsel vm2, v15, v5;
	v7 =	vsel vm3, v27, v7  }
0x27: {  	v15 =	vnsel vm6, s15, v14;
	v17 =	vsel vm3, v25, v18;
	v25 =	vsel vm3, v30, v25;
	v14 =	vmovc v12;
	s15 =	smov.u32 s17  }
0x28: {  	v21 =	vsel vm0, v26, v21;
	v6 =	vsel vm1, v15, v6;
	v24 =	vsel vm2, v17, v24  }
0x29: {  	v19 =	vsel vm1, v28, v19;
	v10 =	vsel vm0, v8, v10;
	v27 =	vadd.s32 s15, v4  }
0x2a: {  	vm4 =	vgt.f32 v29, v16;
	vm5 =	vgt.f32 v29, v23;
	vm2 =	vgt.f32 v29, v24;
	v18 =	vmovc v29  }
0x2b: {  	vm1 =	vgt.f32 v18, v19;
	vm3 =	vgt.f32 v18, v25;
	v11 =	vsel vm4, s15, v11  }
.Ltmp0:
0x2c: {  	vm0 =	vgt.f32 v18, v21;
	v26 =	vsel vm4, v16, v18;
	v16 =	vsel vm4, v18, v16;
	(pc) =	sbr.rel @p0 .LBB2_3-.Ltmp0, $4  }
0x2d: {  	v29 =	vsel vm5, v23, v18;
	v17 =	vnsel vm5, s15, v13;
	v15 =	vnsel vm3, s15, v7  }
0x2e: {  	vm6 =	vgt.f32 v18, v22;
	v8 =	vnsel vm2, s15, v5;
	v30 =	vnsel vm0, s15, v10  }
0x2f: {  	vm7 =	vgt.f32 v18, v20;
	v23 =	vsel vm5, v26, v23;
	v28 =	vsel vm6, v22, v18  }
0x30: {  	v22 =	vsel vm6, v29, v22;
	v26 =	vsel vm2, v24, v18;
	v3 =	vsel vm7, v30, v3  }
0x31: {  	v27 =	vsub.f32 v16, v16  }
0x32: {  	v23 =	vsub.f32 v23, v16  }
0x33: {  	v27 =	vmul.f32 $1.442695020e+00, v27  }
0x34: {  	v22 =	vsub.f32 v22, v16;
	v23 =	vmul.f32 $1.442695020e+00, v23  }
0x35: {  	v28 =	vsel vm1, v28, v19;
	v63 =	vsel vm1, v19, v18;
	(erf) = vpow2.f32 v27  }
0x36: {  	v28 =	vsub.f32 v28, v16;
	v22 =	vmul.f32 $1.442695020e+00, v22;
	(erf) = vpow2.f32 v23  }
0x37: {  	v29 =	vsel vm3, v25, v18;
	v19 =	vsel vm3, v63, v25  }
0x38: {  	v19 =	vsub.f32 v19, v16;
	v30 =	vmul.f32 $1.442695020e+00, v28;
	(erf) = vpow2.f32 v22  }
0x39: {  	v31 =	vsel vm2, v29, v24  }
0x3a: {  	v32 =	vsub.f32 v31, v16;
	v19 =	vmul.f32 $1.442695020e+00, v19;
	(erf) = vpow2.f32 v30  }
0x3b: {  	v33 =	vsel vm0, v21, v18;
	v34 =	vsel vm0, v26, v21  }
0x3c: {  	v21 =	vsub.f32 v34, v16;
	v35 =	vmul.f32 $1.442695020e+00, v32;
	(erf) = vpow2.f32 v19  }
0x3d: {  	v18 =	vsel vm7, v33, v20  }
0x3e: {  	v38 =	vsub.f32 v18, v16;
	v37 =	vmul.f32 $1.442695020e+00, v21;
	v36 =	vpop (erf);
	(erf) = vpow2.f32 v35  }
0x3f: {  	v39 =	vpop (erf)  }
0x40: {  	v16 =	vmul.f32 $1.442695020e+00, v38;
	(erf) = vpow2.f32 v37;
	v40 =	vadd.f32 v39, v36  }
0x41: {  	v41 =	vpop (erf)  }
0x42: {  	(erf) = vpow2.f32 v16;
	v42 =	vadd.f32 v41, v40  }
0x43: {  	v43 =	vpop (erf)  }
0x44: {  	v16 =	vadd.f32 v43, v42  }
0x45: {  	v44 =	vpop (erf)  }
0x46: {  	v16 =	vadd.f32 v44, v16  }
0x47: {  	v45 =	vpop (erf)  }
0x48: {  	v16 =	vadd.f32 v45, v16  }
0x49: {  	v46 =	vpop (erf)  }
0x4a: {  	v16 =	vadd.f32 v46, v16  }
0x4b: {  	v47 =	vpop (erf)  }
0x4c: {  	v16 =	vadd.f32 v47, v16;
	_ =	sdelay $0x1  }
0x4d: {  	(erf) = vrcp.f32 v16;
	_ =	sdelay $0x8  }
0x4e: {  	v16 =	vpop (erf)  }
0x4f: {  	v20 =	vmul.f32 v16, v36  }
0x50: {  	v48 =	vor.u32 $0x2, v2  }
0x51: {  	v18 =	vmul.f32 v16, v39;
	[tilespmem:v2+s11+$0x0] =	vst.idx.msk $0xffff, v20  }
0x52: {  	v9 =	vnsel vm4, s15, v9;
	v49 =	vor.u32 $0x3, v2;
	[tilespmem:v2+s12+$0x0] =	vst.idx.msk $0xffff, v11  }
0x53: {  	v9 =	vsel vm5, v9, v13;
	v50 =	vmul.f32 v16, v41;
	[tilespmem:v4+s11+$0x0] =	vst.idx.msk $0xffff, v18  }
0x54: {  	v51 =	vor.u32 $0x4, v2;
	[tilespmem:v4+s12+$0x0] =	vst.idx.msk $0xffff, v9  }
0x55: {  	v52 =	vsel vm6, v17, v12;
	v53 =	vmul.f32 v16, v43;
	[tilespmem:v48+s11+$0x0] =	vst.idx.msk $0xffff, v50  }
0x56: {  	v54 =	vnsel vm6, s15, v14;
	v55 =	vor.u32 $0x5, v2;
	[tilespmem:v48+s12+$0x0] =	vst.idx.msk $0xffff, v52  }
0x57: {  	v13 =	vsel vm1, v54, v6;
	v56 =	vmul.f32 v16, v44;
	[tilespmem:v49+s11+$0x0] =	vst.idx.msk $0xffff, v53  }
0x58: {  	v57 =	vnsel vm1, s15, v6;
	v58 =	vor.u32 $0x6, v2;
	[tilespmem:v49+s12+$0x0] =	vst.idx.msk $0xffff, v13  }
0x59: {  	v6 =	vsel vm3, v57, v7;
	v59 =	vmul.f32 v16, v45;
	[tilespmem:v51+s11+$0x0] =	vst.idx.msk $0xffff, v56  }
0x5a: {  	s14 =	sadd.s32 $0x1, s14;
	v2 =	vor.u32 $0x7, v2;
	[tilespmem:v51+s12+$0x0] =	vst.idx.msk $0xffff, v6  }
0x5b: {  	v60 =	vsel vm2, v15, v5;
	p0 =	sne.s32 s14, $0x4;
	v61 =	vmul.f32 v16, v46;
	[tilespmem:v55+s11+$0x0] =	vst.idx.msk $0xffff, v59  }
.Ltmp1:
0x5c: {  	[tilespmem:v55+s12+$0x0] =	vst.idx.msk $0xffff, v60;
	(pc) =	sbr.rel @p0 .LBB2_2-.Ltmp1, $4  }
0x5d: {  	v62 =	vsel vm0, v8, v10;
	v63 =	vmul.f32 v16, v47;
	[tilespmem:v58+s11+$0x0] =	vst.idx.msk $0xffff, v61  }
0x5e: {  	[tilespmem:v58+s12+$0x0] =	vst.idx.msk $0xffff, v62  }
0x5f: {  	[tilespmem:v2+s11+$0x0] =	vst.idx.msk $0xffff, v63  }
0x60: {  	[tilespmem:v2+s12+$0x0] =	vst.idx.msk $0xffff, v3  }
0x61: {  	v1 =	vxor.u32 $0x80000000, v1  }
0x62: {  	(xrf0) =	vmax.scan.msk.u32 $0xffff, v1;
	_ =	sdelay $0x5  }
0x63: {  	v1, _, _ =	vpop (xrf0)  }
0x64: {  	(v2sf) =	vpush v1, $0xF;
	_ =	sdelay $0xe  }
0x65: {  	s14 =	spop (v2sf)  }
0x66: {  	s14 =	sadd.s32 s4, s14  }
0x67: {  	s14 =	sshll.u32 s14, $0x4  }
0x68: {  	s15 =	sadd.s32 s5, s14  }
0x69: {  	[hbm4b:s15+s3] =	stream.linear.scatter [tilespmem:s12], [sflag:$0x1], $0x2000, $0x38;
	[tilespmem:$0x6080] =	vst v63  }
0x6a: {  	s13 =	sadd.s32 $0x1, s13;
	_ =	swait.ge [sflag:s10], $0x2000  }
0x6b: {  	p0 =	sne.s32 s13, s8;
	[sflag:s10] =	ssyncset.done $0x0  }
.Ltmp2:
0x6c: {  	s14 =	sadd.s32 s6, s14;
	[sflag:s10] =	ssyncadd.s32 $0xFFFFE000;
	(pc) =	sbr.rel @p0 .LBB2_1-.Ltmp2, $4  }
0x6d: {  	[hbm4b:s14+s3] =	stream.linear.scatter [tilespmem:s11], [sflag:$0x1], $0x2000, $0x38;
	[tilespmem:$0x6080] =	vst v63  }
0x6e: {  	_ =	swait.ge [sflag:s10], $0x2000  }
0x6f: {  	[sflag:s10] =	ssyncset.done $0x0  }
0x70: {  	[sflag:s10] =	ssyncadd.s32 $0xFFFFE000  }
0x71: {  	_ =	sfence.sel $0x180000  }
0x72: {  	[bflag:$0x0] =	sbarrier.arrive $0xFFFF  }
0x73: {  	p0 =	sne.s32 s2, $0x0;
	_ =	strace $0x90000056  }
0x74: {  	s0 =	sadd.s32 @!p0 $0x100000, s0;
	[bflag:$0x2] =	sbarrier.arrive $0xFFFF  }
0x75: {  	[sflag:s0] =	ssyncadd.tile.s32 @!p0 $0x1;
	_ =	shalt  }
.Lfunc_end2:
_tile_overlayer_lowered:
.L_overlay_start_2:
0x76: {  	(tag) =	ssettag $0x2  }
0x77: {  	s0 =	rddreg [dreg:$0x0];
	s2 =	stileid.u32  }
0x78: {  	s1 =	rddreg [dreg:$0x1];
	p0 =	sne.s32 s2, $0x0  }
0x79: {  	s3 =	rddreg [dreg:$0x2];
	[bflag:$0x3] =	sbarrier.arrive $0xFFFF;
	s2 =	simm.s32 @!p0 $0x1C01  }
0x7a: {  	[timem:s3], [sflag:s2] =	dma.local @!p0 [hbm:s0], s1  }
0x7b: {  	s0 =	simm.s32 @!p0 $0x1  }
0x7c: {  	_ =	swait.ge @!p0 [sflag:s0], s1  }
0x7d: {  	s1 =	ssub.s32 @!p0 $0x0, s1;
	[sflag:s0] =	ssyncset.done @!p0 $0x0  }
0x7e: {  	[sflag:s0] =	ssyncadd.s32 @!p0 s1  }
0x7f: {  	[bflag:$0x3] =	sbarrier.arrive $0xFFFF  }
0x80: {  	_ =	shalt  }

</sc_bundles>
